<compile_context>
chip_gen: v7x
topology: tpu7x:2x2x1
jax: 0.10.2.dev20260603
libtpu: 0.0.44.dev20260713+nightly
codegen_flags: <defaults>
</compile_context>

<pallas_src>
import functools

import jax
import jax.numpy as jnp
from jax import lax
from jax.experimental import pallas as pl
from jax.experimental.pallas import tpu as pltpu
from jax.experimental.pallas import tpu_sc as plsc

ATOM_DIMS = (119, 5, 12, 12, 10, 6, 6, 2, 2)
NF = len(ATOM_DIMS)
GROUP_DIMS = (640, 1440, 144)
NG = len(GROUP_DIMS)
H = 128
LANES = 16
NC, NS = 2, 16
NW = NC * NS
BLK = 128
NBLK = 25
PERW = BLK * NBLK
NSLOT = 4


def _encoder(xT_hbm, *rest):
    tabs_hbm = rest[:NG]
    out_hbm = rest[NG]
    tabs_spm = rest[NG + 1:2 * NG + 1]
    idx_v = rest[2 * NG + 1]
    fidx = rest[2 * NG + 2]
    acc = rest[2 * NG + 3]
    sem_stage = rest[2 * NG + 4]
    sem_idx = rest[2 * NG + 5]
    sem_g = rest[2 * NG + 6]
    sem_out = rest[2 * NG + 7]

    n = out_hbm.shape[0]
    cid = lax.axis_index("c")
    sid = lax.axis_index("s")
    wid = sid * NC + cid
    my_start = jnp.minimum(wid * PERW, n - PERW)

    for t in range(NF):
        pltpu.async_copy(
            xT_hbm.at[pl.ds(t * n + my_start, PERW)],
            idx_v.at[pl.ds(t * PERW, PERW)], sem_idx)

    @pl.when(sid < 8)
    def _stage_g0():
        s0 = sid * 80
        pltpu.async_copy(tabs_hbm[0].at[pl.ds(s0, 80), :],
                         tabs_spm[0].at[pl.ds(s0, 80), :], sem_stage)

    @pl.when(sid < 15)
    def _stage_g1():
        s1 = sid * 96
        pltpu.async_copy(tabs_hbm[1].at[pl.ds(s1, 96), :],
                         tabs_spm[1].at[pl.ds(s1, 96), :], sem_stage)

    @pl.when(sid == 8)
    def _stage_g2a():
        pltpu.async_copy(tabs_hbm[2].at[pl.ds(0, 64), :],
                         tabs_spm[2].at[pl.ds(0, 64), :], sem_stage)

    @pl.when(sid == 15)
    def _stage_g2b():
        pltpu.async_copy(tabs_hbm[2].at[pl.ds(64, 80), :],
                         tabs_spm[2].at[pl.ds(64, 80), :], sem_stage)

    for t in range(NF):
        pltpu.make_async_copy(
            xT_hbm.at[pl.ds(0, PERW)],
            idx_v.at[pl.ds(t * PERW, PERW)], sem_idx).wait()

    def fuse_block(b):
        for i in range(BLK // LANES):
            off = b * BLK + i * LANES

            def col(t):
                return idx_v[pl.ds(t * PERW + off, LANES)]
            f0 = col(0) * 5 + col(1)
            f1 = col(2) * 120 + col(3) * 10 + col(4)
            f2 = col(5) * 24 + col(6) * 4 + col(7) * 2 + col(8)
            fidx[pl.ds(0 * PERW + off, LANES)] = f0
            fidx[pl.ds(1 * PERW + off, LANES)] = f1
            fidx[pl.ds(2 * PERW + off, LANES)] = f2

    @pl.when(sid < 8)
    def _wait_g0():
        pltpu.make_async_copy(tabs_hbm[0].at[pl.ds(0, 80), :],
                              tabs_spm[0].at[pl.ds(0, 80), :],
                              sem_stage).wait()

    @pl.when(sid < 15)
    def _wait_g1():
        pltpu.make_async_copy(tabs_hbm[1].at[pl.ds(0, 96), :],
                              tabs_spm[1].at[pl.ds(0, 96), :],
                              sem_stage).wait()

    @pl.when(sid == 8)
    def _wait_g2a():
        pltpu.make_async_copy(tabs_hbm[2].at[pl.ds(0, 64), :],
                              tabs_spm[2].at[pl.ds(0, 64), :],
                              sem_stage).wait()

    @pl.when(sid == 15)
    def _wait_g2b():
        pltpu.make_async_copy(tabs_hbm[2].at[pl.ds(0, 80), :],
                              tabs_spm[2].at[pl.ds(0, 80), :],
                              sem_stage).wait()

    fuse_block(0)
    fuse_block(1)

    plsc.subcore_barrier()

    def fire_gathers(k, slot):
        descs = [pltpu.async_copy(
            tabs_spm[0].at[fidx.at[pl.ds(k * BLK, BLK)]],
            acc.at[slot], sem_g)]
        descs += [
            pltpu.async_copy(
                tabs_spm[g].at[fidx.at[pl.ds(g * PERW + k * BLK, BLK)]],
                acc.at[slot], sem_g, add=True)
            for g in range(1, NG)
        ]
        return descs

    def wait_gathers(slot):
        pltpu.make_async_copy(
            tabs_spm[0].at[pl.ds(0, BLK)], acc.at[slot], sem_g).wait()
        for g in range(1, NG):
            pltpu.make_async_copy(
                tabs_spm[g].at[pl.ds(0, BLK)], acc.at[slot], sem_g).wait()

    fire_gathers(0, 0)

    def block_body(k, _):
        cur = lax.rem(k, NSLOT)
        nxt = lax.rem(k + 1, NSLOT)
        start = my_start + k * BLK

        @pl.when(k + 1 < NBLK)
        def _ahead():
            @pl.when(k >= NSLOT - 1)
            def _drain():
                pltpu.make_async_copy(
                    acc.at[nxt], out_hbm.at[pl.ds(0, BLK), :],
                    sem_out.at[nxt]).wait()
            fire_gathers(k + 1, nxt)

        @pl.when(k + 2 < NBLK)
        def _fuse_ahead():
            fuse_block(k + 2)

        wait_gathers(cur)
        pltpu.async_copy(
            acc.at[cur], out_hbm.at[pl.ds(start, BLK), :], sem_out.at[cur])
        return 0

    lax.fori_loop(0, NBLK, block_body, 0, unroll=False)

    for s in range(NSLOT):
        pltpu.make_async_copy(
            acc.at[s], out_hbm.at[pl.ds(0, BLK), :], sem_out.at[s]).wait()


def _fuse_tables(tables):
    t = tables
    g0 = (t[0][:, None, :] + t[1][None, :, :]).reshape(595, H)
    g0 = jnp.concatenate([g0, jnp.zeros((45, H), jnp.float32)])
    g1 = (t[2][:, None, None, :] + t[3][None, :, None, :]
          + t[4][None, None, :, :]).reshape(1440, H)
    g2 = (t[5][:, None, None, None, :] + t[6][None, :, None, None, :]
          + t[7][None, None, :, None, :]
          + t[8][None, None, None, :, :]).reshape(144, H)
    return g0, g1, g2


def kernel(x, tables):
    n = x.shape[0]
    xT = x.T.reshape(-1)
    fused = _fuse_tables(tables)

    mesh = plsc.VectorSubcoreMesh(
        core_axis_name="c", subcore_axis_name="s",
        num_cores=NC, num_subcores=NS,
    )
    run = functools.partial(
        pl.kernel,
        out_type=jax.ShapeDtypeStruct((n, H), jnp.float32),
        mesh=mesh,
        scratch_types=[
            *[pltpu.VMEM_SHARED((d, H), jnp.float32) for d in GROUP_DIMS],
            pltpu.VMEM((NF * PERW,), jnp.int32),
            pltpu.VMEM((NG * PERW,), jnp.int32),
            pltpu.VMEM((NSLOT, BLK, H), jnp.float32),
            pltpu.SemaphoreType.DMA,
            pltpu.SemaphoreType.DMA,
            pltpu.SemaphoreType.DMA,
            pltpu.SemaphoreType.DMA((NSLOT,)),
        ],
    )(_encoder)
    return run(xT, *fused)

# --- scband reference (transcript-rebuilt; emitter-appended) ---
"""Pipeline reference for scband-my-ogbatom-encoder-21122649161813 (READ-ONLY COPY).

The authoritative reference and input builder live on the scoring server;
editing this copy changes nothing except your own understanding.
"""

import jax, jax.numpy as jnp
import numpy as np

# OGB full_atom_feature_dims (ogb.utils.features.get_atom_feature_dims())
FULL_ATOM_FEATURE_DIMS = [119, 5, 12, 12, 10, 6, 6, 2, 2]
HIDDEN = 128
N = 100000


def setup_inputs(seed: int = 0) -> dict:
    key = jax.random.key(seed)
    # Build x with per-column valid ranges (each column has its own vocab).
    cols = []
    for i, d in enumerate(FULL_ATOM_FEATURE_DIMS):
        key, k = jax.random.split(key)
        cols.append(jax.random.randint(k, (N,), 0, d, dtype=jnp.int32))
    x = jnp.stack(cols, axis=1)
    # One embedding table per atom feature, xavier-ish init like nn.Embedding.
    tables = []
    for i, d in enumerate(FULL_ATOM_FEATURE_DIMS):
        key, k = jax.random.split(key)
        tables.append(jax.random.normal(k, (d, HIDDEN), dtype=jnp.float32) * 0.1)
    return {"x": x, "tables": tuple(tables)}


def reference(x, tables):
    # OGB AtomEncoder: sum of per-feature embedding lookups.
    out = jnp.zeros((x.shape[0], HIDDEN), dtype=jnp.float32)
    for i in range(len(FULL_ATOM_FEATURE_DIMS)):
        out = out + jnp.take(tables[i], x[:, i], axis=0)
    return out

if __name__ == "__main__":
    import jax
    _d = setup_inputs()
    print(jax.jit(kernel)(*tuple(_d.values())))

</pallas_src>

<mosaic_0001>
#map = affine_map<(d0, d1) -> (0)>
#map1 = affine_map<(d0, d1) -> (0, 0)>
module attributes {stable_mosaic.version = 14 : i64} {
  func.func @_encoder(%arg0: i32, %arg1: i32, %arg2: memref<900000xi32, #tpu.memory_space<hbm>>, %arg3: memref<640x128xf32, #tpu.memory_space<hbm>>, %arg4: memref<1440x128xf32, #tpu.memory_space<hbm>>, %arg5: memref<144x128xf32, #tpu.memory_space<hbm>>, %arg6: memref<100000x128xf32, #tpu.memory_space<hbm>>, %arg7: memref<640x128xf32, #tpu.memory_space<vmem_shared>>, %arg8: memref<1440x128xf32, #tpu.memory_space<vmem_shared>>, %arg9: memref<144x128xf32, #tpu.memory_space<vmem_shared>>, %arg10: memref<28800xi32, #tpu.memory_space<vmem>>, %arg11: memref<9600xi32, #tpu.memory_space<vmem>>, %arg12: memref<4x128x128xf32, #tpu.memory_space<vmem>>, %arg13: memref<!tpu.dma_semaphore, #tpu.memory_space<semaphore_mem>>, %arg14: memref<!tpu.dma_semaphore, #tpu.memory_space<semaphore_mem>>, %arg15: memref<!tpu.dma_semaphore, #tpu.memory_space<semaphore_mem>>, %arg16: memref<4x!tpu.dma_semaphore, #tpu.memory_space<semaphore_mem>>) attributes {dimension_semantics = [#tpu.dimension_semantics<core_parallel>, #tpu.dimension_semantics<subcore_parallel>], iteration_bounds = array<i64: 2, 16>, scalar_prefetch = 0 : i64, scratch_operands = 10 : i64, tpu.core_type = #tpu.core_type<sc_vector_subcore>, window_params = [{transform_indices = #map}, {transform_indices = #map1}, {transform_indices = #map1}, {transform_indices = #map1}, {transform_indices = #map1}]} {
    %mul3A = arith.constant 2 : i32
    %mul3A_0 = arith.muli %arg1, %mul3A : i32
    %add3A = arith.addi %mul3A_0, %arg0 : i32
    %mul3A_1 = arith.constant 3200 : i32
    %mul3A_2 = arith.muli %add3A, %mul3A_1 : i32
    %min3A = arith.constant 96800 : i32
    %min3A_3 = arith.minsi %mul3A_2, %min3A : i32
    %add3A_4 = arith.constant 0 : i32
    %add3A_5 = arith.addi %add3A_4, %min3A_3 : i32
    %dma_start3A = arith.constant 0 : i32
    %dma_start3A_6 = tpu.memref_slice %arg10[%dma_start3A] : memref<28800xi32, #tpu.memory_space<vmem>> -> memref<3200xi32, #tpu.memory_space<vmem>>
    %dma_start3A_7 = tpu.memref_slice %arg2[%add3A_5] : memref<900000xi32, #tpu.memory_space<hbm>> -> memref<3200xi32, #tpu.memory_space<hbm>>
    %dma_start3A_8 = arith.constant 0 : i32
    %dma_start3A_9 = tpu.memref_slice %arg10[%dma_start3A_8] : memref<28800xi32, #tpu.memory_space<vmem>> -> memref<3200xi32, #tpu.memory_space<vmem>>
    %dma_start3A_10 = tpu.memref_slice %arg2[%add3A_5] : memref<900000xi32, #tpu.memory_space<hbm>> -> memref<3200xi32, #tpu.memory_space<hbm>>
    tpu.enqueue_dma source(%dma_start3A_10 : memref<3200xi32, #tpu.memory_space<hbm>>) target(%dma_start3A_9 : memref<3200xi32, #tpu.memory_space<vmem>>) target_semaphore(%arg14 : memref<!tpu.dma_semaphore, #tpu.memory_space<semaphore_mem>>)
    %add3A_11 = arith.constant 100000 : i32
    %add3A_12 = arith.addi %add3A_11, %min3A_3 : i32
    %dma_start3A_13 = arith.constant 3200 : i32
    %dma_start3A_14 = tpu.memref_slice %arg10[%dma_start3A_13] : memref<28800xi32, #tpu.memory_space<vmem>> -> memref<3200xi32, #tpu.memory_space<vmem>>
    %dma_start3A_15 = tpu.memref_slice %arg2[%add3A_12] : memref<900000xi32, #tpu.memory_space<hbm>> -> memref<3200xi32, #tpu.memory_space<hbm>>
    %dma_start3A_16 = arith.constant 3200 : i32
    %dma_start3A_17 = tpu.memref_slice %arg10[%dma_start3A_16] : memref<28800xi32, #tpu.memory_space<vmem>> -> memref<3200xi32, #tpu.memory_space<vmem>>
    %dma_start3A_18 = tpu.memref_slice %arg2[%add3A_12] : memref<900000xi32, #tpu.memory_space<hbm>> -> memref<3200xi32, #tpu.memory_space<hbm>>
    tpu.enqueue_dma source(%dma_start3A_18 : memref<3200xi32, #tpu.memory_space<hbm>>) target(%dma_start3A_17 : memref<3200xi32, #tpu.memory_space<vmem>>) target_semaphore(%arg14 : memref<!tpu.dma_semaphore, #tpu.memory_space<semaphore_mem>>)
    %add3A_19 = arith.constant 200000 : i32
    %add3A_20 = arith.addi %add3A_19, %min3A_3 : i32
    %dma_start3A_21 = arith.constant 6400 : i32
    %dma_start3A_22 = tpu.memref_slice %arg10[%dma_start3A_21] : memref<28800xi32, #tpu.memory_space<vmem>> -> memref<3200xi32, #tpu.memory_space<vmem>>
    %dma_start3A_23 = tpu.memref_slice %arg2[%add3A_20] : memref<900000xi32, #tpu.memory_space<hbm>> -> memref<3200xi32, #tpu.memory_space<hbm>>
    %dma_start3A_24 = arith.constant 6400 : i32
    %dma_start3A_25 = tpu.memref_slice %arg10[%dma_start3A_24] : memref<28800xi32, #tpu.memory_space<vmem>> -> memref<3200xi32, #tpu.memory_space<vmem>>
    %dma_start3A_26 = tpu.memref_slice %arg2[%add3A_20] : memref<900000xi32, #tpu.memory_space<hbm>> -> memref<3200xi32, #tpu.memory_space<hbm>>
    tpu.enqueue_dma source(%dma_start3A_26 : memref<3200xi32, #tpu.memory_space<hbm>>) target(%dma_start3A_25 : memref<3200xi32, #tpu.memory_space<vmem>>) target_semaphore(%arg14 : memref<!tpu.dma_semaphore, #tpu.memory_space<semaphore_mem>>)
    %add3A_27 = arith.constant 300000 : i32
    %add3A_28 = arith.addi %add3A_27, %min3A_3 : i32
    %dma_start3A_29 = arith.constant 9600 : i32
    %dma_start3A_30 = tpu.memref_slice %arg10[%dma_start3A_29] : memref<28800xi32, #tpu.memory_space<vmem>> -> memref<3200xi32, #tpu.memory_space<vmem>>
    %dma_start3A_31 = tpu.memref_slice %arg2[%add3A_28] : memref<900000xi32, #tpu.memory_space<hbm>> -> memref<3200xi32, #tpu.memory_space<hbm>>
    %dma_start3A_32 = arith.constant 9600 : i32
    %dma_start3A_33 = tpu.memref_slice %arg10[%dma_start3A_32] : memref<28800xi32, #tpu.memory_space<vmem>> -> memref<3200xi32, #tpu.memory_space<vmem>>
    %dma_start3A_34 = tpu.memref_slice %arg2[%add3A_28] : memref<900000xi32, #tpu.memory_space<hbm>> -> memref<3200xi32, #tpu.memory_space<hbm>>
    tpu.enqueue_dma source(%dma_start3A_34 : memref<3200xi32, #tpu.memory_space<hbm>>) target(%dma_start3A_33 : memref<3200xi32, #tpu.memory_space<vmem>>) target_semaphore(%arg14 : memref<!tpu.dma_semaphore, #tpu.memory_space<semaphore_mem>>)
    %add3A_35 = arith.constant 400000 : i32
    %add3A_36 = arith.addi %add3A_35, %min3A_3 : i32
    %dma_start3A_37 = arith.constant 12800 : i32
    %dma_start3A_38 = tpu.memref_slice %arg10[%dma_start3A_37] : memref<28800xi32, #tpu.memory_space<vmem>> -> memref<3200xi32, #tpu.memory_space<vmem>>
    %dma_start3A_39 = tpu.memref_slice %arg2[%add3A_36] : memref<900000xi32, #tpu.memory_space<hbm>> -> memref<3200xi32, #tpu.memory_space<hbm>>
    %dma_start3A_40 = arith.constant 12800 : i32
    %dma_start3A_41 = tpu.memref_slice %arg10[%dma_start3A_40] : memref<28800xi32, #tpu.memory_space<vmem>> -> memref<3200xi32, #tpu.memory_space<vmem>>
    %dma_start3A_42 = tpu.memref_slice %arg2[%add3A_36] : memref<900000xi32, #tpu.memory_space<hbm>> -> memref<3200xi32, #tpu.memory_space<hbm>>
    tpu.enqueue_dma source(%dma_start3A_42 : memref<3200xi32, #tpu.memory_space<hbm>>) target(%dma_start3A_41 : memref<3200xi32, #tpu.memory_space<vmem>>) target_semaphore(%arg14 : memref<!tpu.dma_semaphore, #tpu.memory_space<semaphore_mem>>)
    %add3A_43 = arith.constant 500000 : i32
    %add3A_44 = arith.addi %add3A_43, %min3A_3 : i32
    %dma_start3A_45 = arith.constant 16000 : i32
    %dma_start3A_46 = tpu.memref_slice %arg10[%dma_start3A_45] : memref<28800xi32, #tpu.memory_space<vmem>> -> memref<3200xi32, #tpu.memory_space<vmem>>
    %dma_start3A_47 = tpu.memref_slice %arg2[%add3A_44] : memref<900000xi32, #tpu.memory_space<hbm>> -> memref<3200xi32, #tpu.memory_space<hbm>>
    %dma_start3A_48 = arith.constant 16000 : i32
    %dma_start3A_49 = tpu.memref_slice %arg10[%dma_start3A_48] : memref<28800xi32, #tpu.memory_space<vmem>> -> memref<3200xi32, #tpu.memory_space<vmem>>
    %dma_start3A_50 = tpu.memref_slice %arg2[%add3A_44] : memref<900000xi32, #tpu.memory_space<hbm>> -> memref<3200xi32, #tpu.memory_space<hbm>>
    tpu.enqueue_dma source(%dma_start3A_50 : memref<3200xi32, #tpu.memory_space<hbm>>) target(%dma_start3A_49 : memref<3200xi32, #tpu.memory_space<vmem>>) target_semaphore(%arg14 : memref<!tpu.dma_semaphore, #tpu.memory_space<semaphore_mem>>)
    %add3A_51 = arith.constant 600000 : i32
    %add3A_52 = arith.addi %add3A_51, %min3A_3 : i32
    %dma_start3A_53 = arith.constant 19200 : i32
    %dma_start3A_54 = tpu.memref_slice %arg10[%dma_start3A_53] : memref<28800xi32, #tpu.memory_space<vmem>> -> memref<3200xi32, #tpu.memory_space<vmem>>
    %dma_start3A_55 = tpu.memref_slice %arg2[%add3A_52] : memref<900000xi32, #tpu.memory_space<hbm>> -> memref<3200xi32, #tpu.memory_space<hbm>>
    %dma_start3A_56 = arith.constant 19200 : i32
    %dma_start3A_57 = tpu.memref_slice %arg10[%dma_start3A_56] : memref<28800xi32, #tpu.memory_space<vmem>> -> memref<3200xi32, #tpu.memory_space<vmem>>
    %dma_start3A_58 = tpu.memref_slice %arg2[%add3A_52] : memref<900000xi32, #tpu.memory_space<hbm>> -> memref<3200xi32, #tpu.memory_space<hbm>>
    tpu.enqueue_dma source(%dma_start3A_58 : memref<3200xi32, #tpu.memory_space<hbm>>) target(%dma_start3A_57 : memref<3200xi32, #tpu.memory_space<vmem>>) target_semaphore(%arg14 : memref<!tpu.dma_semaphore, #tpu.memory_space<semaphore_mem>>)
    %add3A_59 = arith.constant 700000 : i32
    %add3A_60 = arith.addi %add3A_59, %min3A_3 : i32
    %dma_start3A_61 = arith.constant 22400 : i32
    %dma_start3A_62 = tpu.memref_slice %arg10[%dma_start3A_61] : memref<28800xi32, #tpu.memory_space<vmem>> -> memref<3200xi32, #tpu.memory_space<vmem>>
    %dma_start3A_63 = tpu.memref_slice %arg2[%add3A_60] : memref<900000xi32, #tpu.memory_space<hbm>> -> memref<3200xi32, #tpu.memory_space<hbm>>
    %dma_start3A_64 = arith.constant 22400 : i32
    %dma_start3A_65 = tpu.memref_slice %arg10[%dma_start3A_64] : memref<28800xi32, #tpu.memory_space<vmem>> -> memref<3200xi32, #tpu.memory_space<vmem>>
    %dma_start3A_66 = tpu.memref_slice %arg2[%add3A_60] : memref<900000xi32, #tpu.memory_space<hbm>> -> memref<3200xi32, #tpu.memory_space<hbm>>
    tpu.enqueue_dma source(%dma_start3A_66 : memref<3200xi32, #tpu.memory_space<hbm>>) target(%dma_start3A_65 : memref<3200xi32, #tpu.memory_space<vmem>>) target_semaphore(%arg14 : memref<!tpu.dma_semaphore, #tpu.memory_space<semaphore_mem>>)
    %add3A_67 = arith.constant 800000 : i32
    %add3A_68 = arith.addi %add3A_67, %min3A_3 : i32
    %dma_start3A_69 = arith.constant 25600 : i32
    %dma_start3A_70 = tpu.memref_slice %arg10[%dma_start3A_69] : memref<28800xi32, #tpu.memory_space<vmem>> -> memref<3200xi32, #tpu.memory_space<vmem>>
    %dma_start3A_71 = tpu.memref_slice %arg2[%add3A_68] : memref<900000xi32, #tpu.memory_space<hbm>> -> memref<3200xi32, #tpu.memory_space<hbm>>
    %dma_start3A_72 = arith.constant 25600 : i32
    %dma_start3A_73 = tpu.memref_slice %arg10[%dma_start3A_72] : memref<28800xi32, #tpu.memory_space<vmem>> -> memref<3200xi32, #tpu.memory_space<vmem>>
    %dma_start3A_74 = tpu.memref_slice %arg2[%add3A_68] : memref<900000xi32, #tpu.memory_space<hbm>> -> memref<3200xi32, #tpu.memory_space<hbm>>
    tpu.enqueue_dma source(%dma_start3A_74 : memref<3200xi32, #tpu.memory_space<hbm>>) target(%dma_start3A_73 : memref<3200xi32, #tpu.memory_space<vmem>>) target_semaphore(%arg14 : memref<!tpu.dma_semaphore, #tpu.memory_space<semaphore_mem>>)
    %lt3A = arith.constant 8 : i32
    %lt3A_75 = arith.cmpi slt, %arg1, %lt3A : i32
    %convert_element_type3A = arith.extui %lt3A_75 : i1 to i32
    %cond3A = arith.constant 0 : i32
    %cond3A_76 = arith.cmpi ne, %convert_element_type3A, %cond3A : i32
    scf.if %cond3A_76 {
      %mul3A_1296 = arith.constant 80 : i32
      %mul3A_1297 = arith.muli %arg1, %mul3A_1296 : i32
      %dma_start3A_1298 = arith.constant 0 : i32
      %dma_start3A_1299 = tpu.memref_slice %arg7[%mul3A_1297, %dma_start3A_1298] : memref<640x128xf32, #tpu.memory_space<vmem_shared>> -> memref<80x128xf32, #tpu.memory_space<vmem_shared>>
      %dma_start3A_1300 = arith.constant 0 : i32
      %dma_start3A_1301 = tpu.memref_slice %arg3[%mul3A_1297, %dma_start3A_1300] : memref<640x128xf32, #tpu.memory_space<hbm>> -> memref<80x128xf32, #tpu.memory_space<hbm>>
      tpu.enqueue_dma source(%dma_start3A_1301 : memref<80x128xf32, #tpu.memory_space<hbm>>) target(%dma_start3A_1299 : memref<80x128xf32, #tpu.memory_space<vmem_shared>>) target_semaphore(%arg13 : memref<!tpu.dma_semaphore, #tpu.memory_space<semaphore_mem>>)
    } else {
    }
    %lt3A_77 = arith.constant 15 : i32
    %lt3A_78 = arith.cmpi slt, %arg1, %lt3A_77 : i32
    %convert_element_type3A_79 = arith.extui %lt3A_78 : i1 to i32
    %cond3A_80 = arith.constant 0 : i32
    %cond3A_81 = arith.cmpi ne, %convert_element_type3A_79, %cond3A_80 : i32
    scf.if %cond3A_81 {
      %mul3A_1296 = arith.constant 96 : i32
      %mul3A_1297 = arith.muli %arg1, %mul3A_1296 : i32
      %dma_start3A_1298 = arith.constant 0 : i32
      %dma_start3A_1299 = tpu.memref_slice %arg8[%mul3A_1297, %dma_start3A_1298] : memref<1440x128xf32, #tpu.memory_space<vmem_shared>> -> memref<96x128xf32, #tpu.memory_space<vmem_shared>>
      %dma_start3A_1300 = arith.constant 0 : i32
      %dma_start3A_1301 = tpu.memref_slice %arg4[%mul3A_1297, %dma_start3A_1300] : memref<1440x128xf32, #tpu.memory_space<hbm>> -> memref<96x128xf32, #tpu.memory_space<hbm>>
      tpu.enqueue_dma source(%dma_start3A_1301 : memref<96x128xf32, #tpu.memory_space<hbm>>) target(%dma_start3A_1299 : memref<96x128xf32, #tpu.memory_space<vmem_shared>>) target_semaphore(%arg13 : memref<!tpu.dma_semaphore, #tpu.memory_space<semaphore_mem>>)
    } else {
    }
    %eq3A = arith.constant 8 : i32
    %eq3A_82 = arith.cmpi eq, %arg1, %eq3A : i32
    %convert_element_type3A_83 = arith.extui %eq3A_82 : i1 to i32
    %cond3A_84 = arith.constant 0 : i32
    %cond3A_85 = arith.cmpi ne, %convert_element_type3A_83, %cond3A_84 : i32
    scf.if %cond3A_85 {
      %dma_start3A_1296 = arith.constant 0 : i32
      %dma_start3A_1297 = arith.constant 0 : i32
      %dma_start3A_1298 = tpu.memref_slice %arg9[%dma_start3A_1296, %dma_start3A_1297] : memref<144x128xf32, #tpu.memory_space<vmem_shared>> -> memref<64x128xf32, #tpu.memory_space<vmem_shared>>
      %dma_start3A_1299 = arith.constant 0 : i32
      %dma_start3A_1300 = arith.constant 0 : i32
      %dma_start3A_1301 = tpu.memref_slice %arg5[%dma_start3A_1299, %dma_start3A_1300] : memref<144x128xf32, #tpu.memory_space<hbm>> -> memref<64x128xf32, #tpu.memory_space<hbm>>
      tpu.enqueue_dma source(%dma_start3A_1301 : memref<64x128xf32, #tpu.memory_space<hbm>>) target(%dma_start3A_1298 : memref<64x128xf32, #tpu.memory_space<vmem_shared>>) target_semaphore(%arg13 : memref<!tpu.dma_semaphore, #tpu.memory_space<semaphore_mem>>)
    } else {
    }
    %eq3A_86 = arith.constant 15 : i32
    %eq3A_87 = arith.cmpi eq, %arg1, %eq3A_86 : i32
    %convert_element_type3A_88 = arith.extui %eq3A_87 : i1 to i32
    %cond3A_89 = arith.constant 0 : i32
    %cond3A_90 = arith.cmpi ne, %convert_element_type3A_88, %cond3A_89 : i32
    scf.if %cond3A_90 {
      %dma_start3A_1296 = arith.constant 64 : i32
      %dma_start3A_1297 = arith.constant 0 : i32
      %dma_start3A_1298 = tpu.memref_slice %arg9[%dma_start3A_1296, %dma_start3A_1297] : memref<144x128xf32, #tpu.memory_space<vmem_shared>> -> memref<80x128xf32, #tpu.memory_space<vmem_shared>>
      %dma_start3A_1299 = arith.constant 64 : i32
      %dma_start3A_1300 = arith.constant 0 : i32
      %dma_start3A_1301 = tpu.memref_slice %arg5[%dma_start3A_1299, %dma_start3A_1300] : memref<144x128xf32, #tpu.memory_space<hbm>> -> memref<80x128xf32, #tpu.memory_space<hbm>>
      tpu.enqueue_dma source(%dma_start3A_1301 : memref<80x128xf32, #tpu.memory_space<hbm>>) target(%dma_start3A_1298 : memref<80x128xf32, #tpu.memory_space<vmem_shared>>) target_semaphore(%arg13 : memref<!tpu.dma_semaphore, #tpu.memory_space<semaphore_mem>>)
    } else {
    }
    %dma_wait3A = arith.constant 0 : i32
    %dma_wait3A_91 = tpu.memref_slice %arg10[%dma_wait3A] : memref<28800xi32, #tpu.memory_space<vmem>> -> memref<3200xi32, #tpu.memory_space<vmem>>
    %dma_wait3A_92 = arith.constant 0 : i32
    %dma_wait3A_93 = tpu.memref_slice %arg2[%dma_wait3A_92] : memref<900000xi32, #tpu.memory_space<hbm>> -> memref<3200xi32, #tpu.memory_space<hbm>>
    %dma_wait3A_94 = arith.constant 0 : i32
    %dma_wait3A_95 = tpu.memref_slice %arg10[%dma_wait3A_94] : memref<28800xi32, #tpu.memory_space<vmem>> -> memref<3200xi32, #tpu.memory_space<vmem>>
    %dma_wait3A_96 = arith.constant 0 : i32
    %dma_wait3A_97 = tpu.memref_slice %arg2[%dma_wait3A_96] : memref<900000xi32, #tpu.memory_space<hbm>> -> memref<3200xi32, #tpu.memory_space<hbm>>
    tpu.wait_dma2 semaphore(%arg14 : memref<!tpu.dma_semaphore, #tpu.memory_space<semaphore_mem>>) src(%dma_wait3A_97 : memref<3200xi32, #tpu.memory_space<hbm>>) dst(%dma_wait3A_95 : memref<3200xi32, #tpu.memory_space<vmem>>)
    %dma_wait3A_98 = arith.constant 3200 : i32
    %dma_wait3A_99 = tpu.memref_slice %arg10[%dma_wait3A_98] : memref<28800xi32, #tpu.memory_space<vmem>> -> memref<3200xi32, #tpu.memory_space<vmem>>
    %dma_wait3A_100 = arith.constant 0 : i32
    %dma_wait3A_101 = tpu.memref_slice %arg2[%dma_wait3A_100] : memref<900000xi32, #tpu.memory_space<hbm>> -> memref<3200xi32, #tpu.memory_space<hbm>>
    %dma_wait3A_102 = arith.constant 3200 : i32
    %dma_wait3A_103 = tpu.memref_slice %arg10[%dma_wait3A_102] : memref<28800xi32, #tpu.memory_space<vmem>> -> memref<3200xi32, #tpu.memory_space<vmem>>
    %dma_wait3A_104 = arith.constant 0 : i32
    %dma_wait3A_105 = tpu.memref_slice %arg2[%dma_wait3A_104] : memref<900000xi32, #tpu.memory_space<hbm>> -> memref<3200xi32, #tpu.memory_space<hbm>>
    tpu.wait_dma2 semaphore(%arg14 : memref<!tpu.dma_semaphore, #tpu.memory_space<semaphore_mem>>) src(%dma_wait3A_105 : memref<3200xi32, #tpu.memory_space<hbm>>) dst(%dma_wait3A_103 : memref<3200xi32, #tpu.memory_space<vmem>>)
    %dma_wait3A_106 = arith.constant 6400 : i32
    %dma_wait3A_107 = tpu.memref_slice %arg10[%dma_wait3A_106] : memref<28800xi32, #tpu.memory_space<vmem>> -> memref<3200xi32, #tpu.memory_space<vmem>>
    %dma_wait3A_108 = arith.constant 0 : i32
    %dma_wait3A_109 = tpu.memref_slice %arg2[%dma_wait3A_108] : memref<900000xi32, #tpu.memory_space<hbm>> -> memref<3200xi32, #tpu.memory_space<hbm>>
    %dma_wait3A_110 = arith.constant 6400 : i32
    %dma_wait3A_111 = tpu.memref_slice %arg10[%dma_wait3A_110] : memref<28800xi32, #tpu.memory_space<vmem>> -> memref<3200xi32, #tpu.memory_space<vmem>>
    %dma_wait3A_112 = arith.constant 0 : i32
    %dma_wait3A_113 = tpu.memref_slice %arg2[%dma_wait3A_112] : memref<900000xi32, #tpu.memory_space<hbm>> -> memref<3200xi32, #tpu.memory_space<hbm>>
    tpu.wait_dma2 semaphore(%arg14 : memref<!tpu.dma_semaphore, #tpu.memory_space<semaphore_mem>>) src(%dma_wait3A_113 : memref<3200xi32, #tpu.memory_space<hbm>>) dst(%dma_wait3A_111 : memref<3200xi32, #tpu.memory_space<vmem>>)
    %dma_wait3A_114 = arith.constant 9600 : i32
    %dma_wait3A_115 = tpu.memref_slice %arg10[%dma_wait3A_114] : memref<28800xi32, #tpu.memory_space<vmem>> -> memref<3200xi32, #tpu.memory_space<vmem>>
    %dma_wait3A_116 = arith.constant 0 : i32
    %dma_wait3A_117 = tpu.memref_slice %arg2[%dma_wait3A_116] : memref<900000xi32, #tpu.memory_space<hbm>> -> memref<3200xi32, #tpu.memory_space<hbm>>
    %dma_wait3A_118 = arith.constant 9600 : i32
    %dma_wait3A_119 = tpu.memref_slice %arg10[%dma_wait3A_118] : memref<28800xi32, #tpu.memory_space<vmem>> -> memref<3200xi32, #tpu.memory_space<vmem>>
    %dma_wait3A_120 = arith.constant 0 : i32
    %dma_wait3A_121 = tpu.memref_slice %arg2[%dma_wait3A_120] : memref<900000xi32, #tpu.memory_space<hbm>> -> memref<3200xi32, #tpu.memory_space<hbm>>
    tpu.wait_dma2 semaphore(%arg14 : memref<!tpu.dma_semaphore, #tpu.memory_space<semaphore_mem>>) src(%dma_wait3A_121 : memref<3200xi32, #tpu.memory_space<hbm>>) dst(%dma_wait3A_119 : memref<3200xi32, #tpu.memory_space<vmem>>)
    %dma_wait3A_122 = arith.constant 12800 : i32
    %dma_wait3A_123 = tpu.memref_slice %arg10[%dma_wait3A_122] : memref<28800xi32, #tpu.memory_space<vmem>> -> memref<3200xi32, #tpu.memory_space<vmem>>
    %dma_wait3A_124 = arith.constant 0 : i32
    %dma_wait3A_125 = tpu.memref_slice %arg2[%dma_wait3A_124] : memref<900000xi32, #tpu.memory_space<hbm>> -> memref<3200xi32, #tpu.memory_space<hbm>>
    %dma_wait3A_126 = arith.constant 12800 : i32
    %dma_wait3A_127 = tpu.memref_slice %arg10[%dma_wait3A_126] : memref<28800xi32, #tpu.memory_space<vmem>> -> memref<3200xi32, #tpu.memory_space<vmem>>
    %dma_wait3A_128 = arith.constant 0 : i32
    %dma_wait3A_129 = tpu.memref_slice %arg2[%dma_wait3A_128] : memref<900000xi32, #tpu.memory_space<hbm>> -> memref<3200xi32, #tpu.memory_space<hbm>>
    tpu.wait_dma2 semaphore(%arg14 : memref<!tpu.dma_semaphore, #tpu.memory_space<semaphore_mem>>) src(%dma_wait3A_129 : memref<3200xi32, #tpu.memory_space<hbm>>) dst(%dma_wait3A_127 : memref<3200xi32, #tpu.memory_space<vmem>>)
    %dma_wait3A_130 = arith.constant 16000 : i32
    %dma_wait3A_131 = tpu.memref_slice %arg10[%dma_wait3A_130] : memref<28800xi32, #tpu.memory_space<vmem>> -> memref<3200xi32, #tpu.memory_space<vmem>>
    %dma_wait3A_132 = arith.constant 0 : i32
    %dma_wait3A_133 = tpu.memref_slice %arg2[%dma_wait3A_132] : memref<900000xi32, #tpu.memory_space<hbm>> -> memref<3200xi32, #tpu.memory_space<hbm>>
    %dma_wait3A_134 = arith.constant 16000 : i32
    %dma_wait3A_135 = tpu.memref_slice %arg10[%dma_wait3A_134] : memref<28800xi32, #tpu.memory_space<vmem>> -> memref<3200xi32, #tpu.memory_space<vmem>>
    %dma_wait3A_136 = arith.constant 0 : i32
    %dma_wait3A_137 = tpu.memref_slice %arg2[%dma_wait3A_136] : memref<900000xi32, #tpu.memory_space<hbm>> -> memref<3200xi32, #tpu.memory_space<hbm>>
    tpu.wait_dma2 semaphore(%arg14 : memref<!tpu.dma_semaphore, #tpu.memory_space<semaphore_mem>>) src(%dma_wait3A_137 : memref<3200xi32, #tpu.memory_space<hbm>>) dst(%dma_wait3A_135 : memref<3200xi32, #tpu.memory_space<vmem>>)
    %dma_wait3A_138 = arith.constant 19200 : i32
    %dma_wait3A_139 = tpu.memref_slice %arg10[%dma_wait3A_138] : memref<28800xi32, #tpu.memory_space<vmem>> -> memref<3200xi32, #tpu.memory_space<vmem>>
    %dma_wait3A_140 = arith.constant 0 : i32
    %dma_wait3A_141 = tpu.memref_slice %arg2[%dma_wait3A_140] : memref<900000xi32, #tpu.memory_space<hbm>> -> memref<3200xi32, #tpu.memory_space<hbm>>
    %dma_wait3A_142 = arith.constant 19200 : i32
    %dma_wait3A_143 = tpu.memref_slice %arg10[%dma_wait3A_142] : memref<28800xi32, #tpu.memory_space<vmem>> -> memref<3200xi32, #tpu.memory_space<vmem>>
    %dma_wait3A_144 = arith.constant 0 : i32
    %dma_wait3A_145 = tpu.memref_slice %arg2[%dma_wait3A_144] : memref<900000xi32, #tpu.memory_space<hbm>> -> memref<3200xi32, #tpu.memory_space<hbm>>
    tpu.wait_dma2 semaphore(%arg14 : memref<!tpu.dma_semaphore, #tpu.memory_space<semaphore_mem>>) src(%dma_wait3A_145 : memref<3200xi32, #tpu.memory_space<hbm>>) dst(%dma_wait3A_143 : memref<3200xi32, #tpu.memory_space<vmem>>)
    %dma_wait3A_146 = arith.constant 22400 : i32
    %dma_wait3A_147 = tpu.memref_slice %arg10[%dma_wait3A_146] : memref<28800xi32, #tpu.memory_space<vmem>> -> memref<3200xi32, #tpu.memory_space<vmem>>
    %dma_wait3A_148 = arith.constant 0 : i32
    %dma_wait3A_149 = tpu.memref_slice %arg2[%dma_wait3A_148] : memref<900000xi32, #tpu.memory_space<hbm>> -> memref<3200xi32, #tpu.memory_space<hbm>>
    %dma_wait3A_150 = arith.constant 22400 : i32
    %dma_wait3A_151 = tpu.memref_slice %arg10[%dma_wait3A_150] : memref<28800xi32, #tpu.memory_space<vmem>> -> memref<3200xi32, #tpu.memory_space<vmem>>
    %dma_wait3A_152 = arith.constant 0 : i32
    %dma_wait3A_153 = tpu.memref_slice %arg2[%dma_wait3A_152] : memref<900000xi32, #tpu.memory_space<hbm>> -> memref<3200xi32, #tpu.memory_space<hbm>>
    tpu.wait_dma2 semaphore(%arg14 : memref<!tpu.dma_semaphore, #tpu.memory_space<semaphore_mem>>) src(%dma_wait3A_153 : memref<3200xi32, #tpu.memory_space<hbm>>) dst(%dma_wait3A_151 : memref<3200xi32, #tpu.memory_space<vmem>>)
    %dma_wait3A_154 = arith.constant 25600 : i32
    %dma_wait3A_155 = tpu.memref_slice %arg10[%dma_wait3A_154] : memref<28800xi32, #tpu.memory_space<vmem>> -> memref<3200xi32, #tpu.memory_space<vmem>>
    %dma_wait3A_156 = arith.constant 0 : i32
    %dma_wait3A_157 = tpu.memref_slice %arg2[%dma_wait3A_156] : memref<900000xi32, #tpu.memory_space<hbm>> -> memref<3200xi32, #tpu.memory_space<hbm>>
    %dma_wait3A_158 = arith.constant 25600 : i32
    %dma_wait3A_159 = tpu.memref_slice %arg10[%dma_wait3A_158] : memref<28800xi32, #tpu.memory_space<vmem>> -> memref<3200xi32, #tpu.memory_space<vmem>>
    %dma_wait3A_160 = arith.constant 0 : i32
    %dma_wait3A_161 = tpu.memref_slice %arg2[%dma_wait3A_160] : memref<900000xi32, #tpu.memory_space<hbm>> -> memref<3200xi32, #tpu.memory_space<hbm>>
    tpu.wait_dma2 semaphore(%arg14 : memref<!tpu.dma_semaphore, #tpu.memory_space<semaphore_mem>>) src(%dma_wait3A_161 : memref<3200xi32, #tpu.memory_space<hbm>>) dst(%dma_wait3A_159 : memref<3200xi32, #tpu.memory_space<vmem>>)
    %lt3A_162 = arith.constant 8 : i32
    %lt3A_163 = arith.cmpi slt, %arg1, %lt3A_162 : i32
    %convert_element_type3A_164 = arith.extui %lt3A_163 : i1 to i32
    %cond3A_165 = arith.constant 0 : i32
    %cond3A_166 = arith.cmpi ne, %convert_element_type3A_164, %cond3A_165 : i32
    scf.if %cond3A_166 {
      %dma_wait3A_1296 = arith.constant 0 : i32
      %dma_wait3A_1297 = arith.constant 0 : i32
      %dma_wait3A_1298 = tpu.memref_slice %arg7[%dma_wait3A_1296, %dma_wait3A_1297] : memref<640x128xf32, #tpu.memory_space<vmem_shared>> -> memref<80x128xf32, #tpu.memory_space<vmem_shared>>
      %dma_wait3A_1299 = arith.constant 0 : i32
      %dma_wait3A_1300 = arith.constant 0 : i32
      %dma_wait3A_1301 = tpu.memref_slice %arg3[%dma_wait3A_1299, %dma_wait3A_1300] : memref<640x128xf32, #tpu.memory_space<hbm>> -> memref<80x128xf32, #tpu.memory_space<hbm>>
      tpu.wait_dma2 semaphore(%arg13 : memref<!tpu.dma_semaphore, #tpu.memory_space<semaphore_mem>>) src(%dma_wait3A_1301 : memref<80x128xf32, #tpu.memory_space<hbm>>) dst(%dma_wait3A_1298 : memref<80x128xf32, #tpu.memory_space<vmem_shared>>)
    } else {
    }
    %lt3A_167 = arith.constant 15 : i32
    %lt3A_168 = arith.cmpi slt, %arg1, %lt3A_167 : i32
    %convert_element_type3A_169 = arith.extui %lt3A_168 : i1 to i32
    %cond3A_170 = arith.constant 0 : i32
    %cond3A_171 = arith.cmpi ne, %convert_element_type3A_169, %cond3A_170 : i32
    scf.if %cond3A_171 {
      %dma_wait3A_1296 = arith.constant 0 : i32
      %dma_wait3A_1297 = arith.constant 0 : i32
      %dma_wait3A_1298 = tpu.memref_slice %arg8[%dma_wait3A_1296, %dma_wait3A_1297] : memref<1440x128xf32, #tpu.memory_space<vmem_shared>> -> memref<96x128xf32, #tpu.memory_space<vmem_shared>>
      %dma_wait3A_1299 = arith.constant 0 : i32
      %dma_wait3A_1300 = arith.constant 0 : i32
      %dma_wait3A_1301 = tpu.memref_slice %arg4[%dma_wait3A_1299, %dma_wait3A_1300] : memref<1440x128xf32, #tpu.memory_space<hbm>> -> memref<96x128xf32, #tpu.memory_space<hbm>>
      tpu.wait_dma2 semaphore(%arg13 : memref<!tpu.dma_semaphore, #tpu.memory_space<semaphore_mem>>) src(%dma_wait3A_1301 : memref<96x128xf32, #tpu.memory_space<hbm>>) dst(%dma_wait3A_1298 : memref<96x128xf32, #tpu.memory_space<vmem_shared>>)
    } else {
    }
    %eq3A_172 = arith.constant 8 : i32
    %eq3A_173 = arith.cmpi eq, %arg1, %eq3A_172 : i32
    %convert_element_type3A_174 = arith.extui %eq3A_173 : i1 to i32
    %cond3A_175 = arith.constant 0 : i32
    %cond3A_176 = arith.cmpi ne, %convert_element_type3A_174, %cond3A_175 : i32
    scf.if %cond3A_176 {
      %dma_wait3A_1296 = arith.constant 0 : i32
      %dma_wait3A_1297 = arith.constant 0 : i32
      %dma_wait3A_1298 = tpu.memref_slice %arg9[%dma_wait3A_1296, %dma_wait3A_1297] : memref<144x128xf32, #tpu.memory_space<vmem_shared>> -> memref<64x128xf32, #tpu.memory_space<vmem_shared>>
      %dma_wait3A_1299 = arith.constant 0 : i32
      %dma_wait3A_1300 = arith.constant 0 : i32
      %dma_wait3A_1301 = tpu.memref_slice %arg5[%dma_wait3A_1299, %dma_wait3A_1300] : memref<144x128xf32, #tpu.memory_space<hbm>> -> memref<64x128xf32, #tpu.memory_space<hbm>>
      tpu.wait_dma2 semaphore(%arg13 : memref<!tpu.dma_semaphore, #tpu.memory_space<semaphore_mem>>) src(%dma_wait3A_1301 : memref<64x128xf32, #tpu.memory_space<hbm>>) dst(%dma_wait3A_1298 : memref<64x128xf32, #tpu.memory_space<vmem_shared>>)
    } else {
    }
    %eq3A_177 = arith.constant 15 : i32
    %eq3A_178 = arith.cmpi eq, %arg1, %eq3A_177 : i32
    %convert_element_type3A_179 = arith.extui %eq3A_178 : i1 to i32
    %cond3A_180 = arith.constant 0 : i32
    %cond3A_181 = arith.cmpi ne, %convert_element_type3A_179, %cond3A_180 : i32
    scf.if %cond3A_181 {
      %dma_wait3A_1296 = arith.constant 0 : i32
      %dma_wait3A_1297 = arith.constant 0 : i32
      %dma_wait3A_1298 = tpu.memref_slice %arg9[%dma_wait3A_1296, %dma_wait3A_1297] : memref<144x128xf32, #tpu.memory_space<vmem_shared>> -> memref<80x128xf32, #tpu.memory_space<vmem_shared>>
      %dma_wait3A_1299 = arith.constant 0 : i32
      %dma_wait3A_1300 = arith.constant 0 : i32
      %dma_wait3A_1301 = tpu.memref_slice %arg5[%dma_wait3A_1299, %dma_wait3A_1300] : memref<144x128xf32, #tpu.memory_space<hbm>> -> memref<80x128xf32, #tpu.memory_space<hbm>>
      tpu.wait_dma2 semaphore(%arg13 : memref<!tpu.dma_semaphore, #tpu.memory_space<semaphore_mem>>) src(%dma_wait3A_1301 : memref<80x128xf32, #tpu.memory_space<hbm>>) dst(%dma_wait3A_1298 : memref<80x128xf32, #tpu.memory_space<vmem_shared>>)
    } else {
    }
    %get3A = arith.constant 0 : index
    %get3A_182 = tpu.vector_load %arg10[%get3A] {strides = array<i32>} : memref<28800xi32, #tpu.memory_space<vmem>>, vector<16xi32>,
    %get3A_183 = vector.shape_cast %get3A_182 : vector<16xi32> to vector<16xi32>
    %mul3A_184 = arith.constant 5 : i32
    %mul3A_185 = vector.broadcast %mul3A_184 : i32 to vector<16xi32>
    %mul3A_186 = arith.muli %get3A_183, %mul3A_185 : vector<16xi32>
    %get3A_187 = arith.constant 3200 : index
    %get3A_188 = tpu.vector_load %arg10[%get3A_187] {strides = array<i32>} : memref<28800xi32, #tpu.memory_space<vmem>>, vector<16xi32>,
    %get3A_189 = vector.shape_cast %get3A_188 : vector<16xi32> to vector<16xi32>
    %add3A_190 = arith.addi %mul3A_186, %get3A_189 : vector<16xi32>
    %get3A_191 = arith.constant 6400 : index
    %get3A_192 = tpu.vector_load %arg10[%get3A_191] {strides = array<i32>} : memref<28800xi32, #tpu.memory_space<vmem>>, vector<16xi32>,
    %get3A_193 = vector.shape_cast %get3A_192 : vector<16xi32> to vector<16xi32>
    %mul3A_194 = arith.constant 120 : i32
    %mul3A_195 = vector.broadcast %mul3A_194 : i32 to vector<16xi32>
    %mul3A_196 = arith.muli %get3A_193, %mul3A_195 : vector<16xi32>
    %get3A_197 = arith.constant 9600 : index
    %get3A_198 = tpu.vector_load %arg10[%get3A_197] {strides = array<i32>} : memref<28800xi32, #tpu.memory_space<vmem>>, vector<16xi32>,
    %get3A_199 = vector.shape_cast %get3A_198 : vector<16xi32> to vector<16xi32>
    %mul3A_200 = arith.constant 10 : i32
    %mul3A_201 = vector.broadcast %mul3A_200 : i32 to vector<16xi32>
    %mul3A_202 = arith.muli %get3A_199, %mul3A_201 : vector<16xi32>
    %add3A_203 = arith.addi %mul3A_196, %mul3A_202 : vector<16xi32>
    %get3A_204 = arith.constant 12800 : index
    %get3A_205 = tpu.vector_load %arg10[%get3A_204] {strides = array<i32>} : memref<28800xi32, #tpu.memory_space<vmem>>, vector<16xi32>,
    %get3A_206 = vector.shape_cast %get3A_205 : vector<16xi32> to vector<16xi32>
    %add3A_207 = arith.addi %add3A_203, %get3A_206 : vector<16xi32>
    %get3A_208 = arith.constant 16000 : index
    %get3A_209 = tpu.vector_load %arg10[%get3A_208] {strides = array<i32>} : memref<28800xi32, #tpu.memory_space<vmem>>, vector<16xi32>,
    %get3A_210 = vector.shape_cast %get3A_209 : vector<16xi32> to vector<16xi32>
    %mul3A_211 = arith.constant 24 : i32
    %mul3A_212 = vector.broadcast %mul3A_211 : i32 to vector<16xi32>
    %mul3A_213 = arith.muli %get3A_210, %mul3A_212 : vector<16xi32>
    %get3A_214 = arith.constant 19200 : index
    %get3A_215 = tpu.vector_load %arg10[%get3A_214] {strides = array<i32>} : memref<28800xi32, #tpu.memory_space<vmem>>, vector<16xi32>,
    %get3A_216 = vector.shape_cast %get3A_215 : vector<16xi32> to vector<16xi32>
    %mul3A_217 = arith.constant 4 : i32
    %mul3A_218 = vector.broadcast %mul3A_217 : i32 to vector<16xi32>
    %mul3A_219 = arith.muli %get3A_216, %mul3A_218 : vector<16xi32>
    %add3A_220 = arith.addi %mul3A_213, %mul3A_219 : vector<16xi32>
    %get3A_221 = arith.constant 22400 : index
    %get3A_222 = tpu.vector_load %arg10[%get3A_221] {strides = array<i32>} : memref<28800xi32, #tpu.memory_space<vmem>>, vector<16xi32>,
    %get3A_223 = vector.shape_cast %get3A_222 : vector<16xi32> to vector<16xi32>
    %mul3A_224 = arith.constant 2 : i32
    %mul3A_225 = vector.broadcast %mul3A_224 : i32 to vector<16xi32>
    %mul3A_226 = arith.muli %get3A_223, %mul3A_225 : vector<16xi32>
    %add3A_227 = arith.addi %add3A_220, %mul3A_226 : vector<16xi32>
    %get3A_228 = arith.constant 25600 : index
    %get3A_229 = tpu.vector_load %arg10[%get3A_228] {strides = array<i32>} : memref<28800xi32, #tpu.memory_space<vmem>>, vector<16xi32>,
    %get3A_230 = vector.shape_cast %get3A_229 : vector<16xi32> to vector<16xi32>
    %add3A_231 = arith.addi %add3A_227, %get3A_230 : vector<16xi32>
    %swap3A = arith.constant 0 : index
    %swap3A_232 = tpu.vector_load %arg11[%swap3A] {strides = array<i32>} : memref<9600xi32, #tpu.memory_space<vmem>>, vector<16xi32>,
    %swap3A_233 = vector.shape_cast %swap3A_232 : vector<16xi32> to vector<16xi32>
    %swap3A_234 = vector.shape_cast %add3A_190 : vector<16xi32> to vector<16xi32>
    tpu.vector_store %arg11[%swap3A], %swap3A_234 {strides = array<i32>} : memref<9600xi32, #tpu.memory_space<vmem>>, vector<16xi32>,
    %swap3A_235 = arith.constant 3200 : index
    %swap3A_236 = tpu.vector_load %arg11[%swap3A_235] {strides = array<i32>} : memref<9600xi32, #tpu.memory_space<vmem>>, vector<16xi32>,
    %swap3A_237 = vector.shape_cast %swap3A_236 : vector<16xi32> to vector<16xi32>
    %swap3A_238 = vector.shape_cast %add3A_207 : vector<16xi32> to vector<16xi32>
    tpu.vector_store %arg11[%swap3A_235], %swap3A_238 {strides = array<i32>} : memref<9600xi32, #tpu.memory_space<vmem>>, vector<16xi32>,
    %swap3A_239 = arith.constant 6400 : index
    %swap3A_240 = tpu.vector_load %arg11[%swap3A_239] {strides = array<i32>} : memref<9600xi32, #tpu.memory_space<vmem>>, vector<16xi32>,
    %swap3A_241 = vector.shape_cast %swap3A_240 : vector<16xi32> to vector<16xi32>
    %swap3A_242 = vector.shape_cast %add3A_231 : vector<16xi32> to vector<16xi32>
    tpu.vector_store %arg11[%swap3A_239], %swap3A_242 {strides = array<i32>} : memref<9600xi32, #tpu.memory_space<vmem>>, vector<16xi32>,
    %get3A_243 = arith.constant 16 : index
    %get3A_244 = tpu.vector_load %arg10[%get3A_243] {strides = array<i32>} : memref<28800xi32, #tpu.memory_space<vmem>>, vector<16xi32>,
    %get3A_245 = vector.shape_cast %get3A_244 : vector<16xi32> to vector<16xi32>
    %mul3A_246 = arith.constant 5 : i32
    %mul3A_247 = vector.broadcast %mul3A_246 : i32 to vector<16xi32>
    %mul3A_248 = arith.muli %get3A_245, %mul3A_247 : vector<16xi32>
    %get3A_249 = arith.constant 3216 : index
    %get3A_250 = tpu.vector_load %arg10[%get3A_249] {strides = array<i32>} : memref<28800xi32, #tpu.memory_space<vmem>>, vector<16xi32>,
    %get3A_251 = vector.shape_cast %get3A_250 : vector<16xi32> to vector<16xi32>
    %add3A_252 = arith.addi %mul3A_248, %get3A_251 : vector<16xi32>
    %get3A_253 = arith.constant 6416 : index
    %get3A_254 = tpu.vector_load %arg10[%get3A_253] {strides = array<i32>} : memref<28800xi32, #tpu.memory_space<vmem>>, vector<16xi32>,
    %get3A_255 = vector.shape_cast %get3A_254 : vector<16xi32> to vector<16xi32>
    %mul3A_256 = arith.constant 120 : i32
    %mul3A_257 = vector.broadcast %mul3A_256 : i32 to vector<16xi32>
    %mul3A_258 = arith.muli %get3A_255, %mul3A_257 : vector<16xi32>
    %get3A_259 = arith.constant 9616 : index
    %get3A_260 = tpu.vector_load %arg10[%get3A_259] {strides = array<i32>} : memref<28800xi32, #tpu.memory_space<vmem>>, vector<16xi32>,
    %get3A_261 = vector.shape_cast %get3A_260 : vector<16xi32> to vector<16xi32>
    %mul3A_262 = arith.constant 10 : i32
    %mul3A_263 = vector.broadcast %mul3A_262 : i32 to vector<16xi32>
    %mul3A_264 = arith.muli %get3A_261, %mul3A_263 : vector<16xi32>
    %add3A_265 = arith.addi %mul3A_258, %mul3A_264 : vector<16xi32>
    %get3A_266 = arith.constant 12816 : index
    %get3A_267 = tpu.vector_load %arg10[%get3A_266] {strides = array<i32>} : memref<28800xi32, #tpu.memory_space<vmem>>, vector<16xi32>,
    %get3A_268 = vector.shape_cast %get3A_267 : vector<16xi32> to vector<16xi32>
    %add3A_269 = arith.addi %add3A_265, %get3A_268 : vector<16xi32>
    %get3A_270 = arith.constant 16016 : index
    %get3A_271 = tpu.vector_load %arg10[%get3A_270] {strides = array<i32>} : memref<28800xi32, #tpu.memory_space<vmem>>, vector<16xi32>,
    %get3A_272 = vector.shape_cast %get3A_271 : vector<16xi32> to vector<16xi32>
    %mul3A_273 = arith.constant 24 : i32
    %mul3A_274 = vector.broadcast %mul3A_273 : i32 to vector<16xi32>
    %mul3A_275 = arith.muli %get3A_272, %mul3A_274 : vector<16xi32>
    %get3A_276 = arith.constant 19216 : index
    %get3A_277 = tpu.vector_load %arg10[%get3A_276] {strides = array<i32>} : memref<28800xi32, #tpu.memory_space<vmem>>, vector<16xi32>,
    %get3A_278 = vector.shape_cast %get3A_277 : vector<16xi32> to vector<16xi32>
    %mul3A_279 = arith.constant 4 : i32
    %mul3A_280 = vector.broadcast %mul3A_279 : i32 to vector<16xi32>
    %mul3A_281 = arith.muli %get3A_278, %mul3A_280 : vector<16xi32>
    %add3A_282 = arith.addi %mul3A_275, %mul3A_281 : vector<16xi32>
    %get3A_283 = arith.constant 22416 : index
    %get3A_284 = tpu.vector_load %arg10[%get3A_283] {strides = array<i32>} : memref<28800xi32, #tpu.memory_space<vmem>>, vector<16xi32>,
    %get3A_285 = vector.shape_cast %get3A_284 : vector<16xi32> to vector<16xi32>
    %mul3A_286 = arith.constant 2 : i32
    %mul3A_287 = vector.broadcast %mul3A_286 : i32 to vector<16xi32>
    %mul3A_288 = arith.muli %get3A_285, %mul3A_287 : vector<16xi32>
    %add3A_289 = arith.addi %add3A_282, %mul3A_288 : vector<16xi32>
    %get3A_290 = arith.constant 25616 : index
    %get3A_291 = tpu.vector_load %arg10[%get3A_290] {strides = array<i32>} : memref<28800xi32, #tpu.memory_space<vmem>>, vector<16xi32>,
    %get3A_292 = vector.shape_cast %get3A_291 : vector<16xi32> to vector<16xi32>
    %add3A_293 = arith.addi %add3A_289, %get3A_292 : vector<16xi32>
    %swap3A_294 = arith.constant 16 : index
    %swap3A_295 = tpu.vector_load %arg11[%swap3A_294] {strides = array<i32>} : memref<9600xi32, #tpu.memory_space<vmem>>, vector<16xi32>,
    %swap3A_296 = vector.shape_cast %swap3A_295 : vector<16xi32> to vector<16xi32>
    %swap3A_297 = vector.shape_cast %add3A_252 : vector<16xi32> to vector<16xi32>
    tpu.vector_store %arg11[%swap3A_294], %swap3A_297 {strides = array<i32>} : memref<9600xi32, #tpu.memory_space<vmem>>, vector<16xi32>,
    %swap3A_298 = arith.constant 3216 : index
    %swap3A_299 = tpu.vector_load %arg11[%swap3A_298] {strides = array<i32>} : memref<9600xi32, #tpu.memory_space<vmem>>, vector<16xi32>,
    %swap3A_300 = vector.shape_cast %swap3A_299 : vector<16xi32> to vector<16xi32>
    %swap3A_301 = vector.shape_cast %add3A_269 : vector<16xi32> to vector<16xi32>
    tpu.vector_store %arg11[%swap3A_298], %swap3A_301 {strides = array<i32>} : memref<9600xi32, #tpu.memory_space<vmem>>, vector<16xi32>,
    %swap3A_302 = arith.constant 6416 : index
    %swap3A_303 = tpu.vector_load %arg11[%swap3A_302] {strides = array<i32>} : memref<9600xi32, #tpu.memory_space<vmem>>, vector<16xi32>,
    %swap3A_304 = vector.shape_cast %swap3A_303 : vector<16xi32> to vector<16xi32>
    %swap3A_305 = vector.shape_cast %add3A_293 : vector<16xi32> to vector<16xi32>
    tpu.vector_store %arg11[%swap3A_302], %swap3A_305 {strides = array<i32>} : memref<9600xi32, #tpu.memory_space<vmem>>, vector<16xi32>,
    %get3A_306 = arith.constant 32 : index
    %get3A_307 = tpu.vector_load %arg10[%get3A_306] {strides = array<i32>} : memref<28800xi32, #tpu.memory_space<vmem>>, vector<16xi32>,
    %get3A_308 = vector.shape_cast %get3A_307 : vector<16xi32> to vector<16xi32>
    %mul3A_309 = arith.constant 5 : i32
    %mul3A_310 = vector.broadcast %mul3A_309 : i32 to vector<16xi32>
    %mul3A_311 = arith.muli %get3A_308, %mul3A_310 : vector<16xi32>
    %get3A_312 = arith.constant 3232 : index
    %get3A_313 = tpu.vector_load %arg10[%get3A_312] {strides = array<i32>} : memref<28800xi32, #tpu.memory_space<vmem>>, vector<16xi32>,
    %get3A_314 = vector.shape_cast %get3A_313 : vector<16xi32> to vector<16xi32>
    %add3A_315 = arith.addi %mul3A_311, %get3A_314 : vector<16xi32>
    %get3A_316 = arith.constant 6432 : index
    %get3A_317 = tpu.vector_load %arg10[%get3A_316] {strides = array<i32>} : memref<28800xi32, #tpu.memory_space<vmem>>, vector<16xi32>,
    %get3A_318 = vector.shape_cast %get3A_317 : vector<16xi32> to vector<16xi32>
    %mul3A_319 = arith.constant 120 : i32
    %mul3A_320 = vector.broadcast %mul3A_319 : i32 to vector<16xi32>
    %mul3A_321 = arith.muli %get3A_318, %mul3A_320 : vector<16xi32>
    %get3A_322 = arith.constant 9632 : index
    %get3A_323 = tpu.vector_load %arg10[%get3A_322] {strides = array<i32>} : memref<28800xi32, #tpu.memory_space<vmem>>, vector<16xi32>,
    %get3A_324 = vector.shape_cast %get3A_323 : vector<16xi32> to vector<16xi32>
    %mul3A_325 = arith.constant 10 : i32
    %mul3A_326 = vector.broadcast %mul3A_325 : i32 to vector<16xi32>
    %mul3A_327 = arith.muli %get3A_324, %mul3A_326 : vector<16xi32>
    %add3A_328 = arith.addi %mul3A_321, %mul3A_327 : vector<16xi32>
    %get3A_329 = arith.constant 12832 : index
    %get3A_330 = tpu.vector_load %arg10[%get3A_329] {strides = array<i32>} : memref<28800xi32, #tpu.memory_space<vmem>>, vector<16xi32>,
    %get3A_331 = vector.shape_cast %get3A_330 : vector<16xi32> to vector<16xi32>
    %add3A_332 = arith.addi %add3A_328, %get3A_331 : vector<16xi32>
    %get3A_333 = arith.constant 16032 : index
    %get3A_334 = tpu.vector_load %arg10[%get3A_333] {strides = array<i32>} : memref<28800xi32, #tpu.memory_space<vmem>>, vector<16xi32>,
    %get3A_335 = vector.shape_cast %get3A_334 : vector<16xi32> to vector<16xi32>
    %mul3A_336 = arith.constant 24 : i32
    %mul3A_337 = vector.broadcast %mul3A_336 : i32 to vector<16xi32>
    %mul3A_338 = arith.muli %get3A_335, %mul3A_337 : vector<16xi32>
    %get3A_339 = arith.constant 19232 : index
    %get3A_340 = tpu.vector_load %arg10[%get3A_339] {strides = array<i32>} : memref<28800xi32, #tpu.memory_space<vmem>>, vector<16xi32>,
    %get3A_341 = vector.shape_cast %get3A_340 : vector<16xi32> to vector<16xi32>
    %mul3A_342 = arith.constant 4 : i32
    %mul3A_343 = vector.broadcast %mul3A_342 : i32 to vector<16xi32>
    %mul3A_344 = arith.muli %get3A_341, %mul3A_343 : vector<16xi32>
    %add3A_345 = arith.addi %mul3A_338, %mul3A_344 : vector<16xi32>
    %get3A_346 = arith.constant 22432 : index
    %get3A_347 = tpu.vector_load %arg10[%get3A_346] {strides = array<i32>} : memref<28800xi32, #tpu.memory_space<vmem>>, vector<16xi32>,
    %get3A_348 = vector.shape_cast %get3A_347 : vector<16xi32> to vector<16xi32>
    %mul3A_349 = arith.constant 2 : i32
    %mul3A_350 = vector.broadcast %mul3A_349 : i32 to vector<16xi32>
    %mul3A_351 = arith.muli %get3A_348, %mul3A_350 : vector<16xi32>
    %add3A_352 = arith.addi %add3A_345, %mul3A_351 : vector<16xi32>
    %get3A_353 = arith.constant 25632 : index
    %get3A_354 = tpu.vector_load %arg10[%get3A_353] {strides = array<i32>} : memref<28800xi32, #tpu.memory_space<vmem>>, vector<16xi32>,
    %get3A_355 = vector.shape_cast %get3A_354 : vector<16xi32> to vector<16xi32>
    %add3A_356 = arith.addi %add3A_352, %get3A_355 : vector<16xi32>
    %swap3A_357 = arith.constant 32 : index
    %swap3A_358 = tpu.vector_load %arg11[%swap3A_357] {strides = array<i32>} : memref<9600xi32, #tpu.memory_space<vmem>>, vector<16xi32>,
    %swap3A_359 = vector.shape_cast %swap3A_358 : vector<16xi32> to vector<16xi32>
    %swap3A_360 = vector.shape_cast %add3A_315 : vector<16xi32> to vector<16xi32>
    tpu.vector_store %arg11[%swap3A_357], %swap3A_360 {strides = array<i32>} : memref<9600xi32, #tpu.memory_space<vmem>>, vector<16xi32>,
    %swap3A_361 = arith.constant 3232 : index
    %swap3A_362 = tpu.vector_load %arg11[%swap3A_361] {strides = array<i32>} : memref<9600xi32, #tpu.memory_space<vmem>>, vector<16xi32>,
    %swap3A_363 = vector.shape_cast %swap3A_362 : vector<16xi32> to vector<16xi32>
    %swap3A_364 = vector.shape_cast %add3A_332 : vector<16xi32> to vector<16xi32>
    tpu.vector_store %arg11[%swap3A_361], %swap3A_364 {strides = array<i32>} : memref<9600xi32, #tpu.memory_space<vmem>>, vector<16xi32>,
    %swap3A_365 = arith.constant 6432 : index
    %swap3A_366 = tpu.vector_load %arg11[%swap3A_365] {strides = array<i32>} : memref<9600xi32, #tpu.memory_space<vmem>>, vector<16xi32>,
    %swap3A_367 = vector.shape_cast %swap3A_366 : vector<16xi32> to vector<16xi32>
    %swap3A_368 = vector.shape_cast %add3A_356 : vector<16xi32> to vector<16xi32>
    tpu.vector_store %arg11[%swap3A_365], %swap3A_368 {strides = array<i32>} : memref<9600xi32, #tpu.memory_space<vmem>>, vector<16xi32>,
    %get3A_369 = arith.constant 48 : index
    %get3A_370 = tpu.vector_load %arg10[%get3A_369] {strides = array<i32>} : memref<28800xi32, #tpu.memory_space<vmem>>, vector<16xi32>,
    %get3A_371 = vector.shape_cast %get3A_370 : vector<16xi32> to vector<16xi32>
    %mul3A_372 = arith.constant 5 : i32
    %mul3A_373 = vector.broadcast %mul3A_372 : i32 to vector<16xi32>
    %mul3A_374 = arith.muli %get3A_371, %mul3A_373 : vector<16xi32>
    %get3A_375 = arith.constant 3248 : index
    %get3A_376 = tpu.vector_load %arg10[%get3A_375] {strides = array<i32>} : memref<28800xi32, #tpu.memory_space<vmem>>, vector<16xi32>,
    %get3A_377 = vector.shape_cast %get3A_376 : vector<16xi32> to vector<16xi32>
    %add3A_378 = arith.addi %mul3A_374, %get3A_377 : vector<16xi32>
    %get3A_379 = arith.constant 6448 : index
    %get3A_380 = tpu.vector_load %arg10[%get3A_379] {strides = array<i32>} : memref<28800xi32, #tpu.memory_space<vmem>>, vector<16xi32>,
    %get3A_381 = vector.shape_cast %get3A_380 : vector<16xi32> to vector<16xi32>
    %mul3A_382 = arith.constant 120 : i32
    %mul3A_383 = vector.broadcast %mul3A_382 : i32 to vector<16xi32>
    %mul3A_384 = arith.muli %get3A_381, %mul3A_383 : vector<16xi32>
    %get3A_385 = arith.constant 9648 : index
    %get3A_386 = tpu.vector_load %arg10[%get3A_385] {strides = array<i32>} : memref<28800xi32, #tpu.memory_space<vmem>>, vector<16xi32>,
    %get3A_387 = vector.shape_cast %get3A_386 : vector<16xi32> to vector<16xi32>
    %mul3A_388 = arith.constant 10 : i32
    %mul3A_389 = vector.broadcast %mul3A_388 : i32 to vector<16xi32>
    %mul3A_390 = arith.muli %get3A_387, %mul3A_389 : vector<16xi32>
    %add3A_391 = arith.addi %mul3A_384, %mul3A_390 : vector<16xi32>
    %get3A_392 = arith.constant 12848 : index
    %get3A_393 = tpu.vector_load %arg10[%get3A_392] {strides = array<i32>} : memref<28800xi32, #tpu.memory_space<vmem>>, vector<16xi32>,
    %get3A_394 = vector.shape_cast %get3A_393 : vector<16xi32> to vector<16xi32>
    %add3A_395 = arith.addi %add3A_391, %get3A_394 : vector<16xi32>
    %get3A_396 = arith.constant 16048 : index
    %get3A_397 = tpu.vector_load %arg10[%get3A_396] {strides = array<i32>} : memref<28800xi32, #tpu.memory_space<vmem>>, vector<16xi32>,
    %get3A_398 = vector.shape_cast %get3A_397 : vector<16xi32> to vector<16xi32>
    %mul3A_399 = arith.constant 24 : i32
    %mul3A_400 = vector.broadcast %mul3A_399 : i32 to vector<16xi32>
    %mul3A_401 = arith.muli %get3A_398, %mul3A_400 : vector<16xi32>
    %get3A_402 = arith.constant 19248 : index
    %get3A_403 = tpu.vector_load %arg10[%get3A_402] {strides = array<i32>} : memref<28800xi32, #tpu.memory_space<vmem>>, vector<16xi32>,
    %get3A_404 = vector.shape_cast %get3A_403 : vector<16xi32> to vector<16xi32>
    %mul3A_405 = arith.constant 4 : i32
    %mul3A_406 = vector.broadcast %mul3A_405 : i32 to vector<16xi32>
    %mul3A_407 = arith.muli %get3A_404, %mul3A_406 : vector<16xi32>
    %add3A_408 = arith.addi %mul3A_401, %mul3A_407 : vector<16xi32>
    %get3A_409 = arith.constant 22448 : index
    %get3A_410 = tpu.vector_load %arg10[%get3A_409] {strides = array<i32>} : memref<28800xi32, #tpu.memory_space<vmem>>, vector<16xi32>,
    %get3A_411 = vector.shape_cast %get3A_410 : vector<16xi32> to vector<16xi32>
    %mul3A_412 = arith.constant 2 : i32
    %mul3A_413 = vector.broadcast %mul3A_412 : i32 to vector<16xi32>
    %mul3A_414 = arith.muli %get3A_411, %mul3A_413 : vector<16xi32>
    %add3A_415 = arith.addi %add3A_408, %mul3A_414 : vector<16xi32>
    %get3A_416 = arith.constant 25648 : index
    %get3A_417 = tpu.vector_load %arg10[%get3A_416] {strides = array<i32>} : memref<28800xi32, #tpu.memory_space<vmem>>, vector<16xi32>,
    %get3A_418 = vector.shape_cast %get3A_417 : vector<16xi32> to vector<16xi32>
    %add3A_419 = arith.addi %add3A_415, %get3A_418 : vector<16xi32>
    %swap3A_420 = arith.constant 48 : index
    %swap3A_421 = tpu.vector_load %arg11[%swap3A_420] {strides = array<i32>} : memref<9600xi32, #tpu.memory_space<vmem>>, vector<16xi32>,
    %swap3A_422 = vector.shape_cast %swap3A_421 : vector<16xi32> to vector<16xi32>
    %swap3A_423 = vector.shape_cast %add3A_378 : vector<16xi32> to vector<16xi32>
    tpu.vector_store %arg11[%swap3A_420], %swap3A_423 {strides = array<i32>} : memref<9600xi32, #tpu.memory_space<vmem>>, vector<16xi32>,
    %swap3A_424 = arith.constant 3248 : index
    %swap3A_425 = tpu.vector_load %arg11[%swap3A_424] {strides = array<i32>} : memref<9600xi32, #tpu.memory_space<vmem>>, vector<16xi32>,
    %swap3A_426 = vector.shape_cast %swap3A_425 : vector<16xi32> to vector<16xi32>
    %swap3A_427 = vector.shape_cast %add3A_395 : vector<16xi32> to vector<16xi32>
    tpu.vector_store %arg11[%swap3A_424], %swap3A_427 {strides = array<i32>} : memref<9600xi32, #tpu.memory_space<vmem>>, vector<16xi32>,
    %swap3A_428 = arith.constant 6448 : index
    %swap3A_429 = tpu.vector_load %arg11[%swap3A_428] {strides = array<i32>} : memref<9600xi32, #tpu.memory_space<vmem>>, vector<16xi32>,
    %swap3A_430 = vector.shape_cast %swap3A_429 : vector<16xi32> to vector<16xi32>
    %swap3A_431 = vector.shape_cast %add3A_419 : vector<16xi32> to vector<16xi32>
    tpu.vector_store %arg11[%swap3A_428], %swap3A_431 {strides = array<i32>} : memref<9600xi32, #tpu.memory_space<vmem>>, vector<16xi32>,
    %get3A_432 = arith.constant 64 : index
    %get3A_433 = tpu.vector_load %arg10[%get3A_432] {strides = array<i32>} : memref<28800xi32, #tpu.memory_space<vmem>>, vector<16xi32>,
    %get3A_434 = vector.shape_cast %get3A_433 : vector<16xi32> to vector<16xi32>
    %mul3A_435 = arith.constant 5 : i32
    %mul3A_436 = vector.broadcast %mul3A_435 : i32 to vector<16xi32>
    %mul3A_437 = arith.muli %get3A_434, %mul3A_436 : vector<16xi32>
    %get3A_438 = arith.constant 3264 : index
    %get3A_439 = tpu.vector_load %arg10[%get3A_438] {strides = array<i32>} : memref<28800xi32, #tpu.memory_space<vmem>>, vector<16xi32>,
    %get3A_440 = vector.shape_cast %get3A_439 : vector<16xi32> to vector<16xi32>
    %add3A_441 = arith.addi %mul3A_437, %get3A_440 : vector<16xi32>
    %get3A_442 = arith.constant 6464 : index
    %get3A_443 = tpu.vector_load %arg10[%get3A_442] {strides = array<i32>} : memref<28800xi32, #tpu.memory_space<vmem>>, vector<16xi32>,
    %get3A_444 = vector.shape_cast %get3A_443 : vector<16xi32> to vector<16xi32>
    %mul3A_445 = arith.constant 120 : i32
    %mul3A_446 = vector.broadcast %mul3A_445 : i32 to vector<16xi32>
    %mul3A_447 = arith.muli %get3A_444, %mul3A_446 : vector<16xi32>
    %get3A_448 = arith.constant 9664 : index
    %get3A_449 = tpu.vector_load %arg10[%get3A_448] {strides = array<i32>} : memref<28800xi32, #tpu.memory_space<vmem>>, vector<16xi32>,
    %get3A_450 = vector.shape_cast %get3A_449 : vector<16xi32> to vector<16xi32>
    %mul3A_451 = arith.constant 10 : i32
    %mul3A_452 = vector.broadcast %mul3A_451 : i32 to vector<16xi32>
    %mul3A_453 = arith.muli %get3A_450, %mul3A_452 : vector<16xi32>
    %add3A_454 = arith.addi %mul3A_447, %mul3A_453 : vector<16xi32>
    %get3A_455 = arith.constant 12864 : index
    %get3A_456 = tpu.vector_load %arg10[%get3A_455] {strides = array<i32>} : memref<28800xi32, #tpu.memory_space<vmem>>, vector<16xi32>,
    %get3A_457 = vector.shape_cast %get3A_456 : vector<16xi32> to vector<16xi32>
    %add3A_458 = arith.addi %add3A_454, %get3A_457 : vector<16xi32>
    %get3A_459 = arith.constant 16064 : index
    %get3A_460 = tpu.vector_load %arg10[%get3A_459] {strides = array<i32>} : memref<28800xi32, #tpu.memory_space<vmem>>, vector<16xi32>,
    %get3A_461 = vector.shape_cast %get3A_460 : vector<16xi32> to vector<16xi32>
    %mul3A_462 = arith.constant 24 : i32
    %mul3A_463 = vector.broadcast %mul3A_462 : i32 to vector<16xi32>
    %mul3A_464 = arith.muli %get3A_461, %mul3A_463 : vector<16xi32>
    %get3A_465 = arith.constant 19264 : index
    %get3A_466 = tpu.vector_load %arg10[%get3A_465] {strides = array<i32>} : memref<28800xi32, #tpu.memory_space<vmem>>, vector<16xi32>,
    %get3A_467 = vector.shape_cast %get3A_466 : vector<16xi32> to vector<16xi32>
    %mul3A_468 = arith.constant 4 : i32
    %mul3A_469 = vector.broadcast %mul3A_468 : i32 to vector<16xi32>
    %mul3A_470 = arith.muli %get3A_467, %mul3A_469 : vector<16xi32>
    %add3A_471 = arith.addi %mul3A_464, %mul3A_470 : vector<16xi32>
    %get3A_472 = arith.constant 22464 : index
    %get3A_473 = tpu.vector_load %arg10[%get3A_472] {strides = array<i32>} : memref<28800xi32, #tpu.memory_space<vmem>>, vector<16xi32>,
    %get3A_474 = vector.shape_cast %get3A_473 : vector<16xi32> to vector<16xi32>
    %mul3A_475 = arith.constant 2 : i32
    %mul3A_476 = vector.broadcast %mul3A_475 : i32 to vector<16xi32>
    %mul3A_477 = arith.muli %get3A_474, %mul3A_476 : vector<16xi32>
    %add3A_478 = arith.addi %add3A_471, %mul3A_477 : vector<16xi32>
    %get3A_479 = arith.constant 25664 : index
    %get3A_480 = tpu.vector_load %arg10[%get3A_479] {strides = array<i32>} : memref<28800xi32, #tpu.memory_space<vmem>>, vector<16xi32>,
    %get3A_481 = vector.shape_cast %get3A_480 : vector<16xi32> to vector<16xi32>
    %add3A_482 = arith.addi %add3A_478, %get3A_481 : vector<16xi32>
    %swap3A_483 = arith.constant 64 : index
    %swap3A_484 = tpu.vector_load %arg11[%swap3A_483] {strides = array<i32>} : memref<9600xi32, #tpu.memory_space<vmem>>, vector<16xi32>,
    %swap3A_485 = vector.shape_cast %swap3A_484 : vector<16xi32> to vector<16xi32>
    %swap3A_486 = vector.shape_cast %add3A_441 : vector<16xi32> to vector<16xi32>
    tpu.vector_store %arg11[%swap3A_483], %swap3A_486 {strides = array<i32>} : memref<9600xi32, #tpu.memory_space<vmem>>, vector<16xi32>,
    %swap3A_487 = arith.constant 3264 : index
    %swap3A_488 = tpu.vector_load %arg11[%swap3A_487] {strides = array<i32>} : memref<9600xi32, #tpu.memory_space<vmem>>, vector<16xi32>,
    %swap3A_489 = vector.shape_cast %swap3A_488 : vector<16xi32> to vector<16xi32>
    %swap3A_490 = vector.shape_cast %add3A_458 : vector<16xi32> to vector<16xi32>
    tpu.vector_store %arg11[%swap3A_487], %swap3A_490 {strides = array<i32>} : memref<9600xi32, #tpu.memory_space<vmem>>, vector<16xi32>,
    %swap3A_491 = arith.constant 6464 : index
    %swap3A_492 = tpu.vector_load %arg11[%swap3A_491] {strides = array<i32>} : memref<9600xi32, #tpu.memory_space<vmem>>, vector<16xi32>,
    %swap3A_493 = vector.shape_cast %swap3A_492 : vector<16xi32> to vector<16xi32>
    %swap3A_494 = vector.shape_cast %add3A_482 : vector<16xi32> to vector<16xi32>
    tpu.vector_store %arg11[%swap3A_491], %swap3A_494 {strides = array<i32>} : memref<9600xi32, #tpu.memory_space<vmem>>, vector<16xi32>,
    %get3A_495 = arith.constant 80 : index
    %get3A_496 = tpu.vector_load %arg10[%get3A_495] {strides = array<i32>} : memref<28800xi32, #tpu.memory_space<vmem>>, vector<16xi32>,
    %get3A_497 = vector.shape_cast %get3A_496 : vector<16xi32> to vector<16xi32>
    %mul3A_498 = arith.constant 5 : i32
    %mul3A_499 = vector.broadcast %mul3A_498 : i32 to vector<16xi32>
    %mul3A_500 = arith.muli %get3A_497, %mul3A_499 : vector<16xi32>
    %get3A_501 = arith.constant 3280 : index
    %get3A_502 = tpu.vector_load %arg10[%get3A_501] {strides = array<i32>} : memref<28800xi32, #tpu.memory_space<vmem>>, vector<16xi32>,
    %get3A_503 = vector.shape_cast %get3A_502 : vector<16xi32> to vector<16xi32>
    %add3A_504 = arith.addi %mul3A_500, %get3A_503 : vector<16xi32>
    %get3A_505 = arith.constant 6480 : index
    %get3A_506 = tpu.vector_load %arg10[%get3A_505] {strides = array<i32>} : memref<28800xi32, #tpu.memory_space<vmem>>, vector<16xi32>,
    %get3A_507 = vector.shape_cast %get3A_506 : vector<16xi32> to vector<16xi32>
    %mul3A_508 = arith.constant 120 : i32
    %mul3A_509 = vector.broadcast %mul3A_508 : i32 to vector<16xi32>
    %mul3A_510 = arith.muli %get3A_507, %mul3A_509 : vector<16xi32>
    %get3A_511 = arith.constant 9680 : index
    %get3A_512 = tpu.vector_load %arg10[%get3A_511] {strides = array<i32>} : memref<28800xi32, #tpu.memory_space<vmem>>, vector<16xi32>,
    %get3A_513 = vector.shape_cast %get3A_512 : vector<16xi32> to vector<16xi32>
    %mul3A_514 = arith.constant 10 : i32
    %mul3A_515 = vector.broadcast %mul3A_514 : i32 to vector<16xi32>
    %mul3A_516 = arith.muli %get3A_513, %mul3A_515 : vector<16xi32>
    %add3A_517 = arith.addi %mul3A_510, %mul3A_516 : vector<16xi32>
    %get3A_518 = arith.constant 12880 : index
    %get3A_519 = tpu.vector_load %arg10[%get3A_518] {strides = array<i32>} : memref<28800xi32, #tpu.memory_space<vmem>>, vector<16xi32>,
    %get3A_520 = vector.shape_cast %get3A_519 : vector<16xi32> to vector<16xi32>
    %add3A_521 = arith.addi %add3A_517, %get3A_520 : vector<16xi32>
    %get3A_522 = arith.constant 16080 : index
    %get3A_523 = tpu.vector_load %arg10[%get3A_522] {strides = array<i32>} : memref<28800xi32, #tpu.memory_space<vmem>>, vector<16xi32>,
    %get3A_524 = vector.shape_cast %get3A_523 : vector<16xi32> to vector<16xi32>
    %mul3A_525 = arith.constant 24 : i32
    %mul3A_526 = vector.broadcast %mul3A_525 : i32 to vector<16xi32>
    %mul3A_527 = arith.muli %get3A_524, %mul3A_526 : vector<16xi32>
    %get3A_528 = arith.constant 19280 : index
    %get3A_529 = tpu.vector_load %arg10[%get3A_528] {strides = array<i32>} : memref<28800xi32, #tpu.memory_space<vmem>>, vector<16xi32>,
    %get3A_530 = vector.shape_cast %get3A_529 : vector<16xi32> to vector<16xi32>
    %mul3A_531 = arith.constant 4 : i32
    %mul3A_532 = vector.broadcast %mul3A_531 : i32 to vector<16xi32>
    %mul3A_533 = arith.muli %get3A_530, %mul3A_532 : vector<16xi32>
    %add3A_534 = arith.addi %mul3A_527, %mul3A_533 : vector<16xi32>
    %get3A_535 = arith.constant 22480 : index
    %get3A_536 = tpu.vector_load %arg10[%get3A_535] {strides = array<i32>} : memref<28800xi32, #tpu.memory_space<vmem>>, vector<16xi32>,
    %get3A_537 = vector.shape_cast %get3A_536 : vector<16xi32> to vector<16xi32>
    %mul3A_538 = arith.constant 2 : i32
    %mul3A_539 = vector.broadcast %mul3A_538 : i32 to vector<16xi32>
    %mul3A_540 = arith.muli %get3A_537, %mul3A_539 : vector<16xi32>
    %add3A_541 = arith.addi %add3A_534, %mul3A_540 : vector<16xi32>
    %get3A_542 = arith.constant 25680 : index
    %get3A_543 = tpu.vector_load %arg10[%get3A_542] {strides = array<i32>} : memref<28800xi32, #tpu.memory_space<vmem>>, vector<16xi32>,
    %get3A_544 = vector.shape_cast %get3A_543 : vector<16xi32> to vector<16xi32>
    %add3A_545 = arith.addi %add3A_541, %get3A_544 : vector<16xi32>
    %swap3A_546 = arith.constant 80 : index
    %swap3A_547 = tpu.vector_load %arg11[%swap3A_546] {strides = array<i32>} : memref<9600xi32, #tpu.memory_space<vmem>>, vector<16xi32>,
    %swap3A_548 = vector.shape_cast %swap3A_547 : vector<16xi32> to vector<16xi32>
    %swap3A_549 = vector.shape_cast %add3A_504 : vector<16xi32> to vector<16xi32>
    tpu.vector_store %arg11[%swap3A_546], %swap3A_549 {strides = array<i32>} : memref<9600xi32, #tpu.memory_space<vmem>>, vector<16xi32>,
    %swap3A_550 = arith.constant 3280 : index
    %swap3A_551 = tpu.vector_load %arg11[%swap3A_550] {strides = array<i32>} : memref<9600xi32, #tpu.memory_space<vmem>>, vector<16xi32>,
    %swap3A_552 = vector.shape_cast %swap3A_551 : vector<16xi32> to vector<16xi32>
    %swap3A_553 = vector.shape_cast %add3A_521 : vector<16xi32> to vector<16xi32>
    tpu.vector_store %arg11[%swap3A_550], %swap3A_553 {strides = array<i32>} : memref<9600xi32, #tpu.memory_space<vmem>>, vector<16xi32>,
    %swap3A_554 = arith.constant 6480 : index
    %swap3A_555 = tpu.vector_load %arg11[%swap3A_554] {strides = array<i32>} : memref<9600xi32, #tpu.memory_space<vmem>>, vector<16xi32>,
    %swap3A_556 = vector.shape_cast %swap3A_555 : vector<16xi32> to vector<16xi32>
    %swap3A_557 = vector.shape_cast %add3A_545 : vector<16xi32> to vector<16xi32>
    tpu.vector_store %arg11[%swap3A_554], %swap3A_557 {strides = array<i32>} : memref<9600xi32, #tpu.memory_space<vmem>>, vector<16xi32>,
    %get3A_558 = arith.constant 96 : index
    %get3A_559 = tpu.vector_load %arg10[%get3A_558] {strides = array<i32>} : memref<28800xi32, #tpu.memory_space<vmem>>, vector<16xi32>,
    %get3A_560 = vector.shape_cast %get3A_559 : vector<16xi32> to vector<16xi32>
    %mul3A_561 = arith.constant 5 : i32
    %mul3A_562 = vector.broadcast %mul3A_561 : i32 to vector<16xi32>
    %mul3A_563 = arith.muli %get3A_560, %mul3A_562 : vector<16xi32>
    %get3A_564 = arith.constant 3296 : index
    %get3A_565 = tpu.vector_load %arg10[%get3A_564] {strides = array<i32>} : memref<28800xi32, #tpu.memory_space<vmem>>, vector<16xi32>,
    %get3A_566 = vector.shape_cast %get3A_565 : vector<16xi32> to vector<16xi32>
    %add3A_567 = arith.addi %mul3A_563, %get3A_566 : vector<16xi32>
    %get3A_568 = arith.constant 6496 : index
    %get3A_569 = tpu.vector_load %arg10[%get3A_568] {strides = array<i32>} : memref<28800xi32, #tpu.memory_space<vmem>>, vector<16xi32>,
    %get3A_570 = vector.shape_cast %get3A_569 : vector<16xi32> to vector<16xi32>
    %mul3A_571 = arith.constant 120 : i32
    %mul3A_572 = vector.broadcast %mul3A_571 : i32 to vector<16xi32>
    %mul3A_573 = arith.muli %get3A_570, %mul3A_572 : vector<16xi32>
    %get3A_574 = arith.constant 9696 : index
    %get3A_575 = tpu.vector_load %arg10[%get3A_574] {strides = array<i32>} : memref<28800xi32, #tpu.memory_space<vmem>>, vector<16xi32>,
    %get3A_576 = vector.shape_cast %get3A_575 : vector<16xi32> to vector<16xi32>
    %mul3A_577 = arith.constant 10 : i32
    %mul3A_578 = vector.broadcast %mul3A_577 : i32 to vector<16xi32>
    %mul3A_579 = arith.muli %get3A_576, %mul3A_578 : vector<16xi32>
    %add3A_580 = arith.addi %mul3A_573, %mul3A_579 : vector<16xi32>
    %get3A_581 = arith.constant 12896 : index
    %get3A_582 = tpu.vector_load %arg10[%get3A_581] {strides = array<i32>} : memref<28800xi32, #tpu.memory_space<vmem>>, vector<16xi32>,
    %get3A_583 = vector.shape_cast %get3A_582 : vector<16xi32> to vector<16xi32>
    %add3A_584 = arith.addi %add3A_580, %get3A_583 : vector<16xi32>
    %get3A_585 = arith.constant 16096 : index
    %get3A_586 = tpu.vector_load %arg10[%get3A_585] {strides = array<i32>} : memref<28800xi32, #tpu.memory_space<vmem>>, vector<16xi32>,
    %get3A_587 = vector.shape_cast %get3A_586 : vector<16xi32> to vector<16xi32>
    %mul3A_588 = arith.constant 24 : i32
    %mul3A_589 = vector.broadcast %mul3A_588 : i32 to vector<16xi32>
    %mul3A_590 = arith.muli %get3A_587, %mul3A_589 : vector<16xi32>
    %get3A_591 = arith.constant 19296 : index
    %get3A_592 = tpu.vector_load %arg10[%get3A_591] {strides = array<i32>} : memref<28800xi32, #tpu.memory_space<vmem>>, vector<16xi32>,
    %get3A_593 = vector.shape_cast %get3A_592 : vector<16xi32> to vector<16xi32>
    %mul3A_594 = arith.constant 4 : i32
    %mul3A_595 = vector.broadcast %mul3A_594 : i32 to vector<16xi32>
    %mul3A_596 = arith.muli %get3A_593, %mul3A_595 : vector<16xi32>
    %add3A_597 = arith.addi %mul3A_590, %mul3A_596 : vector<16xi32>
    %get3A_598 = arith.constant 22496 : index
    %get3A_599 = tpu.vector_load %arg10[%get3A_598] {strides = array<i32>} : memref<28800xi32, #tpu.memory_space<vmem>>, vector<16xi32>,
    %get3A_600 = vector.shape_cast %get3A_599 : vector<16xi32> to vector<16xi32>
    %mul3A_601 = arith.constant 2 : i32
    %mul3A_602 = vector.broadcast %mul3A_601 : i32 to vector<16xi32>
    %mul3A_603 = arith.muli %get3A_600, %mul3A_602 : vector<16xi32>
    %add3A_604 = arith.addi %add3A_597, %mul3A_603 : vector<16xi32>
    %get3A_605 = arith.constant 25696 : index
    %get3A_606 = tpu.vector_load %arg10[%get3A_605] {strides = array<i32>} : memref<28800xi32, #tpu.memory_space<vmem>>, vector<16xi32>,
    %get3A_607 = vector.shape_cast %get3A_606 : vector<16xi32> to vector<16xi32>
    %add3A_608 = arith.addi %add3A_604, %get3A_607 : vector<16xi32>
    %swap3A_609 = arith.constant 96 : index
    %swap3A_610 = tpu.vector_load %arg11[%swap3A_609] {strides = array<i32>} : memref<9600xi32, #tpu.memory_space<vmem>>, vector<16xi32>,
    %swap3A_611 = vector.shape_cast %swap3A_610 : vector<16xi32> to vector<16xi32>
    %swap3A_612 = vector.shape_cast %add3A_567 : vector<16xi32> to vector<16xi32>
    tpu.vector_store %arg11[%swap3A_609], %swap3A_612 {strides = array<i32>} : memref<9600xi32, #tpu.memory_space<vmem>>, vector<16xi32>,
    %swap3A_613 = arith.constant 3296 : index
    %swap3A_614 = tpu.vector_load %arg11[%swap3A_613] {strides = array<i32>} : memref<9600xi32, #tpu.memory_space<vmem>>, vector<16xi32>,
    %swap3A_615 = vector.shape_cast %swap3A_614 : vector<16xi32> to vector<16xi32>
    %swap3A_616 = vector.shape_cast %add3A_584 : vector<16xi32> to vector<16xi32>
    tpu.vector_store %arg11[%swap3A_613], %swap3A_616 {strides = array<i32>} : memref<9600xi32, #tpu.memory_space<vmem>>, vector<16xi32>,
    %swap3A_617 = arith.constant 6496 : index
    %swap3A_618 = tpu.vector_load %arg11[%swap3A_617] {strides = array<i32>} : memref<9600xi32, #tpu.memory_space<vmem>>, vector<16xi32>,
    %swap3A_619 = vector.shape_cast %swap3A_618 : vector<16xi32> to vector<16xi32>
    %swap3A_620 = vector.shape_cast %add3A_608 : vector<16xi32> to vector<16xi32>
    tpu.vector_store %arg11[%swap3A_617], %swap3A_620 {strides = array<i32>} : memref<9600xi32, #tpu.memory_space<vmem>>, vector<16xi32>,
    %get3A_621 = arith.constant 112 : index
    %get3A_622 = tpu.vector_load %arg10[%get3A_621] {strides = array<i32>} : memref<28800xi32, #tpu.memory_space<vmem>>, vector<16xi32>,
    %get3A_623 = vector.shape_cast %get3A_622 : vector<16xi32> to vector<16xi32>
    %mul3A_624 = arith.constant 5 : i32
    %mul3A_625 = vector.broadcast %mul3A_624 : i32 to vector<16xi32>
    %mul3A_626 = arith.muli %get3A_623, %mul3A_625 : vector<16xi32>
    %get3A_627 = arith.constant 3312 : index
    %get3A_628 = tpu.vector_load %arg10[%get3A_627] {strides = array<i32>} : memref<28800xi32, #tpu.memory_space<vmem>>, vector<16xi32>,
    %get3A_629 = vector.shape_cast %get3A_628 : vector<16xi32> to vector<16xi32>
    %add3A_630 = arith.addi %mul3A_626, %get3A_629 : vector<16xi32>
    %get3A_631 = arith.constant 6512 : index
    %get3A_632 = tpu.vector_load %arg10[%get3A_631] {strides = array<i32>} : memref<28800xi32, #tpu.memory_space<vmem>>, vector<16xi32>,
    %get3A_633 = vector.shape_cast %get3A_632 : vector<16xi32> to vector<16xi32>
    %mul3A_634 = arith.constant 120 : i32
    %mul3A_635 = vector.broadcast %mul3A_634 : i32 to vector<16xi32>
    %mul3A_636 = arith.muli %get3A_633, %mul3A_635 : vector<16xi32>
    %get3A_637 = arith.constant 9712 : index
    %get3A_638 = tpu.vector_load %arg10[%get3A_637] {strides = array<i32>} : memref<28800xi32, #tpu.memory_space<vmem>>, vector<16xi32>,
    %get3A_639 = vector.shape_cast %get3A_638 : vector<16xi32> to vector<16xi32>
    %mul3A_640 = arith.constant 10 : i32
    %mul3A_641 = vector.broadcast %mul3A_640 : i32 to vector<16xi32>
    %mul3A_642 = arith.muli %get3A_639, %mul3A_641 : vector<16xi32>
    %add3A_643 = arith.addi %mul3A_636, %mul3A_642 : vector<16xi32>
    %get3A_644 = arith.constant 12912 : index
    %get3A_645 = tpu.vector_load %arg10[%get3A_644] {strides = array<i32>} : memref<28800xi32, #tpu.memory_space<vmem>>, vector<16xi32>,
    %get3A_646 = vector.shape_cast %get3A_645 : vector<16xi32> to vector<16xi32>
    %add3A_647 = arith.addi %add3A_643, %get3A_646 : vector<16xi32>
    %get3A_648 = arith.constant 16112 : index
    %get3A_649 = tpu.vector_load %arg10[%get3A_648] {strides = array<i32>} : memref<28800xi32, #tpu.memory_space<vmem>>, vector<16xi32>,
    %get3A_650 = vector.shape_cast %get3A_649 : vector<16xi32> to vector<16xi32>
    %mul3A_651 = arith.constant 24 : i32
    %mul3A_652 = vector.broadcast %mul3A_651 : i32 to vector<16xi32>
    %mul3A_653 = arith.muli %get3A_650, %mul3A_652 : vector<16xi32>
    %get3A_654 = arith.constant 19312 : index
    %get3A_655 = tpu.vector_load %arg10[%get3A_654] {strides = array<i32>} : memref<28800xi32, #tpu.memory_space<vmem>>, vector<16xi32>,
    %get3A_656 = vector.shape_cast %get3A_655 : vector<16xi32> to vector<16xi32>
    %mul3A_657 = arith.constant 4 : i32
    %mul3A_658 = vector.broadcast %mul3A_657 : i32 to vector<16xi32>
    %mul3A_659 = arith.muli %get3A_656, %mul3A_658 : vector<16xi32>
    %add3A_660 = arith.addi %mul3A_653, %mul3A_659 : vector<16xi32>
    %get3A_661 = arith.constant 22512 : index
    %get3A_662 = tpu.vector_load %arg10[%get3A_661] {strides = array<i32>} : memref<28800xi32, #tpu.memory_space<vmem>>, vector<16xi32>,
    %get3A_663 = vector.shape_cast %get3A_662 : vector<16xi32> to vector<16xi32>
    %mul3A_664 = arith.constant 2 : i32
    %mul3A_665 = vector.broadcast %mul3A_664 : i32 to vector<16xi32>
    %mul3A_666 = arith.muli %get3A_663, %mul3A_665 : vector<16xi32>
    %add3A_667 = arith.addi %add3A_660, %mul3A_666 : vector<16xi32>
    %get3A_668 = arith.constant 25712 : index
    %get3A_669 = tpu.vector_load %arg10[%get3A_668] {strides = array<i32>} : memref<28800xi32, #tpu.memory_space<vmem>>, vector<16xi32>,
    %get3A_670 = vector.shape_cast %get3A_669 : vector<16xi32> to vector<16xi32>
    %add3A_671 = arith.addi %add3A_667, %get3A_670 : vector<16xi32>
    %swap3A_672 = arith.constant 112 : index
    %swap3A_673 = tpu.vector_load %arg11[%swap3A_672] {strides = array<i32>} : memref<9600xi32, #tpu.memory_space<vmem>>, vector<16xi32>,
    %swap3A_674 = vector.shape_cast %swap3A_673 : vector<16xi32> to vector<16xi32>
    %swap3A_675 = vector.shape_cast %add3A_630 : vector<16xi32> to vector<16xi32>
    tpu.vector_store %arg11[%swap3A_672], %swap3A_675 {strides = array<i32>} : memref<9600xi32, #tpu.memory_space<vmem>>, vector<16xi32>,
    %swap3A_676 = arith.constant 3312 : index
    %swap3A_677 = tpu.vector_load %arg11[%swap3A_676] {strides = array<i32>} : memref<9600xi32, #tpu.memory_space<vmem>>, vector<16xi32>,
    %swap3A_678 = vector.shape_cast %swap3A_677 : vector<16xi32> to vector<16xi32>
    %swap3A_679 = vector.shape_cast %add3A_647 : vector<16xi32> to vector<16xi32>
    tpu.vector_store %arg11[%swap3A_676], %swap3A_679 {strides = array<i32>} : memref<9600xi32, #tpu.memory_space<vmem>>, vector<16xi32>,
    %swap3A_680 = arith.constant 6512 : index
    %swap3A_681 = tpu.vector_load %arg11[%swap3A_680] {strides = array<i32>} : memref<9600xi32, #tpu.memory_space<vmem>>, vector<16xi32>,
    %swap3A_682 = vector.shape_cast %swap3A_681 : vector<16xi32> to vector<16xi32>
    %swap3A_683 = vector.shape_cast %add3A_671 : vector<16xi32> to vector<16xi32>
    tpu.vector_store %arg11[%swap3A_680], %swap3A_683 {strides = array<i32>} : memref<9600xi32, #tpu.memory_space<vmem>>, vector<16xi32>,
    %get3A_684 = arith.constant 128 : index
    %get3A_685 = tpu.vector_load %arg10[%get3A_684] {strides = array<i32>} : memref<28800xi32, #tpu.memory_space<vmem>>, vector<16xi32>,
    %get3A_686 = vector.shape_cast %get3A_685 : vector<16xi32> to vector<16xi32>
    %mul3A_687 = arith.constant 5 : i32
    %mul3A_688 = vector.broadcast %mul3A_687 : i32 to vector<16xi32>
    %mul3A_689 = arith.muli %get3A_686, %mul3A_688 : vector<16xi32>
    %get3A_690 = arith.constant 3328 : index
    %get3A_691 = tpu.vector_load %arg10[%get3A_690] {strides = array<i32>} : memref<28800xi32, #tpu.memory_space<vmem>>, vector<16xi32>,
    %get3A_692 = vector.shape_cast %get3A_691 : vector<16xi32> to vector<16xi32>
    %add3A_693 = arith.addi %mul3A_689, %get3A_692 : vector<16xi32>
    %get3A_694 = arith.constant 6528 : index
    %get3A_695 = tpu.vector_load %arg10[%get3A_694] {strides = array<i32>} : memref<28800xi32, #tpu.memory_space<vmem>>, vector<16xi32>,
    %get3A_696 = vector.shape_cast %get3A_695 : vector<16xi32> to vector<16xi32>
    %mul3A_697 = arith.constant 120 : i32
    %mul3A_698 = vector.broadcast %mul3A_697 : i32 to vector<16xi32>
    %mul3A_699 = arith.muli %get3A_696, %mul3A_698 : vector<16xi32>
    %get3A_700 = arith.constant 9728 : index
    %get3A_701 = tpu.vector_load %arg10[%get3A_700] {strides = array<i32>} : memref<28800xi32, #tpu.memory_space<vmem>>, vector<16xi32>,
    %get3A_702 = vector.shape_cast %get3A_701 : vector<16xi32> to vector<16xi32>
    %mul3A_703 = arith.constant 10 : i32
    %mul3A_704 = vector.broadcast %mul3A_703 : i32 to vector<16xi32>
    %mul3A_705 = arith.muli %get3A_702, %mul3A_704 : vector<16xi32>
    %add3A_706 = arith.addi %mul3A_699, %mul3A_705 : vector<16xi32>
    %get3A_707 = arith.constant 12928 : index
    %get3A_708 = tpu.vector_load %arg10[%get3A_707] {strides = array<i32>} : memref<28800xi32, #tpu.memory_space<vmem>>, vector<16xi32>,
    %get3A_709 = vector.shape_cast %get3A_708 : vector<16xi32> to vector<16xi32>
    %add3A_710 = arith.addi %add3A_706, %get3A_709 : vector<16xi32>
    %get3A_711 = arith.constant 16128 : index
    %get3A_712 = tpu.vector_load %arg10[%get3A_711] {strides = array<i32>} : memref<28800xi32, #tpu.memory_space<vmem>>, vector<16xi32>,
    %get3A_713 = vector.shape_cast %get3A_712 : vector<16xi32> to vector<16xi32>
    %mul3A_714 = arith.constant 24 : i32
    %mul3A_715 = vector.broadcast %mul3A_714 : i32 to vector<16xi32>
    %mul3A_716 = arith.muli %get3A_713, %mul3A_715 : vector<16xi32>
    %get3A_717 = arith.constant 19328 : index
    %get3A_718 = tpu.vector_load %arg10[%get3A_717] {strides = array<i32>} : memref<28800xi32, #tpu.memory_space<vmem>>, vector<16xi32>,
    %get3A_719 = vector.shape_cast %get3A_718 : vector<16xi32> to vector<16xi32>
    %mul3A_720 = arith.constant 4 : i32
    %mul3A_721 = vector.broadcast %mul3A_720 : i32 to vector<16xi32>
    %mul3A_722 = arith.muli %get3A_719, %mul3A_721 : vector<16xi32>
    %add3A_723 = arith.addi %mul3A_716, %mul3A_722 : vector<16xi32>
    %get3A_724 = arith.constant 22528 : index
    %get3A_725 = tpu.vector_load %arg10[%get3A_724] {strides = array<i32>} : memref<28800xi32, #tpu.memory_space<vmem>>, vector<16xi32>,
    %get3A_726 = vector.shape_cast %get3A_725 : vector<16xi32> to vector<16xi32>
    %mul3A_727 = arith.constant 2 : i32
    %mul3A_728 = vector.broadcast %mul3A_727 : i32 to vector<16xi32>
    %mul3A_729 = arith.muli %get3A_726, %mul3A_728 : vector<16xi32>
    %add3A_730 = arith.addi %add3A_723, %mul3A_729 : vector<16xi32>
    %get3A_731 = arith.constant 25728 : index
    %get3A_732 = tpu.vector_load %arg10[%get3A_731] {strides = array<i32>} : memref<28800xi32, #tpu.memory_space<vmem>>, vector<16xi32>,
    %get3A_733 = vector.shape_cast %get3A_732 : vector<16xi32> to vector<16xi32>
    %add3A_734 = arith.addi %add3A_730, %get3A_733 : vector<16xi32>
    %swap3A_735 = arith.constant 128 : index
    %swap3A_736 = tpu.vector_load %arg11[%swap3A_735] {strides = array<i32>} : memref<9600xi32, #tpu.memory_space<vmem>>, vector<16xi32>,
    %swap3A_737 = vector.shape_cast %swap3A_736 : vector<16xi32> to vector<16xi32>
    %swap3A_738 = vector.shape_cast %add3A_693 : vector<16xi32> to vector<16xi32>
    tpu.vector_store %arg11[%swap3A_735], %swap3A_738 {strides = array<i32>} : memref<9600xi32, #tpu.memory_space<vmem>>, vector<16xi32>,
    %swap3A_739 = arith.constant 3328 : index
    %swap3A_740 = tpu.vector_load %arg11[%swap3A_739] {strides = array<i32>} : memref<9600xi32, #tpu.memory_space<vmem>>, vector<16xi32>,
    %swap3A_741 = vector.shape_cast %swap3A_740 : vector<16xi32> to vector<16xi32>
    %swap3A_742 = vector.shape_cast %add3A_710 : vector<16xi32> to vector<16xi32>
    tpu.vector_store %arg11[%swap3A_739], %swap3A_742 {strides = array<i32>} : memref<9600xi32, #tpu.memory_space<vmem>>, vector<16xi32>,
    %swap3A_743 = arith.constant 6528 : index
    %swap3A_744 = tpu.vector_load %arg11[%swap3A_743] {strides = array<i32>} : memref<9600xi32, #tpu.memory_space<vmem>>, vector<16xi32>,
    %swap3A_745 = vector.shape_cast %swap3A_744 : vector<16xi32> to vector<16xi32>
    %swap3A_746 = vector.shape_cast %add3A_734 : vector<16xi32> to vector<16xi32>
    tpu.vector_store %arg11[%swap3A_743], %swap3A_746 {strides = array<i32>} : memref<9600xi32, #tpu.memory_space<vmem>>, vector<16xi32>,
    %get3A_747 = arith.constant 144 : index
    %get3A_748 = tpu.vector_load %arg10[%get3A_747] {strides = array<i32>} : memref<28800xi32, #tpu.memory_space<vmem>>, vector<16xi32>,
    %get3A_749 = vector.shape_cast %get3A_748 : vector<16xi32> to vector<16xi32>
    %mul3A_750 = arith.constant 5 : i32
    %mul3A_751 = vector.broadcast %mul3A_750 : i32 to vector<16xi32>
    %mul3A_752 = arith.muli %get3A_749, %mul3A_751 : vector<16xi32>
    %get3A_753 = arith.constant 3344 : index
    %get3A_754 = tpu.vector_load %arg10[%get3A_753] {strides = array<i32>} : memref<28800xi32, #tpu.memory_space<vmem>>, vector<16xi32>,
    %get3A_755 = vector.shape_cast %get3A_754 : vector<16xi32> to vector<16xi32>
    %add3A_756 = arith.addi %mul3A_752, %get3A_755 : vector<16xi32>
    %get3A_757 = arith.constant 6544 : index
    %get3A_758 = tpu.vector_load %arg10[%get3A_757] {strides = array<i32>} : memref<28800xi32, #tpu.memory_space<vmem>>, vector<16xi32>,
    %get3A_759 = vector.shape_cast %get3A_758 : vector<16xi32> to vector<16xi32>
    %mul3A_760 = arith.constant 120 : i32
    %mul3A_761 = vector.broadcast %mul3A_760 : i32 to vector<16xi32>
    %mul3A_762 = arith.muli %get3A_759, %mul3A_761 : vector<16xi32>
    %get3A_763 = arith.constant 9744 : index
    %get3A_764 = tpu.vector_load %arg10[%get3A_763] {strides = array<i32>} : memref<28800xi32, #tpu.memory_space<vmem>>, vector<16xi32>,
    %get3A_765 = vector.shape_cast %get3A_764 : vector<16xi32> to vector<16xi32>
    %mul3A_766 = arith.constant 10 : i32
    %mul3A_767 = vector.broadcast %mul3A_766 : i32 to vector<16xi32>
    %mul3A_768 = arith.muli %get3A_765, %mul3A_767 : vector<16xi32>
    %add3A_769 = arith.addi %mul3A_762, %mul3A_768 : vector<16xi32>
    %get3A_770 = arith.constant 12944 : index
    %get3A_771 = tpu.vector_load %arg10[%get3A_770] {strides = array<i32>} : memref<28800xi32, #tpu.memory_space<vmem>>, vector<16xi32>,
    %get3A_772 = vector.shape_cast %get3A_771 : vector<16xi32> to vector<16xi32>
    %add3A_773 = arith.addi %add3A_769, %get3A_772 : vector<16xi32>
    %get3A_774 = arith.constant 16144 : index
    %get3A_775 = tpu.vector_load %arg10[%get3A_774] {strides = array<i32>} : memref<28800xi32, #tpu.memory_space<vmem>>, vector<16xi32>,
    %get3A_776 = vector.shape_cast %get3A_775 : vector<16xi32> to vector<16xi32>
    %mul3A_777 = arith.constant 24 : i32
    %mul3A_778 = vector.broadcast %mul3A_777 : i32 to vector<16xi32>
    %mul3A_779 = arith.muli %get3A_776, %mul3A_778 : vector<16xi32>
    %get3A_780 = arith.constant 19344 : index
    %get3A_781 = tpu.vector_load %arg10[%get3A_780] {strides = array<i32>} : memref<28800xi32, #tpu.memory_space<vmem>>, vector<16xi32>,
    %get3A_782 = vector.shape_cast %get3A_781 : vector<16xi32> to vector<16xi32>
    %mul3A_783 = arith.constant 4 : i32
    %mul3A_784 = vector.broadcast %mul3A_783 : i32 to vector<16xi32>
    %mul3A_785 = arith.muli %get3A_782, %mul3A_784 : vector<16xi32>
    %add3A_786 = arith.addi %mul3A_779, %mul3A_785 : vector<16xi32>
    %get3A_787 = arith.constant 22544 : index
    %get3A_788 = tpu.vector_load %arg10[%get3A_787] {strides = array<i32>} : memref<28800xi32, #tpu.memory_space<vmem>>, vector<16xi32>,
    %get3A_789 = vector.shape_cast %get3A_788 : vector<16xi32> to vector<16xi32>
    %mul3A_790 = arith.constant 2 : i32
    %mul3A_791 = vector.broadcast %mul3A_790 : i32 to vector<16xi32>
    %mul3A_792 = arith.muli %get3A_789, %mul3A_791 : vector<16xi32>
    %add3A_793 = arith.addi %add3A_786, %mul3A_792 : vector<16xi32>
    %get3A_794 = arith.constant 25744 : index
    %get3A_795 = tpu.vector_load %arg10[%get3A_794] {strides = array<i32>} : memref<28800xi32, #tpu.memory_space<vmem>>, vector<16xi32>,
    %get3A_796 = vector.shape_cast %get3A_795 : vector<16xi32> to vector<16xi32>
    %add3A_797 = arith.addi %add3A_793, %get3A_796 : vector<16xi32>
    %swap3A_798 = arith.constant 144 : index
    %swap3A_799 = tpu.vector_load %arg11[%swap3A_798] {strides = array<i32>} : memref<9600xi32, #tpu.memory_space<vmem>>, vector<16xi32>,
    %swap3A_800 = vector.shape_cast %swap3A_799 : vector<16xi32> to vector<16xi32>
    %swap3A_801 = vector.shape_cast %add3A_756 : vector<16xi32> to vector<16xi32>
    tpu.vector_store %arg11[%swap3A_798], %swap3A_801 {strides = array<i32>} : memref<9600xi32, #tpu.memory_space<vmem>>, vector<16xi32>,
    %swap3A_802 = arith.constant 3344 : index
    %swap3A_803 = tpu.vector_load %arg11[%swap3A_802] {strides = array<i32>} : memref<9600xi32, #tpu.memory_space<vmem>>, vector<16xi32>,
    %swap3A_804 = vector.shape_cast %swap3A_803 : vector<16xi32> to vector<16xi32>
    %swap3A_805 = vector.shape_cast %add3A_773 : vector<16xi32> to vector<16xi32>
    tpu.vector_store %arg11[%swap3A_802], %swap3A_805 {strides = array<i32>} : memref<9600xi32, #tpu.memory_space<vmem>>, vector<16xi32>,
    %swap3A_806 = arith.constant 6544 : index
    %swap3A_807 = tpu.vector_load %arg11[%swap3A_806] {strides = array<i32>} : memref<9600xi32, #tpu.memory_space<vmem>>, vector<16xi32>,
    %swap3A_808 = vector.shape_cast %swap3A_807 : vector<16xi32> to vector<16xi32>
    %swap3A_809 = vector.shape_cast %add3A_797 : vector<16xi32> to vector<16xi32>
    tpu.vector_store %arg11[%swap3A_806], %swap3A_809 {strides = array<i32>} : memref<9600xi32, #tpu.memory_space<vmem>>, vector<16xi32>,
    %get3A_810 = arith.constant 160 : index
    %get3A_811 = tpu.vector_load %arg10[%get3A_810] {strides = array<i32>} : memref<28800xi32, #tpu.memory_space<vmem>>, vector<16xi32>,
    %get3A_812 = vector.shape_cast %get3A_811 : vector<16xi32> to vector<16xi32>
    %mul3A_813 = arith.constant 5 : i32
    %mul3A_814 = vector.broadcast %mul3A_813 : i32 to vector<16xi32>
    %mul3A_815 = arith.muli %get3A_812, %mul3A_814 : vector<16xi32>
    %get3A_816 = arith.constant 3360 : index
    %get3A_817 = tpu.vector_load %arg10[%get3A_816] {strides = array<i32>} : memref<28800xi32, #tpu.memory_space<vmem>>, vector<16xi32>,
    %get3A_818 = vector.shape_cast %get3A_817 : vector<16xi32> to vector<16xi32>
    %add3A_819 = arith.addi %mul3A_815, %get3A_818 : vector<16xi32>
    %get3A_820 = arith.constant 6560 : index
    %get3A_821 = tpu.vector_load %arg10[%get3A_820] {strides = array<i32>} : memref<28800xi32, #tpu.memory_space<vmem>>, vector<16xi32>,
    %get3A_822 = vector.shape_cast %get3A_821 : vector<16xi32> to vector<16xi32>
    %mul3A_823 = arith.constant 120 : i32
    %mul3A_824 = vector.broadcast %mul3A_823 : i32 to vector<16xi32>
    %mul3A_825 = arith.muli %get3A_822, %mul3A_824 : vector<16xi32>
    %get3A_826 = arith.constant 9760 : index
    %get3A_827 = tpu.vector_load %arg10[%get3A_826] {strides = array<i32>} : memref<28800xi32, #tpu.memory_space<vmem>>, vector<16xi32>,
    %get3A_828 = vector.shape_cast %get3A_827 : vector<16xi32> to vector<16xi32>
    %mul3A_829 = arith.constant 10 : i32
    %mul3A_830 = vector.broadcast %mul3A_829 : i32 to vector<16xi32>
    %mul3A_831 = arith.muli %get3A_828, %mul3A_830 : vector<16xi32>
    %add3A_832 = arith.addi %mul3A_825, %mul3A_831 : vector<16xi32>
    %get3A_833 = arith.constant 12960 : index
    %get3A_834 = tpu.vector_load %arg10[%get3A_833] {strides = array<i32>} : memref<28800xi32, #tpu.memory_space<vmem>>, vector<16xi32>,
    %get3A_835 = vector.shape_cast %get3A_834 : vector<16xi32> to vector<16xi32>
    %add3A_836 = arith.addi %add3A_832, %get3A_835 : vector<16xi32>
    %get3A_837 = arith.constant 16160 : index
    %get3A_838 = tpu.vector_load %arg10[%get3A_837] {strides = array<i32>} : memref<28800xi32, #tpu.memory_space<vmem>>, vector<16xi32>,
    %get3A_839 = vector.shape_cast %get3A_838 : vector<16xi32> to vector<16xi32>
    %mul3A_840 = arith.constant 24 : i32
    %mul3A_841 = vector.broadcast %mul3A_840 : i32 to vector<16xi32>
    %mul3A_842 = arith.muli %get3A_839, %mul3A_841 : vector<16xi32>
    %get3A_843 = arith.constant 19360 : index
    %get3A_844 = tpu.vector_load %arg10[%get3A_843] {strides = array<i32>} : memref<28800xi32, #tpu.memory_space<vmem>>, vector<16xi32>,
    %get3A_845 = vector.shape_cast %get3A_844 : vector<16xi32> to vector<16xi32>
    %mul3A_846 = arith.constant 4 : i32
    %mul3A_847 = vector.broadcast %mul3A_846 : i32 to vector<16xi32>
    %mul3A_848 = arith.muli %get3A_845, %mul3A_847 : vector<16xi32>
    %add3A_849 = arith.addi %mul3A_842, %mul3A_848 : vector<16xi32>
    %get3A_850 = arith.constant 22560 : index
    %get3A_851 = tpu.vector_load %arg10[%get3A_850] {strides = array<i32>} : memref<28800xi32, #tpu.memory_space<vmem>>, vector<16xi32>,
    %get3A_852 = vector.shape_cast %get3A_851 : vector<16xi32> to vector<16xi32>
    %mul3A_853 = arith.constant 2 : i32
    %mul3A_854 = vector.broadcast %mul3A_853 : i32 to vector<16xi32>
    %mul3A_855 = arith.muli %get3A_852, %mul3A_854 : vector<16xi32>
    %add3A_856 = arith.addi %add3A_849, %mul3A_855 : vector<16xi32>
    %get3A_857 = arith.constant 25760 : index
    %get3A_858 = tpu.vector_load %arg10[%get3A_857] {strides = array<i32>} : memref<28800xi32, #tpu.memory_space<vmem>>, vector<16xi32>,
    %get3A_859 = vector.shape_cast %get3A_858 : vector<16xi32> to vector<16xi32>
    %add3A_860 = arith.addi %add3A_856, %get3A_859 : vector<16xi32>
    %swap3A_861 = arith.constant 160 : index
    %swap3A_862 = tpu.vector_load %arg11[%swap3A_861] {strides = array<i32>} : memref<9600xi32, #tpu.memory_space<vmem>>, vector<16xi32>,
    %swap3A_863 = vector.shape_cast %swap3A_862 : vector<16xi32> to vector<16xi32>
    %swap3A_864 = vector.shape_cast %add3A_819 : vector<16xi32> to vector<16xi32>
    tpu.vector_store %arg11[%swap3A_861], %swap3A_864 {strides = array<i32>} : memref<9600xi32, #tpu.memory_space<vmem>>, vector<16xi32>,
    %swap3A_865 = arith.constant 3360 : index
    %swap3A_866 = tpu.vector_load %arg11[%swap3A_865] {strides = array<i32>} : memref<9600xi32, #tpu.memory_space<vmem>>, vector<16xi32>,
    %swap3A_867 = vector.shape_cast %swap3A_866 : vector<16xi32> to vector<16xi32>
    %swap3A_868 = vector.shape_cast %add3A_836 : vector<16xi32> to vector<16xi32>
    tpu.vector_store %arg11[%swap3A_865], %swap3A_868 {strides = array<i32>} : memref<9600xi32, #tpu.memory_space<vmem>>, vector<16xi32>,
    %swap3A_869 = arith.constant 6560 : index
    %swap3A_870 = tpu.vector_load %arg11[%swap3A_869] {strides = array<i32>} : memref<9600xi32, #tpu.memory_space<vmem>>, vector<16xi32>,
    %swap3A_871 = vector.shape_cast %swap3A_870 : vector<16xi32> to vector<16xi32>
    %swap3A_872 = vector.shape_cast %add3A_860 : vector<16xi32> to vector<16xi32>
    tpu.vector_store %arg11[%swap3A_869], %swap3A_872 {strides = array<i32>} : memref<9600xi32, #tpu.memory_space<vmem>>, vector<16xi32>,
    %get3A_873 = arith.constant 176 : index
    %get3A_874 = tpu.vector_load %arg10[%get3A_873] {strides = array<i32>} : memref<28800xi32, #tpu.memory_space<vmem>>, vector<16xi32>,
    %get3A_875 = vector.shape_cast %get3A_874 : vector<16xi32> to vector<16xi32>
    %mul3A_876 = arith.constant 5 : i32
    %mul3A_877 = vector.broadcast %mul3A_876 : i32 to vector<16xi32>
    %mul3A_878 = arith.muli %get3A_875, %mul3A_877 : vector<16xi32>
    %get3A_879 = arith.constant 3376 : index
    %get3A_880 = tpu.vector_load %arg10[%get3A_879] {strides = array<i32>} : memref<28800xi32, #tpu.memory_space<vmem>>, vector<16xi32>,
    %get3A_881 = vector.shape_cast %get3A_880 : vector<16xi32> to vector<16xi32>
    %add3A_882 = arith.addi %mul3A_878, %get3A_881 : vector<16xi32>
    %get3A_883 = arith.constant 6576 : index
    %get3A_884 = tpu.vector_load %arg10[%get3A_883] {strides = array<i32>} : memref<28800xi32, #tpu.memory_space<vmem>>, vector<16xi32>,
    %get3A_885 = vector.shape_cast %get3A_884 : vector<16xi32> to vector<16xi32>
    %mul3A_886 = arith.constant 120 : i32
    %mul3A_887 = vector.broadcast %mul3A_886 : i32 to vector<16xi32>
    %mul3A_888 = arith.muli %get3A_885, %mul3A_887 : vector<16xi32>
    %get3A_889 = arith.constant 9776 : index
    %get3A_890 = tpu.vector_load %arg10[%get3A_889] {strides = array<i32>} : memref<28800xi32, #tpu.memory_space<vmem>>, vector<16xi32>,
    %get3A_891 = vector.shape_cast %get3A_890 : vector<16xi32> to vector<16xi32>
    %mul3A_892 = arith.constant 10 : i32
    %mul3A_893 = vector.broadcast %mul3A_892 : i32 to vector<16xi32>
    %mul3A_894 = arith.muli %get3A_891, %mul3A_893 : vector<16xi32>
    %add3A_895 = arith.addi %mul3A_888, %mul3A_894 : vector<16xi32>
    %get3A_896 = arith.constant 12976 : index
    %get3A_897 = tpu.vector_load %arg10[%get3A_896] {strides = array<i32>} : memref<28800xi32, #tpu.memory_space<vmem>>, vector<16xi32>,
    %get3A_898 = vector.shape_cast %get3A_897 : vector<16xi32> to vector<16xi32>
    %add3A_899 = arith.addi %add3A_895, %get3A_898 : vector<16xi32>
    %get3A_900 = arith.constant 16176 : index
    %get3A_901 = tpu.vector_load %arg10[%get3A_900] {strides = array<i32>} : memref<28800xi32, #tpu.memory_space<vmem>>, vector<16xi32>,
    %get3A_902 = vector.shape_cast %get3A_901 : vector<16xi32> to vector<16xi32>
    %mul3A_903 = arith.constant 24 : i32
    %mul3A_904 = vector.broadcast %mul3A_903 : i32 to vector<16xi32>
    %mul3A_905 = arith.muli %get3A_902, %mul3A_904 : vector<16xi32>
    %get3A_906 = arith.constant 19376 : index
    %get3A_907 = tpu.vector_load %arg10[%get3A_906] {strides = array<i32>} : memref<28800xi32, #tpu.memory_space<vmem>>, vector<16xi32>,
    %get3A_908 = vector.shape_cast %get3A_907 : vector<16xi32> to vector<16xi32>
    %mul3A_909 = arith.constant 4 : i32
    %mul3A_910 = vector.broadcast %mul3A_909 : i32 to vector<16xi32>
    %mul3A_911 = arith.muli %get3A_908, %mul3A_910 : vector<16xi32>
    %add3A_912 = arith.addi %mul3A_905, %mul3A_911 : vector<16xi32>
    %get3A_913 = arith.constant 22576 : index
    %get3A_914 = tpu.vector_load %arg10[%get3A_913] {strides = array<i32>} : memref<28800xi32, #tpu.memory_space<vmem>>, vector<16xi32>,
    %get3A_915 = vector.shape_cast %get3A_914 : vector<16xi32> to vector<16xi32>
    %mul3A_916 = arith.constant 2 : i32
    %mul3A_917 = vector.broadcast %mul3A_916 : i32 to vector<16xi32>
    %mul3A_918 = arith.muli %get3A_915, %mul3A_917 : vector<16xi32>
    %add3A_919 = arith.addi %add3A_912, %mul3A_918 : vector<16xi32>
    %get3A_920 = arith.constant 25776 : index
    %get3A_921 = tpu.vector_load %arg10[%get3A_920] {strides = array<i32>} : memref<28800xi32, #tpu.memory_space<vmem>>, vector<16xi32>,
    %get3A_922 = vector.shape_cast %get3A_921 : vector<16xi32> to vector<16xi32>
    %add3A_923 = arith.addi %add3A_919, %get3A_922 : vector<16xi32>
    %swap3A_924 = arith.constant 176 : index
    %swap3A_925 = tpu.vector_load %arg11[%swap3A_924] {strides = array<i32>} : memref<9600xi32, #tpu.memory_space<vmem>>, vector<16xi32>,
    %swap3A_926 = vector.shape_cast %swap3A_925 : vector<16xi32> to vector<16xi32>
    %swap3A_927 = vector.shape_cast %add3A_882 : vector<16xi32> to vector<16xi32>
    tpu.vector_store %arg11[%swap3A_924], %swap3A_927 {strides = array<i32>} : memref<9600xi32, #tpu.memory_space<vmem>>, vector<16xi32>,
    %swap3A_928 = arith.constant 3376 : index
    %swap3A_929 = tpu.vector_load %arg11[%swap3A_928] {strides = array<i32>} : memref<9600xi32, #tpu.memory_space<vmem>>, vector<16xi32>,
    %swap3A_930 = vector.shape_cast %swap3A_929 : vector<16xi32> to vector<16xi32>
    %swap3A_931 = vector.shape_cast %add3A_899 : vector<16xi32> to vector<16xi32>
    tpu.vector_store %arg11[%swap3A_928], %swap3A_931 {strides = array<i32>} : memref<9600xi32, #tpu.memory_space<vmem>>, vector<16xi32>,
    %swap3A_932 = arith.constant 6576 : index
    %swap3A_933 = tpu.vector_load %arg11[%swap3A_932] {strides = array<i32>} : memref<9600xi32, #tpu.memory_space<vmem>>, vector<16xi32>,
    %swap3A_934 = vector.shape_cast %swap3A_933 : vector<16xi32> to vector<16xi32>
    %swap3A_935 = vector.shape_cast %add3A_923 : vector<16xi32> to vector<16xi32>
    tpu.vector_store %arg11[%swap3A_932], %swap3A_935 {strides = array<i32>} : memref<9600xi32, #tpu.memory_space<vmem>>, vector<16xi32>,
    %get3A_936 = arith.constant 192 : index
    %get3A_937 = tpu.vector_load %arg10[%get3A_936] {strides = array<i32>} : memref<28800xi32, #tpu.memory_space<vmem>>, vector<16xi32>,
    %get3A_938 = vector.shape_cast %get3A_937 : vector<16xi32> to vector<16xi32>
    %mul3A_939 = arith.constant 5 : i32
    %mul3A_940 = vector.broadcast %mul3A_939 : i32 to vector<16xi32>
    %mul3A_941 = arith.muli %get3A_938, %mul3A_940 : vector<16xi32>
    %get3A_942 = arith.constant 3392 : index
    %get3A_943 = tpu.vector_load %arg10[%get3A_942] {strides = array<i32>} : memref<28800xi32, #tpu.memory_space<vmem>>, vector<16xi32>,
    %get3A_944 = vector.shape_cast %get3A_943 : vector<16xi32> to vector<16xi32>
    %add3A_945 = arith.addi %mul3A_941, %get3A_944 : vector<16xi32>
    %get3A_946 = arith.constant 6592 : index
    %get3A_947 = tpu.vector_load %arg10[%get3A_946] {strides = array<i32>} : memref<28800xi32, #tpu.memory_space<vmem>>, vector<16xi32>,
    %get3A_948 = vector.shape_cast %get3A_947 : vector<16xi32> to vector<16xi32>
    %mul3A_949 = arith.constant 120 : i32
    %mul3A_950 = vector.broadcast %mul3A_949 : i32 to vector<16xi32>
    %mul3A_951 = arith.muli %get3A_948, %mul3A_950 : vector<16xi32>
    %get3A_952 = arith.constant 9792 : index
    %get3A_953 = tpu.vector_load %arg10[%get3A_952] {strides = array<i32>} : memref<28800xi32, #tpu.memory_space<vmem>>, vector<16xi32>,
    %get3A_954 = vector.shape_cast %get3A_953 : vector<16xi32> to vector<16xi32>
    %mul3A_955 = arith.constant 10 : i32
    %mul3A_956 = vector.broadcast %mul3A_955 : i32 to vector<16xi32>
    %mul3A_957 = arith.muli %get3A_954, %mul3A_956 : vector<16xi32>
    %add3A_958 = arith.addi %mul3A_951, %mul3A_957 : vector<16xi32>
    %get3A_959 = arith.constant 12992 : index
    %get3A_960 = tpu.vector_load %arg10[%get3A_959] {strides = array<i32>} : memref<28800xi32, #tpu.memory_space<vmem>>, vector<16xi32>,
    %get3A_961 = vector.shape_cast %get3A_960 : vector<16xi32> to vector<16xi32>
    %add3A_962 = arith.addi %add3A_958, %get3A_961 : vector<16xi32>
    %get3A_963 = arith.constant 16192 : index
    %get3A_964 = tpu.vector_load %arg10[%get3A_963] {strides = array<i32>} : memref<28800xi32, #tpu.memory_space<vmem>>, vector<16xi32>,
    %get3A_965 = vector.shape_cast %get3A_964 : vector<16xi32> to vector<16xi32>
    %mul3A_966 = arith.constant 24 : i32
    %mul3A_967 = vector.broadcast %mul3A_966 : i32 to vector<16xi32>
    %mul3A_968 = arith.muli %get3A_965, %mul3A_967 : vector<16xi32>
    %get3A_969 = arith.constant 19392 : index
    %get3A_970 = tpu.vector_load %arg10[%get3A_969] {strides = array<i32>} : memref<28800xi32, #tpu.memory_space<vmem>>, vector<16xi32>,
    %get3A_971 = vector.shape_cast %get3A_970 : vector<16xi32> to vector<16xi32>
    %mul3A_972 = arith.constant 4 : i32
    %mul3A_973 = vector.broadcast %mul3A_972 : i32 to vector<16xi32>
    %mul3A_974 = arith.muli %get3A_971, %mul3A_973 : vector<16xi32>
    %add3A_975 = arith.addi %mul3A_968, %mul3A_974 : vector<16xi32>
    %get3A_976 = arith.constant 22592 : index
    %get3A_977 = tpu.vector_load %arg10[%get3A_976] {strides = array<i32>} : memref<28800xi32, #tpu.memory_space<vmem>>, vector<16xi32>,
    %get3A_978 = vector.shape_cast %get3A_977 : vector<16xi32> to vector<16xi32>
    %mul3A_979 = arith.constant 2 : i32
    %mul3A_980 = vector.broadcast %mul3A_979 : i32 to vector<16xi32>
    %mul3A_981 = arith.muli %get3A_978, %mul3A_980 : vector<16xi32>
    %add3A_982 = arith.addi %add3A_975, %mul3A_981 : vector<16xi32>
    %get3A_983 = arith.constant 25792 : index
    %get3A_984 = tpu.vector_load %arg10[%get3A_983] {strides = array<i32>} : memref<28800xi32, #tpu.memory_space<vmem>>, vector<16xi32>,
    %get3A_985 = vector.shape_cast %get3A_984 : vector<16xi32> to vector<16xi32>
    %add3A_986 = arith.addi %add3A_982, %get3A_985 : vector<16xi32>
    %swap3A_987 = arith.constant 192 : index
    %swap3A_988 = tpu.vector_load %arg11[%swap3A_987] {strides = array<i32>} : memref<9600xi32, #tpu.memory_space<vmem>>, vector<16xi32>,
    %swap3A_989 = vector.shape_cast %swap3A_988 : vector<16xi32> to vector<16xi32>
    %swap3A_990 = vector.shape_cast %add3A_945 : vector<16xi32> to vector<16xi32>
    tpu.vector_store %arg11[%swap3A_987], %swap3A_990 {strides = array<i32>} : memref<9600xi32, #tpu.memory_space<vmem>>, vector<16xi32>,
    %swap3A_991 = arith.constant 3392 : index
    %swap3A_992 = tpu.vector_load %arg11[%swap3A_991] {strides = array<i32>} : memref<9600xi32, #tpu.memory_space<vmem>>, vector<16xi32>,
    %swap3A_993 = vector.shape_cast %swap3A_992 : vector<16xi32> to vector<16xi32>
    %swap3A_994 = vector.shape_cast %add3A_962 : vector<16xi32> to vector<16xi32>
    tpu.vector_store %arg11[%swap3A_991], %swap3A_994 {strides = array<i32>} : memref<9600xi32, #tpu.memory_space<vmem>>, vector<16xi32>,
    %swap3A_995 = arith.constant 6592 : index
    %swap3A_996 = tpu.vector_load %arg11[%swap3A_995] {strides = array<i32>} : memref<9600xi32, #tpu.memory_space<vmem>>, vector<16xi32>,
    %swap3A_997 = vector.shape_cast %swap3A_996 : vector<16xi32> to vector<16xi32>
    %swap3A_998 = vector.shape_cast %add3A_986 : vector<16xi32> to vector<16xi32>
    tpu.vector_store %arg11[%swap3A_995], %swap3A_998 {strides = array<i32>} : memref<9600xi32, #tpu.memory_space<vmem>>, vector<16xi32>,
    %get3A_999 = arith.constant 208 : index
    %get3A_1000 = tpu.vector_load %arg10[%get3A_999] {strides = array<i32>} : memref<28800xi32, #tpu.memory_space<vmem>>, vector<16xi32>,
    %get3A_1001 = vector.shape_cast %get3A_1000 : vector<16xi32> to vector<16xi32>
    %mul3A_1002 = arith.constant 5 : i32
    %mul3A_1003 = vector.broadcast %mul3A_1002 : i32 to vector<16xi32>
    %mul3A_1004 = arith.muli %get3A_1001, %mul3A_1003 : vector<16xi32>
    %get3A_1005 = arith.constant 3408 : index
    %get3A_1006 = tpu.vector_load %arg10[%get3A_1005] {strides = array<i32>} : memref<28800xi32, #tpu.memory_space<vmem>>, vector<16xi32>,
    %get3A_1007 = vector.shape_cast %get3A_1006 : vector<16xi32> to vector<16xi32>
    %add3A_1008 = arith.addi %mul3A_1004, %get3A_1007 : vector<16xi32>
    %get3A_1009 = arith.constant 6608 : index
    %get3A_1010 = tpu.vector_load %arg10[%get3A_1009] {strides = array<i32>} : memref<28800xi32, #tpu.memory_space<vmem>>, vector<16xi32>,
    %get3A_1011 = vector.shape_cast %get3A_1010 : vector<16xi32> to vector<16xi32>
    %mul3A_1012 = arith.constant 120 : i32
    %mul3A_1013 = vector.broadcast %mul3A_1012 : i32 to vector<16xi32>
    %mul3A_1014 = arith.muli %get3A_1011, %mul3A_1013 : vector<16xi32>
    %get3A_1015 = arith.constant 9808 : index
    %get3A_1016 = tpu.vector_load %arg10[%get3A_1015] {strides = array<i32>} : memref<28800xi32, #tpu.memory_space<vmem>>, vector<16xi32>,
    %get3A_1017 = vector.shape_cast %get3A_1016 : vector<16xi32> to vector<16xi32>
    %mul3A_1018 = arith.constant 10 : i32
    %mul3A_1019 = vector.broadcast %mul3A_1018 : i32 to vector<16xi32>
    %mul3A_1020 = arith.muli %get3A_1017, %mul3A_1019 : vector<16xi32>
    %add3A_1021 = arith.addi %mul3A_1014, %mul3A_1020 : vector<16xi32>
    %get3A_1022 = arith.constant 13008 : index
    %get3A_1023 = tpu.vector_load %arg10[%get3A_1022] {strides = array<i32>} : memref<28800xi32, #tpu.memory_space<vmem>>, vector<16xi32>,
    %get3A_1024 = vector.shape_cast %get3A_1023 : vector<16xi32> to vector<16xi32>
    %add3A_1025 = arith.addi %add3A_1021, %get3A_1024 : vector<16xi32>
    %get3A_1026 = arith.constant 16208 : index
    %get3A_1027 = tpu.vector_load %arg10[%get3A_1026] {strides = array<i32>} : memref<28800xi32, #tpu.memory_space<vmem>>, vector<16xi32>,
    %get3A_1028 = vector.shape_cast %get3A_1027 : vector<16xi32> to vector<16xi32>
    %mul3A_1029 = arith.constant 24 : i32
    %mul3A_1030 = vector.broadcast %mul3A_1029 : i32 to vector<16xi32>
    %mul3A_1031 = arith.muli %get3A_1028, %mul3A_1030 : vector<16xi32>
    %get3A_1032 = arith.constant 19408 : index
    %get3A_1033 = tpu.vector_load %arg10[%get3A_1032] {strides = array<i32>} : memref<28800xi32, #tpu.memory_space<vmem>>, vector<16xi32>,
    %get3A_1034 = vector.shape_cast %get3A_1033 : vector<16xi32> to vector<16xi32>
    %mul3A_1035 = arith.constant 4 : i32
    %mul3A_1036 = vector.broadcast %mul3A_1035 : i32 to vector<16xi32>
    %mul3A_1037 = arith.muli %get3A_1034, %mul3A_1036 : vector<16xi32>
    %add3A_1038 = arith.addi %mul3A_1031, %mul3A_1037 : vector<16xi32>
    %get3A_1039 = arith.constant 22608 : index
    %get3A_1040 = tpu.vector_load %arg10[%get3A_1039] {strides = array<i32>} : memref<28800xi32, #tpu.memory_space<vmem>>, vector<16xi32>,
    %get3A_1041 = vector.shape_cast %get3A_1040 : vector<16xi32> to vector<16xi32>
    %mul3A_1042 = arith.constant 2 : i32
    %mul3A_1043 = vector.broadcast %mul3A_1042 : i32 to vector<16xi32>
    %mul3A_1044 = arith.muli %get3A_1041, %mul3A_1043 : vector<16xi32>
    %add3A_1045 = arith.addi %add3A_1038, %mul3A_1044 : vector<16xi32>
    %get3A_1046 = arith.constant 25808 : index
    %get3A_1047 = tpu.vector_load %arg10[%get3A_1046] {strides = array<i32>} : memref<28800xi32, #tpu.memory_space<vmem>>, vector<16xi32>,
    %get3A_1048 = vector.shape_cast %get3A_1047 : vector<16xi32> to vector<16xi32>
    %add3A_1049 = arith.addi %add3A_1045, %get3A_1048 : vector<16xi32>
    %swap3A_1050 = arith.constant 208 : index
    %swap3A_1051 = tpu.vector_load %arg11[%swap3A_1050] {strides = array<i32>} : memref<9600xi32, #tpu.memory_space<vmem>>, vector<16xi32>,
    %swap3A_1052 = vector.shape_cast %swap3A_1051 : vector<16xi32> to vector<16xi32>
    %swap3A_1053 = vector.shape_cast %add3A_1008 : vector<16xi32> to vector<16xi32>
    tpu.vector_store %arg11[%swap3A_1050], %swap3A_1053 {strides = array<i32>} : memref<9600xi32, #tpu.memory_space<vmem>>, vector<16xi32>,
    %swap3A_1054 = arith.constant 3408 : index
    %swap3A_1055 = tpu.vector_load %arg11[%swap3A_1054] {strides = array<i32>} : memref<9600xi32, #tpu.memory_space<vmem>>, vector<16xi32>,
    %swap3A_1056 = vector.shape_cast %swap3A_1055 : vector<16xi32> to vector<16xi32>
    %swap3A_1057 = vector.shape_cast %add3A_1025 : vector<16xi32> to vector<16xi32>
    tpu.vector_store %arg11[%swap3A_1054], %swap3A_1057 {strides = array<i32>} : memref<9600xi32, #tpu.memory_space<vmem>>, vector<16xi32>,
    %swap3A_1058 = arith.constant 6608 : index
    %swap3A_1059 = tpu.vector_load %arg11[%swap3A_1058] {strides = array<i32>} : memref<9600xi32, #tpu.memory_space<vmem>>, vector<16xi32>,
    %swap3A_1060 = vector.shape_cast %swap3A_1059 : vector<16xi32> to vector<16xi32>
    %swap3A_1061 = vector.shape_cast %add3A_1049 : vector<16xi32> to vector<16xi32>
    tpu.vector_store %arg11[%swap3A_1058], %swap3A_1061 {strides = array<i32>} : memref<9600xi32, #tpu.memory_space<vmem>>, vector<16xi32>,
    %get3A_1062 = arith.constant 224 : index
    %get3A_1063 = tpu.vector_load %arg10[%get3A_1062] {strides = array<i32>} : memref<28800xi32, #tpu.memory_space<vmem>>, vector<16xi32>,
    %get3A_1064 = vector.shape_cast %get3A_1063 : vector<16xi32> to vector<16xi32>
    %mul3A_1065 = arith.constant 5 : i32
    %mul3A_1066 = vector.broadcast %mul3A_1065 : i32 to vector<16xi32>
    %mul3A_1067 = arith.muli %get3A_1064, %mul3A_1066 : vector<16xi32>
    %get3A_1068 = arith.constant 3424 : index
    %get3A_1069 = tpu.vector_load %arg10[%get3A_1068] {strides = array<i32>} : memref<28800xi32, #tpu.memory_space<vmem>>, vector<16xi32>,
    %get3A_1070 = vector.shape_cast %get3A_1069 : vector<16xi32> to vector<16xi32>
    %add3A_1071 = arith.addi %mul3A_1067, %get3A_1070 : vector<16xi32>
    %get3A_1072 = arith.constant 6624 : index
    %get3A_1073 = tpu.vector_load %arg10[%get3A_1072] {strides = array<i32>} : memref<28800xi32, #tpu.memory_space<vmem>>, vector<16xi32>,
    %get3A_1074 = vector.shape_cast %get3A_1073 : vector<16xi32> to vector<16xi32>
    %mul3A_1075 = arith.constant 120 : i32
    %mul3A_1076 = vector.broadcast %mul3A_1075 : i32 to vector<16xi32>
    %mul3A_1077 = arith.muli %get3A_1074, %mul3A_1076 : vector<16xi32>
    %get3A_1078 = arith.constant 9824 : index
    %get3A_1079 = tpu.vector_load %arg10[%get3A_1078] {strides = array<i32>} : memref<28800xi32, #tpu.memory_space<vmem>>, vector<16xi32>,
    %get3A_1080 = vector.shape_cast %get3A_1079 : vector<16xi32> to vector<16xi32>
    %mul3A_1081 = arith.constant 10 : i32
    %mul3A_1082 = vector.broadcast %mul3A_1081 : i32 to vector<16xi32>
    %mul3A_1083 = arith.muli %get3A_1080, %mul3A_1082 : vector<16xi32>
    %add3A_1084 = arith.addi %mul3A_1077, %mul3A_1083 : vector<16xi32>
    %get3A_1085 = arith.constant 13024 : index
    %get3A_1086 = tpu.vector_load %arg10[%get3A_1085] {strides = array<i32>} : memref<28800xi32, #tpu.memory_space<vmem>>, vector<16xi32>,
    %get3A_1087 = vector.shape_cast %get3A_1086 : vector<16xi32> to vector<16xi32>
    %add3A_1088 = arith.addi %add3A_1084, %get3A_1087 : vector<16xi32>
    %get3A_1089 = arith.constant 16224 : index
    %get3A_1090 = tpu.vector_load %arg10[%get3A_1089] {strides = array<i32>} : memref<28800xi32, #tpu.memory_space<vmem>>, vector<16xi32>,
    %get3A_1091 = vector.shape_cast %get3A_1090 : vector<16xi32> to vector<16xi32>
    %mul3A_1092 = arith.constant 24 : i32
    %mul3A_1093 = vector.broadcast %mul3A_1092 : i32 to vector<16xi32>
    %mul3A_1094 = arith.muli %get3A_1091, %mul3A_1093 : vector<16xi32>
    %get3A_1095 = arith.constant 19424 : index
    %get3A_1096 = tpu.vector_load %arg10[%get3A_1095] {strides = array<i32>} : memref<28800xi32, #tpu.memory_space<vmem>>, vector<16xi32>,
    %get3A_1097 = vector.shape_cast %get3A_1096 : vector<16xi32> to vector<16xi32>
    %mul3A_1098 = arith.constant 4 : i32
    %mul3A_1099 = vector.broadcast %mul3A_1098 : i32 to vector<16xi32>
    %mul3A_1100 = arith.muli %get3A_1097, %mul3A_1099 : vector<16xi32>
    %add3A_1101 = arith.addi %mul3A_1094, %mul3A_1100 : vector<16xi32>
    %get3A_1102 = arith.constant 22624 : index
    %get3A_1103 = tpu.vector_load %arg10[%get3A_1102] {strides = array<i32>} : memref<28800xi32, #tpu.memory_space<vmem>>, vector<16xi32>,
    %get3A_1104 = vector.shape_cast %get3A_1103 : vector<16xi32> to vector<16xi32>
    %mul3A_1105 = arith.constant 2 : i32
    %mul3A_1106 = vector.broadcast %mul3A_1105 : i32 to vector<16xi32>
    %mul3A_1107 = arith.muli %get3A_1104, %mul3A_1106 : vector<16xi32>
    %add3A_1108 = arith.addi %add3A_1101, %mul3A_1107 : vector<16xi32>
    %get3A_1109 = arith.constant 25824 : index
    %get3A_1110 = tpu.vector_load %arg10[%get3A_1109] {strides = array<i32>} : memref<28800xi32, #tpu.memory_space<vmem>>, vector<16xi32>,
    %get3A_1111 = vector.shape_cast %get3A_1110 : vector<16xi32> to vector<16xi32>
    %add3A_1112 = arith.addi %add3A_1108, %get3A_1111 : vector<16xi32>
    %swap3A_1113 = arith.constant 224 : index
    %swap3A_1114 = tpu.vector_load %arg11[%swap3A_1113] {strides = array<i32>} : memref<9600xi32, #tpu.memory_space<vmem>>, vector<16xi32>,
    %swap3A_1115 = vector.shape_cast %swap3A_1114 : vector<16xi32> to vector<16xi32>
    %swap3A_1116 = vector.shape_cast %add3A_1071 : vector<16xi32> to vector<16xi32>
    tpu.vector_store %arg11[%swap3A_1113], %swap3A_1116 {strides = array<i32>} : memref<9600xi32, #tpu.memory_space<vmem>>, vector<16xi32>,
    %swap3A_1117 = arith.constant 3424 : index
    %swap3A_1118 = tpu.vector_load %arg11[%swap3A_1117] {strides = array<i32>} : memref<9600xi32, #tpu.memory_space<vmem>>, vector<16xi32>,
    %swap3A_1119 = vector.shape_cast %swap3A_1118 : vector<16xi32> to vector<16xi32>
    %swap3A_1120 = vector.shape_cast %add3A_1088 : vector<16xi32> to vector<16xi32>
    tpu.vector_store %arg11[%swap3A_1117], %swap3A_1120 {strides = array<i32>} : memref<9600xi32, #tpu.memory_space<vmem>>, vector<16xi32>,
    %swap3A_1121 = arith.constant 6624 : index
    %swap3A_1122 = tpu.vector_load %arg11[%swap3A_1121] {strides = array<i32>} : memref<9600xi32, #tpu.memory_space<vmem>>, vector<16xi32>,
    %swap3A_1123 = vector.shape_cast %swap3A_1122 : vector<16xi32> to vector<16xi32>
    %swap3A_1124 = vector.shape_cast %add3A_1112 : vector<16xi32> to vector<16xi32>
    tpu.vector_store %arg11[%swap3A_1121], %swap3A_1124 {strides = array<i32>} : memref<9600xi32, #tpu.memory_space<vmem>>, vector<16xi32>,
    %get3A_1125 = arith.constant 240 : index
    %get3A_1126 = tpu.vector_load %arg10[%get3A_1125] {strides = array<i32>} : memref<28800xi32, #tpu.memory_space<vmem>>, vector<16xi32>,
    %get3A_1127 = vector.shape_cast %get3A_1126 : vector<16xi32> to vector<16xi32>
    %mul3A_1128 = arith.constant 5 : i32
    %mul3A_1129 = vector.broadcast %mul3A_1128 : i32 to vector<16xi32>
    %mul3A_1130 = arith.muli %get3A_1127, %mul3A_1129 : vector<16xi32>
    %get3A_1131 = arith.constant 3440 : index
    %get3A_1132 = tpu.vector_load %arg10[%get3A_1131] {strides = array<i32>} : memref<28800xi32, #tpu.memory_space<vmem>>, vector<16xi32>,
    %get3A_1133 = vector.shape_cast %get3A_1132 : vector<16xi32> to vector<16xi32>
    %add3A_1134 = arith.addi %mul3A_1130, %get3A_1133 : vector<16xi32>
    %get3A_1135 = arith.constant 6640 : index
    %get3A_1136 = tpu.vector_load %arg10[%get3A_1135] {strides = array<i32>} : memref<28800xi32, #tpu.memory_space<vmem>>, vector<16xi32>,
    %get3A_1137 = vector.shape_cast %get3A_1136 : vector<16xi32> to vector<16xi32>
    %mul3A_1138 = arith.constant 120 : i32
    %mul3A_1139 = vector.broadcast %mul3A_1138 : i32 to vector<16xi32>
    %mul3A_1140 = arith.muli %get3A_1137, %mul3A_1139 : vector<16xi32>
    %get3A_1141 = arith.constant 9840 : index
    %get3A_1142 = tpu.vector_load %arg10[%get3A_1141] {strides = array<i32>} : memref<28800xi32, #tpu.memory_space<vmem>>, vector<16xi32>,
    %get3A_1143 = vector.shape_cast %get3A_1142 : vector<16xi32> to vector<16xi32>
    %mul3A_1144 = arith.constant 10 : i32
    %mul3A_1145 = vector.broadcast %mul3A_1144 : i32 to vector<16xi32>
    %mul3A_1146 = arith.muli %get3A_1143, %mul3A_1145 : vector<16xi32>
    %add3A_1147 = arith.addi %mul3A_1140, %mul3A_1146 : vector<16xi32>
    %get3A_1148 = arith.constant 13040 : index
    %get3A_1149 = tpu.vector_load %arg10[%get3A_1148] {strides = array<i32>} : memref<28800xi32, #tpu.memory_space<vmem>>, vector<16xi32>,
    %get3A_1150 = vector.shape_cast %get3A_1149 : vector<16xi32> to vector<16xi32>
    %add3A_1151 = arith.addi %add3A_1147, %get3A_1150 : vector<16xi32>
    %get3A_1152 = arith.constant 16240 : index
    %get3A_1153 = tpu.vector_load %arg10[%get3A_1152] {strides = array<i32>} : memref<28800xi32, #tpu.memory_space<vmem>>, vector<16xi32>,
    %get3A_1154 = vector.shape_cast %get3A_1153 : vector<16xi32> to vector<16xi32>
    %mul3A_1155 = arith.constant 24 : i32
    %mul3A_1156 = vector.broadcast %mul3A_1155 : i32 to vector<16xi32>
    %mul3A_1157 = arith.muli %get3A_1154, %mul3A_1156 : vector<16xi32>
    %get3A_1158 = arith.constant 19440 : index
    %get3A_1159 = tpu.vector_load %arg10[%get3A_1158] {strides = array<i32>} : memref<28800xi32, #tpu.memory_space<vmem>>, vector<16xi32>,
    %get3A_1160 = vector.shape_cast %get3A_1159 : vector<16xi32> to vector<16xi32>
    %mul3A_1161 = arith.constant 4 : i32
    %mul3A_1162 = vector.broadcast %mul3A_1161 : i32 to vector<16xi32>
    %mul3A_1163 = arith.muli %get3A_1160, %mul3A_1162 : vector<16xi32>
    %add3A_1164 = arith.addi %mul3A_1157, %mul3A_1163 : vector<16xi32>
    %get3A_1165 = arith.constant 22640 : index
    %get3A_1166 = tpu.vector_load %arg10[%get3A_1165] {strides = array<i32>} : memref<28800xi32, #tpu.memory_space<vmem>>, vector<16xi32>,
    %get3A_1167 = vector.shape_cast %get3A_1166 : vector<16xi32> to vector<16xi32>
    %mul3A_1168 = arith.constant 2 : i32
    %mul3A_1169 = vector.broadcast %mul3A_1168 : i32 to vector<16xi32>
    %mul3A_1170 = arith.muli %get3A_1167, %mul3A_1169 : vector<16xi32>
    %add3A_1171 = arith.addi %add3A_1164, %mul3A_1170 : vector<16xi32>
    %get3A_1172 = arith.constant 25840 : index
    %get3A_1173 = tpu.vector_load %arg10[%get3A_1172] {strides = array<i32>} : memref<28800xi32, #tpu.memory_space<vmem>>, vector<16xi32>,
    %get3A_1174 = vector.shape_cast %get3A_1173 : vector<16xi32> to vector<16xi32>
    %add3A_1175 = arith.addi %add3A_1171, %get3A_1174 : vector<16xi32>
    %swap3A_1176 = arith.constant 240 : index
    %swap3A_1177 = tpu.vector_load %arg11[%swap3A_1176] {strides = array<i32>} : memref<9600xi32, #tpu.memory_space<vmem>>, vector<16xi32>,
    %swap3A_1178 = vector.shape_cast %swap3A_1177 : vector<16xi32> to vector<16xi32>
    %swap3A_1179 = vector.shape_cast %add3A_1134 : vector<16xi32> to vector<16xi32>
    tpu.vector_store %arg11[%swap3A_1176], %swap3A_1179 {strides = array<i32>} : memref<9600xi32, #tpu.memory_space<vmem>>, vector<16xi32>,
    %swap3A_1180 = arith.constant 3440 : index
    %swap3A_1181 = tpu.vector_load %arg11[%swap3A_1180] {strides = array<i32>} : memref<9600xi32, #tpu.memory_space<vmem>>, vector<16xi32>,
    %swap3A_1182 = vector.shape_cast %swap3A_1181 : vector<16xi32> to vector<16xi32>
    %swap3A_1183 = vector.shape_cast %add3A_1151 : vector<16xi32> to vector<16xi32>
    tpu.vector_store %arg11[%swap3A_1180], %swap3A_1183 {strides = array<i32>} : memref<9600xi32, #tpu.memory_space<vmem>>, vector<16xi32>,
    %swap3A_1184 = arith.constant 6640 : index
    %swap3A_1185 = tpu.vector_load %arg11[%swap3A_1184] {strides = array<i32>} : memref<9600xi32, #tpu.memory_space<vmem>>, vector<16xi32>,
    %swap3A_1186 = vector.shape_cast %swap3A_1185 : vector<16xi32> to vector<16xi32>
    %swap3A_1187 = vector.shape_cast %add3A_1175 : vector<16xi32> to vector<16xi32>
    tpu.vector_store %arg11[%swap3A_1184], %swap3A_1187 {strides = array<i32>} : memref<9600xi32, #tpu.memory_space<vmem>>, vector<16xi32>,
    %barrier3A = arith.constant 0 : index
    tpu.barrier barrier_id(%barrier3A)
    %dma_start3A_1188 = arith.constant 0 : i32
    %dma_start3A_1189 = arith.constant 0 : i32
    %dma_start3A_1190 = arith.constant 0 : i32
    %dma_start3A_1191 = tpu.memref_slice %arg12[%dma_start3A_1188, %dma_start3A_1189, %dma_start3A_1190] : memref<4x128x128xf32, #tpu.memory_space<vmem>> -> memref<1x128x128xf32, #tpu.memory_space<vmem>>
    %dma_start3A_1192 = tpu.memref_squeeze %dma_start3A_1191 : memref<1x128x128xf32, #tpu.memory_space<vmem>> -> memref<128x128xf32, #tpu.memory_space<vmem>>
    %dma_start3A_1193 = arith.constant 0 : i32
    %dma_start3A_1194 = tpu.memref_slice %arg11[%dma_start3A_1193] : memref<9600xi32, #tpu.memory_space<vmem>> -> memref<128xi32, #tpu.memory_space<vmem>>
    %dma_start3A_1195 = arith.constant 0 : i32
    %dma_start3A_1196 = arith.constant 0 : i32
    %dma_start3A_1197 = tpu.memref_slice %arg7[%dma_start3A_1195, %dma_start3A_1196] : memref<640x128xf32, #tpu.memory_space<vmem_shared>> -> memref<640x128xf32, #tpu.memory_space<vmem_shared>>
    tpu.enqueue_indirect_dma source(%dma_start3A_1197 : memref<640x128xf32, #tpu.memory_space<vmem_shared>>) target(%dma_start3A_1192 : memref<128x128xf32, #tpu.memory_space<vmem>>) offsets(%dma_start3A_1194 : memref<128xi32, #tpu.memory_space<vmem>>) semaphore(%arg15 : memref<!tpu.dma_semaphore, #tpu.memory_space<semaphore_mem>>)
    %dma_start3A_1198 = arith.constant 0 : i32
    %dma_start3A_1199 = arith.constant 0 : i32
    %dma_start3A_1200 = arith.constant 0 : i32
    %dma_start3A_1201 = tpu.memref_slice %arg12[%dma_start3A_1198, %dma_start3A_1199, %dma_start3A_1200] : memref<4x128x128xf32, #tpu.memory_space<vmem>> -> memref<1x128x128xf32, #tpu.memory_space<vmem>>
    %dma_start3A_1202 = tpu.memref_squeeze %dma_start3A_1201 : memref<1x128x128xf32, #tpu.memory_space<vmem>> -> memref<128x128xf32, #tpu.memory_space<vmem>>
    %dma_start3A_1203 = arith.constant 3200 : i32
    %dma_start3A_1204 = tpu.memref_slice %arg11[%dma_start3A_1203] : memref<9600xi32, #tpu.memory_space<vmem>> -> memref<128xi32, #tpu.memory_space<vmem>>
    %dma_start3A_1205 = arith.constant 0 : i32
    %dma_start3A_1206 = arith.constant 0 : i32
    %dma_start3A_1207 = tpu.memref_slice %arg8[%dma_start3A_1205, %dma_start3A_1206] : memref<1440x128xf32, #tpu.memory_space<vmem_shared>> -> memref<1440x128xf32, #tpu.memory_space<vmem_shared>>
    tpu.enqueue_indirect_dma source(%dma_start3A_1207 : memref<1440x128xf32, #tpu.memory_space<vmem_shared>>) target(%dma_start3A_1202 : memref<128x128xf32, #tpu.memory_space<vmem>>) offsets(%dma_start3A_1204 : memref<128xi32, #tpu.memory_space<vmem>>) semaphore(%arg15 : memref<!tpu.dma_semaphore, #tpu.memory_space<semaphore_mem>>) {add = true}
    %dma_start3A_1208 = arith.constant 0 : i32
    %dma_start3A_1209 = arith.constant 0 : i32
    %dma_start3A_1210 = arith.constant 0 : i32
    %dma_start3A_1211 = tpu.memref_slice %arg12[%dma_start3A_1208, %dma_start3A_1209, %dma_start3A_1210] : memref<4x128x128xf32, #tpu.memory_space<vmem>> -> memref<1x128x128xf32, #tpu.memory_space<vmem>>
    %dma_start3A_1212 = tpu.memref_squeeze %dma_start3A_1211 : memref<1x128x128xf32, #tpu.memory_space<vmem>> -> memref<128x128xf32, #tpu.memory_space<vmem>>
    %dma_start3A_1213 = arith.constant 6400 : i32
    %dma_start3A_1214 = tpu.memref_slice %arg11[%dma_start3A_1213] : memref<9600xi32, #tpu.memory_space<vmem>> -> memref<128xi32, #tpu.memory_space<vmem>>
    %dma_start3A_1215 = arith.constant 0 : i32
    %dma_start3A_1216 = arith.constant 0 : i32
    %dma_start3A_1217 = tpu.memref_slice %arg9[%dma_start3A_1215, %dma_start3A_1216] : memref<144x128xf32, #tpu.memory_space<vmem_shared>> -> memref<144x128xf32, #tpu.memory_space<vmem_shared>>
    tpu.enqueue_indirect_dma source(%dma_start3A_1217 : memref<144x128xf32, #tpu.memory_space<vmem_shared>>) target(%dma_start3A_1212 : memref<128x128xf32, #tpu.memory_space<vmem>>) offsets(%dma_start3A_1214 : memref<128xi32, #tpu.memory_space<vmem>>) semaphore(%arg15 : memref<!tpu.dma_semaphore, #tpu.memory_space<semaphore_mem>>) {add = true}
    %scan3A = arith.constant 0 : i32
    %scan3A_1218 = arith.constant 0 : i32
    %scan3A_1219 = arith.constant 25 : i32
    %scan3A_1220 = arith.addi %scan3A_1218, %scan3A_1219 : i32
    %scan3A_1221 = arith.constant 1 : i32
    %scan3A_1222 = scf.for %scan3A_1296 = %scan3A_1218 to %scan3A_1220 step %scan3A_1221 iter_args(%scan3A_1297 = %scan3A) -> (i32)  : i32 {
      %rem3A = arith.constant 4 : i32
      %rem3A_1298 = arith.remsi %scan3A_1296, %rem3A : i32
      %add3A_1299 = arith.constant 1 : i32
      %add3A_1300 = arith.addi %scan3A_1296, %add3A_1299 : i32
      %rem3A_1301 = arith.constant 4 : i32
      %rem3A_1302 = arith.remsi %add3A_1300, %rem3A_1301 : i32
      %mul3A_1303 = arith.constant 128 : i32
      %mul3A_1304 = arith.muli %scan3A_1296, %mul3A_1303 : i32
      %add3A_1305 = arith.addi %min3A_3, %mul3A_1304 : i32
      %add3A_1306 = arith.constant 1 : i32
      %add3A_1307 = arith.addi %scan3A_1296, %add3A_1306 : i32
      %lt3A_1308 = arith.constant 25 : i32
      %lt3A_1309 = arith.cmpi slt, %add3A_1307, %lt3A_1308 : i32
      %convert_element_type3A_1310 = arith.extui %lt3A_1309 : i1 to i32
      %cond3A_1311 = arith.constant 0 : i32
      %cond3A_1312 = arith.cmpi ne, %convert_element_type3A_1310, %cond3A_1311 : i32
      scf.if %cond3A_1312 {
        %ge3A = arith.constant 3 : i32
        %ge3A_1377 = arith.cmpi sge, %scan3A_1296, %ge3A : i32
        %convert_element_type3A_1378 = arith.extui %ge3A_1377 : i1 to i32
        %cond3A_1379 = arith.constant 0 : i32
        %cond3A_1380 = arith.cmpi ne, %convert_element_type3A_1378, %cond3A_1379 : i32
        scf.if %cond3A_1380 {
          %dma_wait3A_1417 = arith.constant 0 : i32
          %dma_wait3A_1418 = arith.constant 0 : i32
          %dma_wait3A_1419 = tpu.memref_slice %arg12[%rem3A_1302, %dma_wait3A_1417, %dma_wait3A_1418] : memref<4x128x128xf32, #tpu.memory_space<vmem>> -> memref<1x128x128xf32, #tpu.memory_space<vmem>>
          %dma_wait3A_1420 = tpu.memref_squeeze %dma_wait3A_1419 : memref<1x128x128xf32, #tpu.memory_space<vmem>> -> memref<128x128xf32, #tpu.memory_space<vmem>>
          %dma_wait3A_1421 = arith.constant 0 : i32
          %dma_wait3A_1422 = arith.constant 0 : i32
          %dma_wait3A_1423 = tpu.memref_slice %arg6[%dma_wait3A_1421, %dma_wait3A_1422] : memref<100000x128xf32, #tpu.memory_space<hbm>> -> memref<128x128xf32, #tpu.memory_space<hbm>>
          %dma_wait3A_1424 = tpu.memref_slice %arg16[%rem3A_1302] : memref<4x!tpu.dma_semaphore, #tpu.memory_space<semaphore_mem>> -> memref<1x!tpu.dma_semaphore, #tpu.memory_space<semaphore_mem>>
          %dma_wait3A_1425 = tpu.memref_squeeze %dma_wait3A_1424 : memref<1x!tpu.dma_semaphore, #tpu.memory_space<semaphore_mem>> -> memref<!tpu.dma_semaphore, #tpu.memory_space<semaphore_mem>>
          %dma_wait3A_1426 = arith.constant 0 : i32
          %dma_wait3A_1427 = arith.constant 0 : i32
          %dma_wait3A_1428 = tpu.memref_slice %arg6[%dma_wait3A_1426, %dma_wait3A_1427] : memref<100000x128xf32, #tpu.memory_space<hbm>> -> memref<128x128xf32, #tpu.memory_space<hbm>>
          %dma_wait3A_1429 = arith.constant 0 : i32
          %dma_wait3A_1430 = arith.constant 0 : i32
          %dma_wait3A_1431 = tpu.memref_slice %arg12[%rem3A_1302, %dma_wait3A_1429, %dma_wait3A_1430] : memref<4x128x128xf32, #tpu.memory_space<vmem>> -> memref<1x128x128xf32, #tpu.memory_space<vmem>>
          %dma_wait3A_1432 = tpu.memref_squeeze %dma_wait3A_1431 : memref<1x128x128xf32, #tpu.memory_space<vmem>> -> memref<128x128xf32, #tpu.memory_space<vmem>>
          tpu.wait_dma2 semaphore(%dma_wait3A_1425 : memref<!tpu.dma_semaphore, #tpu.memory_space<semaphore_mem>>) src(%dma_wait3A_1432 : memref<128x128xf32, #tpu.memory_space<vmem>>) dst(%dma_wait3A_1428 : memref<128x128xf32, #tpu.memory_space<hbm>>)
        } else {
        }
        %add3A_1381 = arith.constant 1 : i32
        %add3A_1382 = arith.addi %scan3A_1296, %add3A_1381 : i32
        %mul3A_1383 = arith.constant 128 : i32
        %mul3A_1384 = arith.muli %add3A_1382, %mul3A_1383 : i32
        %dma_start3A_1385 = arith.constant 0 : i32
        %dma_start3A_1386 = arith.constant 0 : i32
        %dma_start3A_1387 = tpu.memref_slice %arg12[%rem3A_1302, %dma_start3A_1385, %dma_start3A_1386] : memref<4x128x128xf32, #tpu.memory_space<vmem>> -> memref<1x128x128xf32, #tpu.memory_space<vmem>>
        %dma_start3A_1388 = tpu.memref_squeeze %dma_start3A_1387 : memref<1x128x128xf32, #tpu.memory_space<vmem>> -> memref<128x128xf32, #tpu.memory_space<vmem>>
        %dma_start3A_1389 = tpu.memref_slice %arg11[%mul3A_1384] : memref<9600xi32, #tpu.memory_space<vmem>> -> memref<128xi32, #tpu.memory_space<vmem>>
        %dma_start3A_1390 = arith.constant 0 : i32
        %dma_start3A_1391 = arith.constant 0 : i32
        %dma_start3A_1392 = tpu.memref_slice %arg7[%dma_start3A_1390, %dma_start3A_1391] : memref<640x128xf32, #tpu.memory_space<vmem_shared>> -> memref<640x128xf32, #tpu.memory_space<vmem_shared>>
        tpu.enqueue_indirect_dma source(%dma_start3A_1392 : memref<640x128xf32, #tpu.memory_space<vmem_shared>>) target(%dma_start3A_1388 : memref<128x128xf32, #tpu.memory_space<vmem>>) offsets(%dma_start3A_1389 : memref<128xi32, #tpu.memory_space<vmem>>) semaphore(%arg15 : memref<!tpu.dma_semaphore, #tpu.memory_space<semaphore_mem>>)
        %mul3A_1393 = arith.constant 128 : i32
        %mul3A_1394 = arith.muli %add3A_1382, %mul3A_1393 : i32
        %add3A_1395 = arith.constant 3200 : i32
        %add3A_1396 = arith.addi %add3A_1395, %mul3A_1394 : i32
        %dma_start3A_1397 = arith.constant 0 : i32
        %dma_start3A_1398 = arith.constant 0 : i32
        %dma_start3A_1399 = tpu.memref_slice %arg12[%rem3A_1302, %dma_start3A_1397, %dma_start3A_1398] : memref<4x128x128xf32, #tpu.memory_space<vmem>> -> memref<1x128x128xf32, #tpu.memory_space<vmem>>
        %dma_start3A_1400 = tpu.memref_squeeze %dma_start3A_1399 : memref<1x128x128xf32, #tpu.memory_space<vmem>> -> memref<128x128xf32, #tpu.memory_space<vmem>>
        %dma_start3A_1401 = tpu.memref_slice %arg11[%add3A_1396] : memref<9600xi32, #tpu.memory_space<vmem>> -> memref<128xi32, #tpu.memory_space<vmem>>
        %dma_start3A_1402 = arith.constant 0 : i32
        %dma_start3A_1403 = arith.constant 0 : i32
        %dma_start3A_1404 = tpu.memref_slice %arg8[%dma_start3A_1402, %dma_start3A_1403] : memref<1440x128xf32, #tpu.memory_space<vmem_shared>> -> memref<1440x128xf32, #tpu.memory_space<vmem_shared>>
        tpu.enqueue_indirect_dma source(%dma_start3A_1404 : memref<1440x128xf32, #tpu.memory_space<vmem_shared>>) target(%dma_start3A_1400 : memref<128x128xf32, #tpu.memory_space<vmem>>) offsets(%dma_start3A_1401 : memref<128xi32, #tpu.memory_space<vmem>>) semaphore(%arg15 : memref<!tpu.dma_semaphore, #tpu.memory_space<semaphore_mem>>) {add = true}
        %mul3A_1405 = arith.constant 128 : i32
        %mul3A_1406 = arith.muli %add3A_1382, %mul3A_1405 : i32
        %add3A_1407 = arith.constant 6400 : i32
        %add3A_1408 = arith.addi %add3A_1407, %mul3A_1406 : i32
        %dma_start3A_1409 = arith.constant 0 : i32
        %dma_start3A_1410 = arith.constant 0 : i32
        %dma_start3A_1411 = tpu.memref_slice %arg12[%rem3A_1302, %dma_start3A_1409, %dma_start3A_1410] : memref<4x128x128xf32, #tpu.memory_space<vmem>> -> memref<1x128x128xf32, #tpu.memory_space<vmem>>
        %dma_start3A_1412 = tpu.memref_squeeze %dma_start3A_1411 : memref<1x128x128xf32, #tpu.memory_space<vmem>> -> memref<128x128xf32, #tpu.memory_space<vmem>>
        %dma_start3A_1413 = tpu.memref_slice %arg11[%add3A_1408] : memref<9600xi32, #tpu.memory_space<vmem>> -> memref<128xi32, #tpu.memory_space<vmem>>
        %dma_start3A_1414 = arith.constant 0 : i32
        %dma_start3A_1415 = arith.constant 0 : i32
        %dma_start3A_1416 = tpu.memref_slice %arg9[%dma_start3A_1414, %dma_start3A_1415] : memref<144x128xf32, #tpu.memory_space<vmem_shared>> -> memref<144x128xf32, #tpu.memory_space<vmem_shared>>
        tpu.enqueue_indirect_dma source(%dma_start3A_1416 : memref<144x128xf32, #tpu.memory_space<vmem_shared>>) target(%dma_start3A_1412 : memref<128x128xf32, #tpu.memory_space<vmem>>) offsets(%dma_start3A_1413 : memref<128xi32, #tpu.memory_space<vmem>>) semaphore(%arg15 : memref<!tpu.dma_semaphore, #tpu.memory_space<semaphore_mem>>) {add = true}
      } else {
      }
      %add3A_1313 = arith.constant 2 : i32
      %add3A_1314 = arith.addi %scan3A_1296, %add3A_1313 : i32
      %lt3A_1315 = arith.constant 25 : i32
      %lt3A_1316 = arith.cmpi slt, %add3A_1314, %lt3A_1315 : i32
      %convert_element_type3A_1317 = arith.extui %lt3A_1316 : i1 to i32
      %cond3A_1318 = arith.constant 0 : i32
      %cond3A_1319 = arith.cmpi ne, %convert_element_type3A_1317, %cond3A_1318 : i32
      scf.if %cond3A_1319 {
        %add3A_1377 = arith.constant 2 : i32
        %add3A_1378 = arith.addi %scan3A_1296, %add3A_1377 : i32
        %mul3A_1379 = arith.constant 128 : i32
        %mul3A_1380 = arith.muli %add3A_1378, %mul3A_1379 : i32
        %add3A_1381 = arith.constant 0 : i32
        %add3A_1382 = arith.addi %mul3A_1380, %add3A_1381 : i32
        %add3A_1383 = arith.constant 0 : i32
        %add3A_1384 = arith.addi %add3A_1383, %add3A_1382 : i32
        %get3A_1385 = arith.index_cast %add3A_1384 : i32 to index
        %get3A_1386 = tpu.vector_load %arg10[%get3A_1385] {strides = array<i32>} : memref<28800xi32, #tpu.memory_space<vmem>>, vector<16xi32>,
        %get3A_1387 = vector.shape_cast %get3A_1386 : vector<16xi32> to vector<16xi32>
        %mul3A_1388 = arith.constant 5 : i32
        %mul3A_1389 = vector.broadcast %mul3A_1388 : i32 to vector<16xi32>
        %mul3A_1390 = arith.muli %get3A_1387, %mul3A_1389 : vector<16xi32>
        %add3A_1391 = arith.constant 3200 : i32
        %add3A_1392 = arith.addi %add3A_1391, %add3A_1382 : i32
        %get3A_1393 = arith.index_cast %add3A_1392 : i32 to index
        %get3A_1394 = tpu.vector_load %arg10[%get3A_1393] {strides = array<i32>} : memref<28800xi32, #tpu.memory_space<vmem>>, vector<16xi32>,
        %get3A_1395 = vector.shape_cast %get3A_1394 : vector<16xi32> to vector<16xi32>
        %add3A_1396 = arith.addi %mul3A_1390, %get3A_1395 : vector<16xi32>
        %add3A_1397 = arith.constant 6400 : i32
        %add3A_1398 = arith.addi %add3A_1397, %add3A_1382 : i32
        %get3A_1399 = arith.index_cast %add3A_1398 : i32 to index
        %get3A_1400 = tpu.vector_load %arg10[%get3A_1399] {strides = array<i32>} : memref<28800xi32, #tpu.memory_space<vmem>>, vector<16xi32>,
        %get3A_1401 = vector.shape_cast %get3A_1400 : vector<16xi32> to vector<16xi32>
        %mul3A_1402 = arith.constant 120 : i32
        %mul3A_1403 = vector.broadcast %mul3A_1402 : i32 to vector<16xi32>
        %mul3A_1404 = arith.muli %get3A_1401, %mul3A_1403 : vector<16xi32>
        %add3A_1405 = arith.constant 9600 : i32
        %add3A_1406 = arith.addi %add3A_1405, %add3A_1382 : i32
        %get3A_1407 = arith.index_cast %add3A_1406 : i32 to index
        %get3A_1408 = tpu.vector_load %arg10[%get3A_1407] {strides = array<i32>} : memref<28800xi32, #tpu.memory_space<vmem>>, vector<16xi32>,
        %get3A_1409 = vector.shape_cast %get3A_1408 : vector<16xi32> to vector<16xi32>
        %mul3A_1410 = arith.constant 10 : i32
        %mul3A_1411 = vector.broadcast %mul3A_1410 : i32 to vector<16xi32>
        %mul3A_1412 = arith.muli %get3A_1409, %mul3A_1411 : vector<16xi32>
        %add3A_1413 = arith.addi %mul3A_1404, %mul3A_1412 : vector<16xi32>
        %add3A_1414 = arith.constant 12800 : i32
        %add3A_1415 = arith.addi %add3A_1414, %add3A_1382 : i32
        %get3A_1416 = arith.index_cast %add3A_1415 : i32 to index
        %get3A_1417 = tpu.vector_load %arg10[%get3A_1416] {strides = array<i32>} : memref<28800xi32, #tpu.memory_space<vmem>>, vector<16xi32>,
        %get3A_1418 = vector.shape_cast %get3A_1417 : vector<16xi32> to vector<16xi32>
        %add3A_1419 = arith.addi %add3A_1413, %get3A_1418 : vector<16xi32>
        %add3A_1420 = arith.constant 16000 : i32
        %add3A_1421 = arith.addi %add3A_1420, %add3A_1382 : i32
        %get3A_1422 = arith.index_cast %add3A_1421 : i32 to index
        %get3A_1423 = tpu.vector_load %arg10[%get3A_1422] {strides = array<i32>} : memref<28800xi32, #tpu.memory_space<vmem>>, vector<16xi32>,
        %get3A_1424 = vector.shape_cast %get3A_1423 : vector<16xi32> to vector<16xi32>
        %mul3A_1425 = arith.constant 24 : i32
        %mul3A_1426 = vector.broadcast %mul3A_1425 : i32 to vector<16xi32>
        %mul3A_1427 = arith.muli %get3A_1424, %mul3A_1426 : vector<16xi32>
        %add3A_1428 = arith.constant 19200 : i32
        %add3A_1429 = arith.addi %add3A_1428, %add3A_1382 : i32
        %get3A_1430 = arith.index_cast %add3A_1429 : i32 to index
        %get3A_1431 = tpu.vector_load %arg10[%get3A_1430] {strides = array<i32>} : memref<28800xi32, #tpu.memory_space<vmem>>, vector<16xi32>,
        %get3A_1432 = vector.shape_cast %get3A_1431 : vector<16xi32> to vector<16xi32>
        %mul3A_1433 = arith.constant 4 : i32
        %mul3A_1434 = vector.broadcast %mul3A_1433 : i32 to vector<16xi32>
        %mul3A_1435 = arith.muli %get3A_1432, %mul3A_1434 : vector<16xi32>
        %add3A_1436 = arith.addi %mul3A_1427, %mul3A_1435 : vector<16xi32>
        %add3A_1437 = arith.constant 22400 : i32
        %add3A_1438 = arith.addi %add3A_1437, %add3A_1382 : i32
        %get3A_1439 = arith.index_cast %add3A_1438 : i32 to index
        %get3A_1440 = tpu.vector_load %arg10[%get3A_1439] {strides = array<i32>} : memref<28800xi32, #tpu.memory_space<vmem>>, vector<16xi32>,
        %get3A_1441 = vector.shape_cast %get3A_1440 : vector<16xi32> to vector<16xi32>
        %mul3A_1442 = arith.constant 2 : i32
        %mul3A_1443 = vector.broadcast %mul3A_1442 : i32 to vector<16xi32>
        %mul3A_1444 = arith.muli %get3A_1441, %mul3A_1443 : vector<16xi32>
        %add3A_1445 = arith.addi %add3A_1436, %mul3A_1444 : vector<16xi32>
        %add3A_1446 = arith.constant 25600 : i32
        %add3A_1447 = arith.addi %add3A_1446, %add3A_1382 : i32
        %get3A_1448 = arith.index_cast %add3A_1447 : i32 to index
        %get3A_1449 = tpu.vector_load %arg10[%get3A_1448] {strides = array<i32>} : memref<28800xi32, #tpu.memory_space<vmem>>, vector<16xi32>,
        %get3A_1450 = vector.shape_cast %get3A_1449 : vector<16xi32> to vector<16xi32>
        %add3A_1451 = arith.addi %add3A_1445, %get3A_1450 : vector<16xi32>
        %add3A_1452 = arith.constant 0 : i32
        %add3A_1453 = arith.addi %add3A_1452, %add3A_1382 : i32
        %swap3A_1454 = arith.index_cast %add3A_1453 : i32 to index
        %swap3A_1455 = tpu.vector_load %arg11[%swap3A_1454] {strides = array<i32>} : memref<9600xi32, #tpu.memory_space<vmem>>, vector<16xi32>,
        %swap3A_1456 = vector.shape_cast %swap3A_1455 : vector<16xi32> to vector<16xi32>
        %swap3A_1457 = vector.shape_cast %add3A_1396 : vector<16xi32> to vector<16xi32>
        tpu.vector_store %arg11[%swap3A_1454], %swap3A_1457 {strides = array<i32>} : memref<9600xi32, #tpu.memory_space<vmem>>, vector<16xi32>,
        %add3A_1458 = arith.constant 3200 : i32
        %add3A_1459 = arith.addi %add3A_1458, %add3A_1382 : i32
        %swap3A_1460 = arith.index_cast %add3A_1459 : i32 to index
        %swap3A_1461 = tpu.vector_load %arg11[%swap3A_1460] {strides = array<i32>} : memref<9600xi32, #tpu.memory_space<vmem>>, vector<16xi32>,
        %swap3A_1462 = vector.shape_cast %swap3A_1461 : vector<16xi32> to vector<16xi32>
        %swap3A_1463 = vector.shape_cast %add3A_1419 : vector<16xi32> to vector<16xi32>
        tpu.vector_store %arg11[%swap3A_1460], %swap3A_1463 {strides = array<i32>} : memref<9600xi32, #tpu.memory_space<vmem>>, vector<16xi32>,
        %add3A_1464 = arith.constant 6400 : i32
        %add3A_1465 = arith.addi %add3A_1464, %add3A_1382 : i32
        %swap3A_1466 = arith.index_cast %add3A_1465 : i32 to index
        %swap3A_1467 = tpu.vector_load %arg11[%swap3A_1466] {strides = array<i32>} : memref<9600xi32, #tpu.memory_space<vmem>>, vector<16xi32>,
        %swap3A_1468 = vector.shape_cast %swap3A_1467 : vector<16xi32> to vector<16xi32>
        %swap3A_1469 = vector.shape_cast %add3A_1451 : vector<16xi32> to vector<16xi32>
        tpu.vector_store %arg11[%swap3A_1466], %swap3A_1469 {strides = array<i32>} : memref<9600xi32, #tpu.memory_space<vmem>>, vector<16xi32>,
        %mul3A_1470 = arith.constant 128 : i32
        %mul3A_1471 = arith.muli %add3A_1378, %mul3A_1470 : i32
        %add3A_1472 = arith.constant 16 : i32
        %add3A_1473 = arith.addi %mul3A_1471, %add3A_1472 : i32
        %add3A_1474 = arith.constant 0 : i32
        %add3A_1475 = arith.addi %add3A_1474, %add3A_1473 : i32
        %get3A_1476 = arith.index_cast %add3A_1475 : i32 to index
        %get3A_1477 = tpu.vector_load %arg10[%get3A_1476] {strides = array<i32>} : memref<28800xi32, #tpu.memory_space<vmem>>, vector<16xi32>,
        %get3A_1478 = vector.shape_cast %get3A_1477 : vector<16xi32> to vector<16xi32>
        %mul3A_1479 = arith.constant 5 : i32
        %mul3A_1480 = vector.broadcast %mul3A_1479 : i32 to vector<16xi32>
        %mul3A_1481 = arith.muli %get3A_1478, %mul3A_1480 : vector<16xi32>
        %add3A_1482 = arith.constant 3200 : i32
        %add3A_1483 = arith.addi %add3A_1482, %add3A_1473 : i32
        %get3A_1484 = arith.index_cast %add3A_1483 : i32 to index
        %get3A_1485 = tpu.vector_load %arg10[%get3A_1484] {strides = array<i32>} : memref<28800xi32, #tpu.memory_space<vmem>>, vector<16xi32>,
        %get3A_1486 = vector.shape_cast %get3A_1485 : vector<16xi32> to vector<16xi32>
        %add3A_1487 = arith.addi %mul3A_1481, %get3A_1486 : vector<16xi32>
        %add3A_1488 = arith.constant 6400 : i32
        %add3A_1489 = arith.addi %add3A_1488, %add3A_1473 : i32
        %get3A_1490 = arith.index_cast %add3A_1489 : i32 to index
        %get3A_1491 = tpu.vector_load %arg10[%get3A_1490] {strides = array<i32>} : memref<28800xi32, #tpu.memory_space<vmem>>, vector<16xi32>,
        %get3A_1492 = vector.shape_cast %get3A_1491 : vector<16xi32> to vector<16xi32>
        %mul3A_1493 = arith.constant 120 : i32
        %mul3A_1494 = vector.broadcast %mul3A_1493 : i32 to vector<16xi32>
        %mul3A_1495 = arith.muli %get3A_1492, %mul3A_1494 : vector<16xi32>
        %add3A_1496 = arith.constant 9600 : i32
        %add3A_1497 = arith.addi %add3A_1496, %add3A_1473 : i32
        %get3A_1498 = arith.index_cast %add3A_1497 : i32 to index
        %get3A_1499 = tpu.vector_load %arg10[%get3A_1498] {strides = array<i32>} : memref<28800xi32, #tpu.memory_space<vmem>>, vector<16xi32>,
        %get3A_1500 = vector.shape_cast %get3A_1499 : vector<16xi32> to vector<16xi32>
        %mul3A_1501 = arith.constant 10 : i32
        %mul3A_1502 = vector.broadcast %mul3A_1501 : i32 to vector<16xi32>
        %mul3A_1503 = arith.muli %get3A_1500, %mul3A_1502 : vector<16xi32>
        %add3A_1504 = arith.addi %mul3A_1495, %mul3A_1503 : vector<16xi32>
        %add3A_1505 = arith.constant 12800 : i32
        %add3A_1506 = arith.addi %add3A_1505, %add3A_1473 : i32
        %get3A_1507 = arith.index_cast %add3A_1506 : i32 to index
        %get3A_1508 = tpu.vector_load %arg10[%get3A_1507] {strides = array<i32>} : memref<28800xi32, #tpu.memory_space<vmem>>, vector<16xi32>,
        %get3A_1509 = vector.shape_cast %get3A_1508 : vector<16xi32> to vector<16xi32>
        %add3A_1510 = arith.addi %add3A_1504, %get3A_1509 : vector<16xi32>
        %add3A_1511 = arith.constant 16000 : i32
        %add3A_1512 = arith.addi %add3A_1511, %add3A_1473 : i32
        %get3A_1513 = arith.index_cast %add3A_1512 : i32 to index
        %get3A_1514 = tpu.vector_load %arg10[%get3A_1513] {strides = array<i32>} : memref<28800xi32, #tpu.memory_space<vmem>>, vector<16xi32>,
        %get3A_1515 = vector.shape_cast %get3A_1514 : vector<16xi32> to vector<16xi32>
        %mul3A_1516 = arith.constant 24 : i32
        %mul3A_1517 = vector.broadcast %mul3A_1516 : i32 to vector<16xi32>
        %mul3A_1518 = arith.muli %get3A_1515, %mul3A_1517 : vector<16xi32>
        %add3A_1519 = arith.constant 19200 : i32
        %add3A_1520 = arith.addi %add3A_1519, %add3A_1473 : i32
        %get3A_1521 = arith.index_cast %add3A_1520 : i32 to index
        %get3A_1522 = tpu.vector_load %arg10[%get3A_1521] {strides = array<i32>} : memref<28800xi32, #tpu.memory_space<vmem>>, vector<16xi32>,
        %get3A_1523 = vector.shape_cast %get3A_1522 : vector<16xi32> to vector<16xi32>
        %mul3A_1524 = arith.constant 4 : i32
        %mul3A_1525 = vector.broadcast %mul3A_1524 : i32 to vector<16xi32>
        %mul3A_1526 = arith.muli %get3A_1523, %mul3A_1525 : vector<16xi32>
        %add3A_1527 = arith.addi %mul3A_1518, %mul3A_1526 : vector<16xi32>
        %add3A_1528 = arith.constant 22400 : i32
        %add3A_1529 = arith.addi %add3A_1528, %add3A_1473 : i32
        %get3A_1530 = arith.index_cast %add3A_1529 : i32 to index
        %get3A_1531 = tpu.vector_load %arg10[%get3A_1530] {strides = array<i32>} : memref<28800xi32, #tpu.memory_space<vmem>>, vector<16xi32>,
        %get3A_1532 = vector.shape_cast %get3A_1531 : vector<16xi32> to vector<16xi32>
        %mul3A_1533 = arith.constant 2 : i32
        %mul3A_1534 = vector.broadcast %mul3A_1533 : i32 to vector<16xi32>
        %mul3A_1535 = arith.muli %get3A_1532, %mul3A_1534 : vector<16xi32>
        %add3A_1536 = arith.addi %add3A_1527, %mul3A_1535 : vector<16xi32>
        %add3A_1537 = arith.constant 25600 : i32
        %add3A_1538 = arith.addi %add3A_1537, %add3A_1473 : i32
        %get3A_1539 = arith.index_cast %add3A_1538 : i32 to index
        %get3A_1540 = tpu.vector_load %arg10[%get3A_1539] {strides = array<i32>} : memref<28800xi32, #tpu.memory_space<vmem>>, vector<16xi32>,
        %get3A_1541 = vector.shape_cast %get3A_1540 : vector<16xi32> to vector<16xi32>
        %add3A_1542 = arith.addi %add3A_1536, %get3A_1541 : vector<16xi32>
        %add3A_1543 = arith.constant 0 : i32
        %add3A_1544 = arith.addi %add3A_1543, %add3A_1473 : i32
        %swap3A_1545 = arith.index_cast %add3A_1544 : i32 to index
        %swap3A_1546 = tpu.vector_load %arg11[%swap3A_1545] {strides = array<i32>} : memref<9600xi32, #tpu.memory_space<vmem>>, vector<16xi32>,
        %swap3A_1547 = vector.shape_cast %swap3A_1546 : vector<16xi32> to vector<16xi32>
        %swap3A_1548 = vector.shape_cast %add3A_1487 : vector<16xi32> to vector<16xi32>
        tpu.vector_store %arg11[%swap3A_1545], %swap3A_1548 {strides = array<i32>} : memref<9600xi32, #tpu.memory_space<vmem>>, vector<16xi32>,
        %add3A_1549 = arith.constant 3200 : i32
        %add3A_1550 = arith.addi %add3A_1549, %add3A_1473 : i32
        %swap3A_1551 = arith.index_cast %add3A_1550 : i32 to index
        %swap3A_1552 = tpu.vector_load %arg11[%swap3A_1551] {strides = array<i32>} : memref<9600xi32, #tpu.memory_space<vmem>>, vector<16xi32>,
        %swap3A_1553 = vector.shape_cast %swap3A_1552 : vector<16xi32> to vector<16xi32>
        %swap3A_1554 = vector.shape_cast %add3A_1510 : vector<16xi32> to vector<16xi32>
        tpu.vector_store %arg11[%swap3A_1551], %swap3A_1554 {strides = array<i32>} : memref<9600xi32, #tpu.memory_space<vmem>>, vector<16xi32>,
        %add3A_1555 = arith.constant 6400 : i32
        %add3A_1556 = arith.addi %add3A_1555, %add3A_1473 : i32
        %swap3A_1557 = arith.index_cast %add3A_1556 : i32 to index
        %swap3A_1558 = tpu.vector_load %arg11[%swap3A_1557] {strides = array<i32>} : memref<9600xi32, #tpu.memory_space<vmem>>, vector<16xi32>,
        %swap3A_1559 = vector.shape_cast %swap3A_1558 : vector<16xi32> to vector<16xi32>
        %swap3A_1560 = vector.shape_cast %add3A_1542 : vector<16xi32> to vector<16xi32>
        tpu.vector_store %arg11[%swap3A_1557], %swap3A_1560 {strides = array<i32>} : memref<9600xi32, #tpu.memory_space<vmem>>, vector<16xi32>,
        %mul3A_1561 = arith.constant 128 : i32
        %mul3A_1562 = arith.muli %add3A_1378, %mul3A_1561 : i32
        %add3A_1563 = arith.constant 32 : i32
        %add3A_1564 = arith.addi %mul3A_1562, %add3A_1563 : i32
        %add3A_1565 = arith.constant 0 : i32
        %add3A_1566 = arith.addi %add3A_1565, %add3A_1564 : i32
        %get3A_1567 = arith.index_cast %add3A_1566 : i32 to index
        %get3A_1568 = tpu.vector_load %arg10[%get3A_1567] {strides = array<i32>} : memref<28800xi32, #tpu.memory_space<vmem>>, vector<16xi32>,
        %get3A_1569 = vector.shape_cast %get3A_1568 : vector<16xi32> to vector<16xi32>
        %mul3A_1570 = arith.constant 5 : i32
        %mul3A_1571 = vector.broadcast %mul3A_1570 : i32 to vector<16xi32>
        %mul3A_1572 = arith.muli %get3A_1569, %mul3A_1571 : vector<16xi32>
        %add3A_1573 = arith.constant 3200 : i32
        %add3A_1574 = arith.addi %add3A_1573, %add3A_1564 : i32
        %get3A_1575 = arith.index_cast %add3A_1574 : i32 to index
        %get3A_1576 = tpu.vector_load %arg10[%get3A_1575] {strides = array<i32>} : memref<28800xi32, #tpu.memory_space<vmem>>, vector<16xi32>,
        %get3A_1577 = vector.shape_cast %get3A_1576 : vector<16xi32> to vector<16xi32>
        %add3A_1578 = arith.addi %mul3A_1572, %get3A_1577 : vector<16xi32>
        %add3A_1579 = arith.constant 6400 : i32
        %add3A_1580 = arith.addi %add3A_1579, %add3A_1564 : i32
        %get3A_1581 = arith.index_cast %add3A_1580 : i32 to index
        %get3A_1582 = tpu.vector_load %arg10[%get3A_1581] {strides = array<i32>} : memref<28800xi32, #tpu.memory_space<vmem>>, vector<16xi32>,
        %get3A_1583 = vector.shape_cast %get3A_1582 : vector<16xi32> to vector<16xi32>
        %mul3A_1584 = arith.constant 120 : i32
        %mul3A_1585 = vector.broadcast %mul3A_1584 : i32 to vector<16xi32>
        %mul3A_1586 = arith.muli %get3A_1583, %mul3A_1585 : vector<16xi32>
        %add3A_1587 = arith.constant 9600 : i32
        %add3A_1588 = arith.addi %add3A_1587, %add3A_1564 : i32
        %get3A_1589 = arith.index_cast %add3A_1588 : i32 to index
        %get3A_1590 = tpu.vector_load %arg10[%get3A_1589] {strides = array<i32>} : memref<28800xi32, #tpu.memory_space<vmem>>, vector<16xi32>,
        %get3A_1591 = vector.shape_cast %get3A_1590 : vector<16xi32> to vector<16xi32>
        %mul3A_1592 = arith.constant 10 : i32
        %mul3A_1593 = vector.broadcast %mul3A_1592 : i32 to vector<16xi32>
        %mul3A_1594 = arith.muli %get3A_1591, %mul3A_1593 : vector<16xi32>
        %add3A_1595 = arith.addi %mul3A_1586, %mul3A_1594 : vector<16xi32>
        %add3A_1596 = arith.constant 12800 : i32
        %add3A_1597 = arith.addi %add3A_1596, %add3A_1564 : i32
        %get3A_1598 = arith.index_cast %add3A_1597 : i32 to index
        %get3A_1599 = tpu.vector_load %arg10[%get3A_1598] {strides = array<i32>} : memref<28800xi32, #tpu.memory_space<vmem>>, vector<16xi32>,
        %get3A_1600 = vector.shape_cast %get3A_1599 : vector<16xi32> to vector<16xi32>
        %add3A_1601 = arith.addi %add3A_1595, %get3A_1600 : vector<16xi32>
        %add3A_1602 = arith.constant 16000 : i32
        %add3A_1603 = arith.addi %add3A_1602, %add3A_1564 : i32
        %get3A_1604 = arith.index_cast %add3A_1603 : i32 to index
        %get3A_1605 = tpu.vector_load %arg10[%get3A_1604] {strides = array<i32>} : memref<28800xi32, #tpu.memory_space<vmem>>, vector<16xi32>,
        %get3A_1606 = vector.shape_cast %get3A_1605 : vector<16xi32> to vector<16xi32>
        %mul3A_1607 = arith.constant 24 : i32
        %mul3A_1608 = vector.broadcast %mul3A_1607 : i32 to vector<16xi32>
        %mul3A_1609 = arith.muli %get3A_1606, %mul3A_1608 : vector<16xi32>
        %add3A_1610 = arith.constant 19200 : i32
        %add3A_1611 = arith.addi %add3A_1610, %add3A_1564 : i32
        %get3A_1612 = arith.index_cast %add3A_1611 : i32 to index
        %get3A_1613 = tpu.vector_load %arg10[%get3A_1612] {strides = array<i32>} : memref<28800xi32, #tpu.memory_space<vmem>>, vector<16xi32>,
        %get3A_1614 = vector.shape_cast %get3A_1613 : vector<16xi32> to vector<16xi32>
        %mul3A_1615 = arith.constant 4 : i32
        %mul3A_1616 = vector.broadcast %mul3A_1615 : i32 to vector<16xi32>
        %mul3A_1617 = arith.muli %get3A_1614, %mul3A_1616 : vector<16xi32>
        %add3A_1618 = arith.addi %mul3A_1609, %mul3A_1617 : vector<16xi32>
        %add3A_1619 = arith.constant 22400 : i32
        %add3A_1620 = arith.addi %add3A_1619, %add3A_1564 : i32
        %get3A_1621 = arith.index_cast %add3A_1620 : i32 to index
        %get3A_1622 = tpu.vector_load %arg10[%get3A_1621] {strides = array<i32>} : memref<28800xi32, #tpu.memory_space<vmem>>, vector<16xi32>,
        %get3A_1623 = vector.shape_cast %get3A_1622 : vector<16xi32> to vector<16xi32>
        %mul3A_1624 = arith.constant 2 : i32
        %mul3A_1625 = vector.broadcast %mul3A_1624 : i32 to vector<16xi32>
        %mul3A_1626 = arith.muli %get3A_1623, %mul3A_1625 : vector<16xi32>
        %add3A_1627 = arith.addi %add3A_1618, %mul3A_1626 : vector<16xi32>
        %add3A_1628 = arith.constant 25600 : i32
        %add3A_1629 = arith.addi %add3A_1628, %add3A_1564 : i32
        %get3A_1630 = arith.index_cast %add3A_1629 : i32 to index
        %get3A_1631 = tpu.vector_load %arg10[%get3A_1630] {strides = array<i32>} : memref<28800xi32, #tpu.memory_space<vmem>>, vector<16xi32>,
        %get3A_1632 = vector.shape_cast %get3A_1631 : vector<16xi32> to vector<16xi32>
        %add3A_1633 = arith.addi %add3A_1627, %get3A_1632 : vector<16xi32>
        %add3A_1634 = arith.constant 0 : i32
        %add3A_1635 = arith.addi %add3A_1634, %add3A_1564 : i32
        %swap3A_1636 = arith.index_cast %add3A_1635 : i32 to index
        %swap3A_1637 = tpu.vector_load %arg11[%swap3A_1636] {strides = array<i32>} : memref<9600xi32, #tpu.memory_space<vmem>>, vector<16xi32>,
        %swap3A_1638 = vector.shape_cast %swap3A_1637 : vector<16xi32> to vector<16xi32>
        %swap3A_1639 = vector.shape_cast %add3A_1578 : vector<16xi32> to vector<16xi32>
        tpu.vector_store %arg11[%swap3A_1636], %swap3A_1639 {strides = array<i32>} : memref<9600xi32, #tpu.memory_space<vmem>>, vector<16xi32>,
        %add3A_1640 = arith.constant 3200 : i32
        %add3A_1641 = arith.addi %add3A_1640, %add3A_1564 : i32
        %swap3A_1642 = arith.index_cast %add3A_1641 : i32 to index
        %swap3A_1643 = tpu.vector_load %arg11[%swap3A_1642] {strides = array<i32>} : memref<9600xi32, #tpu.memory_space<vmem>>, vector<16xi32>,
        %swap3A_1644 = vector.shape_cast %swap3A_1643 : vector<16xi32> to vector<16xi32>
        %swap3A_1645 = vector.shape_cast %add3A_1601 : vector<16xi32> to vector<16xi32>
        tpu.vector_store %arg11[%swap3A_1642], %swap3A_1645 {strides = array<i32>} : memref<9600xi32, #tpu.memory_space<vmem>>, vector<16xi32>,
        %add3A_1646 = arith.constant 6400 : i32
        %add3A_1647 = arith.addi %add3A_1646, %add3A_1564 : i32
        %swap3A_1648 = arith.index_cast %add3A_1647 : i32 to index
        %swap3A_1649 = tpu.vector_load %arg11[%swap3A_1648] {strides = array<i32>} : memref<9600xi32, #tpu.memory_space<vmem>>, vector<16xi32>,
        %swap3A_1650 = vector.shape_cast %swap3A_1649 : vector<16xi32> to vector<16xi32>
        %swap3A_1651 = vector.shape_cast %add3A_1633 : vector<16xi32> to vector<16xi32>
        tpu.vector_store %arg11[%swap3A_1648], %swap3A_1651 {strides = array<i32>} : memref<9600xi32, #tpu.memory_space<vmem>>, vector<16xi32>,
        %mul3A_1652 = arith.constant 128 : i32
        %mul3A_1653 = arith.muli %add3A_1378, %mul3A_1652 : i32
        %add3A_1654 = arith.constant 48 : i32
        %add3A_1655 = arith.addi %mul3A_1653, %add3A_1654 : i32
        %add3A_1656 = arith.constant 0 : i32
        %add3A_1657 = arith.addi %add3A_1656, %add3A_1655 : i32
        %get3A_1658 = arith.index_cast %add3A_1657 : i32 to index
        %get3A_1659 = tpu.vector_load %arg10[%get3A_1658] {strides = array<i32>} : memref<28800xi32, #tpu.memory_space<vmem>>, vector<16xi32>,
        %get3A_1660 = vector.shape_cast %get3A_1659 : vector<16xi32> to vector<16xi32>
        %mul3A_1661 = arith.constant 5 : i32
        %mul3A_1662 = vector.broadcast %mul3A_1661 : i32 to vector<16xi32>
        %mul3A_1663 = arith.muli %get3A_1660, %mul3A_1662 : vector<16xi32>
        %add3A_1664 = arith.constant 3200 : i32
        %add3A_1665 = arith.addi %add3A_1664, %add3A_1655 : i32
        %get3A_1666 = arith.index_cast %add3A_1665 : i32 to index
        %get3A_1667 = tpu.vector_load %arg10[%get3A_1666] {strides = array<i32>} : memref<28800xi32, #tpu.memory_space<vmem>>, vector<16xi32>,
        %get3A_1668 = vector.shape_cast %get3A_1667 : vector<16xi32> to vector<16xi32>
        %add3A_1669 = arith.addi %mul3A_1663, %get3A_1668 : vector<16xi32>
        %add3A_1670 = arith.constant 6400 : i32
        %add3A_1671 = arith.addi %add3A_1670, %add3A_1655 : i32
        %get3A_1672 = arith.index_cast %add3A_1671 : i32 to index
        %get3A_1673 = tpu.vector_load %arg10[%get3A_1672] {strides = array<i32>} : memref<28800xi32, #tpu.memory_space<vmem>>, vector<16xi32>,
        %get3A_1674 = vector.shape_cast %get3A_1673 : vector<16xi32> to vector<16xi32>
        %mul3A_1675 = arith.constant 120 : i32
        %mul3A_1676 = vector.broadcast %mul3A_1675 : i32 to vector<16xi32>
        %mul3A_1677 = arith.muli %get3A_1674, %mul3A_1676 : vector<16xi32>
        %add3A_1678 = arith.constant 9600 : i32
        %add3A_1679 = arith.addi %add3A_1678, %add3A_1655 : i32
        %get3A_1680 = arith.index_cast %add3A_1679 : i32 to index
        %get3A_1681 = tpu.vector_load %arg10[%get3A_1680] {strides = array<i32>} : memref<28800xi32, #tpu.memory_space<vmem>>, vector<16xi32>,
        %get3A_1682 = vector.shape_cast %get3A_1681 : vector<16xi32> to vector<16xi32>
        %mul3A_1683 = arith.constant 10 : i32
        %mul3A_1684 = vector.broadcast %mul3A_1683 : i32 to vector<16xi32>
        %mul3A_1685 = arith.muli %get3A_1682, %mul3A_1684 : vector<16xi32>
        %add3A_1686 = arith.addi %mul3A_1677, %mul3A_1685 : vector<16xi32>
        %add3A_1687 = arith.constant 12800 : i32
        %add3A_1688 = arith.addi %add3A_1687, %add3A_1655 : i32
        %get3A_1689 = arith.index_cast %add3A_1688 : i32 to index
        %get3A_1690 = tpu.vector_load %arg10[%get3A_1689] {strides = array<i32>} : memref<28800xi32, #tpu.memory_space<vmem>>, vector<16xi32>,
        %get3A_1691 = vector.shape_cast %get3A_1690 : vector<16xi32> to vector<16xi32>
        %add3A_1692 = arith.addi %add3A_1686, %get3A_1691 : vector<16xi32>
        %add3A_1693 = arith.constant 16000 : i32
        %add3A_1694 = arith.addi %add3A_1693, %add3A_1655 : i32
        %get3A_1695 = arith.index_cast %add3A_1694 : i32 to index
        %get3A_1696 = tpu.vector_load %arg10[%get3A_1695] {strides = array<i32>} : memref<28800xi32, #tpu.memory_space<vmem>>, vector<16xi32>,
        %get3A_1697 = vector.shape_cast %get3A_1696 : vector<16xi32> to vector<16xi32>
        %mul3A_1698 = arith.constant 24 : i32
        %mul3A_1699 = vector.broadcast %mul3A_1698 : i32 to vector<16xi32>
        %mul3A_1700 = arith.muli %get3A_1697, %mul3A_1699 : vector<16xi32>
        %add3A_1701 = arith.constant 19200 : i32
        %add3A_1702 = arith.addi %add3A_1701, %add3A_1655 : i32
        %get3A_1703 = arith.index_cast %add3A_1702 : i32 to index
        %get3A_1704 = tpu.vector_load %arg10[%get3A_1703] {strides = array<i32>} : memref<28800xi32, #tpu.memory_space<vmem>>, vector<16xi32>,
        %get3A_1705 = vector.shape_cast %get3A_1704 : vector<16xi32> to vector<16xi32>
        %mul3A_1706 = arith.constant 4 : i32
        %mul3A_1707 = vector.broadcast %mul3A_1706 : i32 to vector<16xi32>
        %mul3A_1708 = arith.muli %get3A_1705, %mul3A_1707 : vector<16xi32>
        %add3A_1709 = arith.addi %mul3A_1700, %mul3A_1708 : vector<16xi32>
        %add3A_1710 = arith.constant 22400 : i32
        %add3A_1711 = arith.addi %add3A_1710, %add3A_1655 : i32
        %get3A_1712 = arith.index_cast %add3A_1711 : i32 to index
        %get3A_1713 = tpu.vector_load %arg10[%get3A_1712] {strides = array<i32>} : memref<28800xi32, #tpu.memory_space<vmem>>, vector<16xi32>,
        %get3A_1714 = vector.shape_cast %get3A_1713 : vector<16xi32> to vector<16xi32>
        %mul3A_1715 = arith.constant 2 : i32
        %mul3A_1716 = vector.broadcast %mul3A_1715 : i32 to vector<16xi32>
        %mul3A_1717 = arith.muli %get3A_1714, %mul3A_1716 : vector<16xi32>
        %add3A_1718 = arith.addi %add3A_1709, %mul3A_1717 : vector<16xi32>
        %add3A_1719 = arith.constant 25600 : i32
        %add3A_1720 = arith.addi %add3A_1719, %add3A_1655 : i32
        %get3A_1721 = arith.index_cast %add3A_1720 : i32 to index
        %get3A_1722 = tpu.vector_load %arg10[%get3A_1721] {strides = array<i32>} : memref<28800xi32, #tpu.memory_space<vmem>>, vector<16xi32>,
        %get3A_1723 = vector.shape_cast %get3A_1722 : vector<16xi32> to vector<16xi32>
        %add3A_1724 = arith.addi %add3A_1718, %get3A_1723 : vector<16xi32>
        %add3A_1725 = arith.constant 0 : i32
        %add3A_1726 = arith.addi %add3A_1725, %add3A_1655 : i32
        %swap3A_1727 = arith.index_cast %add3A_1726 : i32 to index
        %swap3A_1728 = tpu.vector_load %arg11[%swap3A_1727] {strides = array<i32>} : memref<9600xi32, #tpu.memory_space<vmem>>, vector<16xi32>,
        %swap3A_1729 = vector.shape_cast %swap3A_1728 : vector<16xi32> to vector<16xi32>
        %swap3A_1730 = vector.shape_cast %add3A_1669 : vector<16xi32> to vector<16xi32>
        tpu.vector_store %arg11[%swap3A_1727], %swap3A_1730 {strides = array<i32>} : memref<9600xi32, #tpu.memory_space<vmem>>, vector<16xi32>,
        %add3A_1731 = arith.constant 3200 : i32
        %add3A_1732 = arith.addi %add3A_1731, %add3A_1655 : i32
        %swap3A_1733 = arith.index_cast %add3A_1732 : i32 to index
        %swap3A_1734 = tpu.vector_load %arg11[%swap3A_1733] {strides = array<i32>} : memref<9600xi32, #tpu.memory_space<vmem>>, vector<16xi32>,
        %swap3A_1735 = vector.shape_cast %swap3A_1734 : vector<16xi32> to vector<16xi32>
        %swap3A_1736 = vector.shape_cast %add3A_1692 : vector<16xi32> to vector<16xi32>
        tpu.vector_store %arg11[%swap3A_1733], %swap3A_1736 {strides = array<i32>} : memref<9600xi32, #tpu.memory_space<vmem>>, vector<16xi32>,
        %add3A_1737 = arith.constant 6400 : i32
        %add3A_1738 = arith.addi %add3A_1737, %add3A_1655 : i32
        %swap3A_1739 = arith.index_cast %add3A_1738 : i32 to index
        %swap3A_1740 = tpu.vector_load %arg11[%swap3A_1739] {strides = array<i32>} : memref<9600xi32, #tpu.memory_space<vmem>>, vector<16xi32>,
        %swap3A_1741 = vector.shape_cast %swap3A_1740 : vector<16xi32> to vector<16xi32>
        %swap3A_1742 = vector.shape_cast %add3A_1724 : vector<16xi32> to vector<16xi32>
        tpu.vector_store %arg11[%swap3A_1739], %swap3A_1742 {strides = array<i32>} : memref<9600xi32, #tpu.memory_space<vmem>>, vector<16xi32>,
        %mul3A_1743 = arith.constant 128 : i32
        %mul3A_1744 = arith.muli %add3A_1378, %mul3A_1743 : i32
        %add3A_1745 = arith.constant 64 : i32
        %add3A_1746 = arith.addi %mul3A_1744, %add3A_1745 : i32
        %add3A_1747 = arith.constant 0 : i32
        %add3A_1748 = arith.addi %add3A_1747, %add3A_1746 : i32
        %get3A_1749 = arith.index_cast %add3A_1748 : i32 to index
        %get3A_1750 = tpu.vector_load %arg10[%get3A_1749] {strides = array<i32>} : memref<28800xi32, #tpu.memory_space<vmem>>, vector<16xi32>,
        %get3A_1751 = vector.shape_cast %get3A_1750 : vector<16xi32> to vector<16xi32>
        %mul3A_1752 = arith.constant 5 : i32
        %mul3A_1753 = vector.broadcast %mul3A_1752 : i32 to vector<16xi32>
        %mul3A_1754 = arith.muli %get3A_1751, %mul3A_1753 : vector<16xi32>
        %add3A_1755 = arith.constant 3200 : i32
        %add3A_1756 = arith.addi %add3A_1755, %add3A_1746 : i32
        %get3A_1757 = arith.index_cast %add3A_1756 : i32 to index
        %get3A_1758 = tpu.vector_load %arg10[%get3A_1757] {strides = array<i32>} : memref<28800xi32, #tpu.memory_space<vmem>>, vector<16xi32>,
        %get3A_1759 = vector.shape_cast %get3A_1758 : vector<16xi32> to vector<16xi32>
        %add3A_1760 = arith.addi %mul3A_1754, %get3A_1759 : vector<16xi32>
        %add3A_1761 = arith.constant 6400 : i32
        %add3A_1762 = arith.addi %add3A_1761, %add3A_1746 : i32
        %get3A_1763 = arith.index_cast %add3A_1762 : i32 to index
        %get3A_1764 = tpu.vector_load %arg10[%get3A_1763] {strides = array<i32>} : memref<28800xi32, #tpu.memory_space<vmem>>, vector<16xi32>,
        %get3A_1765 = vector.shape_cast %get3A_1764 : vector<16xi32> to vector<16xi32>
        %mul3A_1766 = arith.constant 120 : i32
        %mul3A_1767 = vector.broadcast %mul3A_1766 : i32 to vector<16xi32>
        %mul3A_1768 = arith.muli %get3A_1765, %mul3A_1767 : vector<16xi32>
        %add3A_1769 = arith.constant 9600 : i32
        %add3A_1770 = arith.addi %add3A_1769, %add3A_1746 : i32
        %get3A_1771 = arith.index_cast %add3A_1770 : i32 to index
        %get3A_1772 = tpu.vector_load %arg10[%get3A_1771] {strides = array<i32>} : memref<28800xi32, #tpu.memory_space<vmem>>, vector<16xi32>,
        %get3A_1773 = vector.shape_cast %get3A_1772 : vector<16xi32> to vector<16xi32>
        %mul3A_1774 = arith.constant 10 : i32
        %mul3A_1775 = vector.broadcast %mul3A_1774 : i32 to vector<16xi32>
        %mul3A_1776 = arith.muli %get3A_1773, %mul3A_1775 : vector<16xi32>
        %add3A_1777 = arith.addi %mul3A_1768, %mul3A_1776 : vector<16xi32>
        %add3A_1778 = arith.constant 12800 : i32
        %add3A_1779 = arith.addi %add3A_1778, %add3A_1746 : i32
        %get3A_1780 = arith.index_cast %add3A_1779 : i32 to index
        %get3A_1781 = tpu.vector_load %arg10[%get3A_1780] {strides = array<i32>} : memref<28800xi32, #tpu.memory_space<vmem>>, vector<16xi32>,
        %get3A_1782 = vector.shape_cast %get3A_1781 : vector<16xi32> to vector<16xi32>
        %add3A_1783 = arith.addi %add3A_1777, %get3A_1782 : vector<16xi32>
        %add3A_1784 = arith.constant 16000 : i32
        %add3A_1785 = arith.addi %add3A_1784, %add3A_1746 : i32
        %get3A_1786 = arith.index_cast %add3A_1785 : i32 to index
        %get3A_1787 = tpu.vector_load %arg10[%get3A_1786] {strides = array<i32>} : memref<28800xi32, #tpu.memory_space<vmem>>, vector<16xi32>,
        %get3A_1788 = vector.shape_cast %get3A_1787 : vector<16xi32> to vector<16xi32>
        %mul3A_1789 = arith.constant 24 : i32
        %mul3A_1790 = vector.broadcast %mul3A_1789 : i32 to vector<16xi32>
        %mul3A_1791 = arith.muli %get3A_1788, %mul3A_1790 : vector<16xi32>
        %add3A_1792 = arith.constant 19200 : i32
        %add3A_1793 = arith.addi %add3A_1792, %add3A_1746 : i32
        %get3A_1794 = arith.index_cast %add3A_1793 : i32 to index
        %get3A_1795 = tpu.vector_load %arg10[%get3A_1794] {strides = array<i32>} : memref<28800xi32, #tpu.memory_space<vmem>>, vector<16xi32>,
        %get3A_1796 = vector.shape_cast %get3A_1795 : vector<16xi32> to vector<16xi32>
        %mul3A_1797 = arith.constant 4 : i32
        %mul3A_1798 = vector.broadcast %mul3A_1797 : i32 to vector<16xi32>
        %mul3A_1799 = arith.muli %get3A_1796, %mul3A_1798 : vector<16xi32>
        %add3A_1800 = arith.addi %mul3A_1791, %mul3A_1799 : vector<16xi32>
        %add3A_1801 = arith.constant 22400 : i32
        %add3A_1802 = arith.addi %add3A_1801, %add3A_1746 : i32
        %get3A_1803 = arith.index_cast %add3A_1802 : i32 to index
        %get3A_1804 = tpu.vector_load %arg10[%get3A_1803] {strides = array<i32>} : memref<28800xi32, #tpu.memory_space<vmem>>, vector<16xi32>,
        %get3A_1805 = vector.shape_cast %get3A_1804 : vector<16xi32> to vector<16xi32>
        %mul3A_1806 = arith.constant 2 : i32
        %mul3A_1807 = vector.broadcast %mul3A_1806 : i32 to vector<16xi32>
        %mul3A_1808 = arith.muli %get3A_1805, %mul3A_1807 : vector<16xi32>
        %add3A_1809 = arith.addi %add3A_1800, %mul3A_1808 : vector<16xi32>
        %add3A_1810 = arith.constant 25600 : i32
        %add3A_1811 = arith.addi %add3A_1810, %add3A_1746 : i32
        %get3A_1812 = arith.index_cast %add3A_1811 : i32 to index
        %get3A_1813 = tpu.vector_load %arg10[%get3A_1812] {strides = array<i32>} : memref<28800xi32, #tpu.memory_space<vmem>>, vector<16xi32>,
        %get3A_1814 = vector.shape_cast %get3A_1813 : vector<16xi32> to vector<16xi32>
        %add3A_1815 = arith.addi %add3A_1809, %get3A_1814 : vector<16xi32>
        %add3A_1816 = arith.constant 0 : i32
        %add3A_1817 = arith.addi %add3A_1816, %add3A_1746 : i32
        %swap3A_1818 = arith.index_cast %add3A_1817 : i32 to index
        %swap3A_1819 = tpu.vector_load %arg11[%swap3A_1818] {strides = array<i32>} : memref<9600xi32, #tpu.memory_space<vmem>>, vector<16xi32>,
        %swap3A_1820 = vector.shape_cast %swap3A_1819 : vector<16xi32> to vector<16xi32>
        %swap3A_1821 = vector.shape_cast %add3A_1760 : vector<16xi32> to vector<16xi32>
        tpu.vector_store %arg11[%swap3A_1818], %swap3A_1821 {strides = array<i32>} : memref<9600xi32, #tpu.memory_space<vmem>>, vector<16xi32>,
        %add3A_1822 = arith.constant 3200 : i32
        %add3A_1823 = arith.addi %add3A_1822, %add3A_1746 : i32
        %swap3A_1824 = arith.index_cast %add3A_1823 : i32 to index
        %swap3A_1825 = tpu.vector_load %arg11[%swap3A_1824] {strides = array<i32>} : memref<9600xi32, #tpu.memory_space<vmem>>, vector<16xi32>,
        %swap3A_1826 = vector.shape_cast %swap3A_1825 : vector<16xi32> to vector<16xi32>
        %swap3A_1827 = vector.shape_cast %add3A_1783 : vector<16xi32> to vector<16xi32>
        tpu.vector_store %arg11[%swap3A_1824], %swap3A_1827 {strides = array<i32>} : memref<9600xi32, #tpu.memory_space<vmem>>, vector<16xi32>,
        %add3A_1828 = arith.constant 6400 : i32
        %add3A_1829 = arith.addi %add3A_1828, %add3A_1746 : i32
        %swap3A_1830 = arith.index_cast %add3A_1829 : i32 to index
        %swap3A_1831 = tpu.vector_load %arg11[%swap3A_1830] {strides = array<i32>} : memref<9600xi32, #tpu.memory_space<vmem>>, vector<16xi32>,
        %swap3A_1832 = vector.shape_cast %swap3A_1831 : vector<16xi32> to vector<16xi32>
        %swap3A_1833 = vector.shape_cast %add3A_1815 : vector<16xi32> to vector<16xi32>
        tpu.vector_store %arg11[%swap3A_1830], %swap3A_1833 {strides = array<i32>} : memref<9600xi32, #tpu.memory_space<vmem>>, vector<16xi32>,
        %mul3A_1834 = arith.constant 128 : i32
        %mul3A_1835 = arith.muli %add3A_1378, %mul3A_1834 : i32
        %add3A_1836 = arith.constant 80 : i32
        %add3A_1837 = arith.addi %mul3A_1835, %add3A_1836 : i32
        %add3A_1838 = arith.constant 0 : i32
        %add3A_1839 = arith.addi %add3A_1838, %add3A_1837 : i32
        %get3A_1840 = arith.index_cast %add3A_1839 : i32 to index
        %get3A_1841 = tpu.vector_load %arg10[%get3A_1840] {strides = array<i32>} : memref<28800xi32, #tpu.memory_space<vmem>>, vector<16xi32>,
        %get3A_1842 = vector.shape_cast %get3A_1841 : vector<16xi32> to vector<16xi32>
        %mul3A_1843 = arith.constant 5 : i32
        %mul3A_1844 = vector.broadcast %mul3A_1843 : i32 to vector<16xi32>
        %mul3A_1845 = arith.muli %get3A_1842, %mul3A_1844 : vector<16xi32>
        %add3A_1846 = arith.constant 3200 : i32
        %add3A_1847 = arith.addi %add3A_1846, %add3A_1837 : i32
        %get3A_1848 = arith.index_cast %add3A_1847 : i32 to index
        %get3A_1849 = tpu.vector_load %arg10[%get3A_1848] {strides = array<i32>} : memref<28800xi32, #tpu.memory_space<vmem>>, vector<16xi32>,
        %get3A_1850 = vector.shape_cast %get3A_1849 : vector<16xi32> to vector<16xi32>
        %add3A_1851 = arith.addi %mul3A_1845, %get3A_1850 : vector<16xi32>
        %add3A_1852 = arith.constant 6400 : i32
        %add3A_1853 = arith.addi %add3A_1852, %add3A_1837 : i32
        %get3A_1854 = arith.index_cast %add3A_1853 : i32 to index
        %get3A_1855 = tpu.vector_load %arg10[%get3A_1854] {strides = array<i32>} : memref<28800xi32, #tpu.memory_space<vmem>>, vector<16xi32>,
        %get3A_1856 = vector.shape_cast %get3A_1855 : vector<16xi32> to vector<16xi32>
        %mul3A_1857 = arith.constant 120 : i32
        %mul3A_1858 = vector.broadcast %mul3A_1857 : i32 to vector<16xi32>
        %mul3A_1859 = arith.muli %get3A_1856, %mul3A_1858 : vector<16xi32>
        %add3A_1860 = arith.constant 9600 : i32
        %add3A_1861 = arith.addi %add3A_1860, %add3A_1837 : i32
        %get3A_1862 = arith.index_cast %add3A_1861 : i32 to index
        %get3A_1863 = tpu.vector_load %arg10[%get3A_1862] {strides = array<i32>} : memref<28800xi32, #tpu.memory_space<vmem>>, vector<16xi32>,
        %get3A_1864 = vector.shape_cast %get3A_1863 : vector<16xi32> to vector<16xi32>
        %mul3A_1865 = arith.constant 10 : i32
        %mul3A_1866 = vector.broadcast %mul3A_1865 : i32 to vector<16xi32>
        %mul3A_1867 = arith.muli %get3A_1864, %mul3A_1866 : vector<16xi32>
        %add3A_1868 = arith.addi %mul3A_1859, %mul3A_1867 : vector<16xi32>
        %add3A_1869 = arith.constant 12800 : i32
        %add3A_1870 = arith.addi %add3A_1869, %add3A_1837 : i32
        %get3A_1871 = arith.index_cast %add3A_1870 : i32 to index
        %get3A_1872 = tpu.vector_load %arg10[%get3A_1871] {strides = array<i32>} : memref<28800xi32, #tpu.memory_space<vmem>>, vector<16xi32>,
        %get3A_1873 = vector.shape_cast %get3A_1872 : vector<16xi32> to vector<16xi32>
        %add3A_1874 = arith.addi %add3A_1868, %get3A_1873 : vector<16xi32>
        %add3A_1875 = arith.constant 16000 : i32
        %add3A_1876 = arith.addi %add3A_1875, %add3A_1837 : i32
        %get3A_1877 = arith.index_cast %add3A_1876 : i32 to index
        %get3A_1878 = tpu.vector_load %arg10[%get3A_1877] {strides = array<i32>} : memref<28800xi32, #tpu.memory_space<vmem>>, vector<16xi32>,
        %get3A_1879 = vector.shape_cast %get3A_1878 : vector<16xi32> to vector<16xi32>
        %mul3A_1880 = arith.constant 24 : i32
        %mul3A_1881 = vector.broadcast %mul3A_1880 : i32 to vector<16xi32>
        %mul3A_1882 = arith.muli %get3A_1879, %mul3A_1881 : vector<16xi32>
        %add3A_1883 = arith.constant 19200 : i32
        %add3A_1884 = arith.addi %add3A_1883, %add3A_1837 : i32
        %get3A_1885 = arith.index_cast %add3A_1884 : i32 to index
        %get3A_1886 = tpu.vector_load %arg10[%get3A_1885] {strides = array<i32>} : memref<28800xi32, #tpu.memory_space<vmem>>, vector<16xi32>,
        %get3A_1887 = vector.shape_cast %get3A_1886 : vector<16xi32> to vector<16xi32>
        %mul3A_1888 = arith.constant 4 : i32
        %mul3A_1889 = vector.broadcast %mul3A_1888 : i32 to vector<16xi32>
        %mul3A_1890 = arith.muli %get3A_1887, %mul3A_1889 : vector<16xi32>
        %add3A_1891 = arith.addi %mul3A_1882, %mul3A_1890 : vector<16xi32>
        %add3A_1892 = arith.constant 22400 : i32
        %add3A_1893 = arith.addi %add3A_1892, %add3A_1837 : i32
        %get3A_1894 = arith.index_cast %add3A_1893 : i32 to index
        %get3A_1895 = tpu.vector_load %arg10[%get3A_1894] {strides = array<i32>} : memref<28800xi32, #tpu.memory_space<vmem>>, vector<16xi32>,
        %get3A_1896 = vector.shape_cast %get3A_1895 : vector<16xi32> to vector<16xi32>
        %mul3A_1897 = arith.constant 2 : i32
        %mul3A_1898 = vector.broadcast %mul3A_1897 : i32 to vector<16xi32>
        %mul3A_1899 = arith.muli %get3A_1896, %mul3A_1898 : vector<16xi32>
        %add3A_1900 = arith.addi %add3A_1891, %mul3A_1899 : vector<16xi32>
        %add3A_1901 = arith.constant 25600 : i32
        %add3A_1902 = arith.addi %add3A_1901, %add3A_1837 : i32
        %get3A_1903 = arith.index_cast %add3A_1902 : i32 to index
        %get3A_1904 = tpu.vector_load %arg10[%get3A_1903] {strides = array<i32>} : memref<28800xi32, #tpu.memory_space<vmem>>, vector<16xi32>,
        %get3A_1905 = vector.shape_cast %get3A_1904 : vector<16xi32> to vector<16xi32>
        %add3A_1906 = arith.addi %add3A_1900, %get3A_1905 : vector<16xi32>
        %add3A_1907 = arith.constant 0 : i32
        %add3A_1908 = arith.addi %add3A_1907, %add3A_1837 : i32
        %swap3A_1909 = arith.index_cast %add3A_1908 : i32 to index
        %swap3A_1910 = tpu.vector_load %arg11[%swap3A_1909] {strides = array<i32>} : memref<9600xi32, #tpu.memory_space<vmem>>, vector<16xi32>,
        %swap3A_1911 = vector.shape_cast %swap3A_1910 : vector<16xi32> to vector<16xi32>
        %swap3A_1912 = vector.shape_cast %add3A_1851 : vector<16xi32> to vector<16xi32>
        tpu.vector_store %arg11[%swap3A_1909], %swap3A_1912 {strides = array<i32>} : memref<9600xi32, #tpu.memory_space<vmem>>, vector<16xi32>,
        %add3A_1913 = arith.constant 3200 : i32
        %add3A_1914 = arith.addi %add3A_1913, %add3A_1837 : i32
        %swap3A_1915 = arith.index_cast %add3A_1914 : i32 to index
        %swap3A_1916 = tpu.vector_load %arg11[%swap3A_1915] {strides = array<i32>} : memref<9600xi32, #tpu.memory_space<vmem>>, vector<16xi32>,
        %swap3A_1917 = vector.shape_cast %swap3A_1916 : vector<16xi32> to vector<16xi32>
        %swap3A_1918 = vector.shape_cast %add3A_1874 : vector<16xi32> to vector<16xi32>
        tpu.vector_store %arg11[%swap3A_1915], %swap3A_1918 {strides = array<i32>} : memref<9600xi32, #tpu.memory_space<vmem>>, vector<16xi32>,
        %add3A_1919 = arith.constant 6400 : i32
        %add3A_1920 = arith.addi %add3A_1919, %add3A_1837 : i32
        %swap3A_1921 = arith.index_cast %add3A_1920 : i32 to index
        %swap3A_1922 = tpu.vector_load %arg11[%swap3A_1921] {strides = array<i32>} : memref<9600xi32, #tpu.memory_space<vmem>>, vector<16xi32>,
        %swap3A_1923 = vector.shape_cast %swap3A_1922 : vector<16xi32> to vector<16xi32>
        %swap3A_1924 = vector.shape_cast %add3A_1906 : vector<16xi32> to vector<16xi32>
        tpu.vector_store %arg11[%swap3A_1921], %swap3A_1924 {strides = array<i32>} : memref<9600xi32, #tpu.memory_space<vmem>>, vector<16xi32>,
        %mul3A_1925 = arith.constant 128 : i32
        %mul3A_1926 = arith.muli %add3A_1378, %mul3A_1925 : i32
        %add3A_1927 = arith.constant 96 : i32
        %add3A_1928 = arith.addi %mul3A_1926, %add3A_1927 : i32
        %add3A_1929 = arith.constant 0 : i32
        %add3A_1930 = arith.addi %add3A_1929, %add3A_1928 : i32
        %get3A_1931 = arith.index_cast %add3A_1930 : i32 to index
        %get3A_1932 = tpu.vector_load %arg10[%get3A_1931] {strides = array<i32>} : memref<28800xi32, #tpu.memory_space<vmem>>, vector<16xi32>,
        %get3A_1933 = vector.shape_cast %get3A_1932 : vector<16xi32> to vector<16xi32>
        %mul3A_1934 = arith.constant 5 : i32
        %mul3A_1935 = vector.broadcast %mul3A_1934 : i32 to vector<16xi32>
        %mul3A_1936 = arith.muli %get3A_1933, %mul3A_1935 : vector<16xi32>
        %add3A_1937 = arith.constant 3200 : i32
        %add3A_1938 = arith.addi %add3A_1937, %add3A_1928 : i32
        %get3A_1939 = arith.index_cast %add3A_1938 : i32 to index
        %get3A_1940 = tpu.vector_load %arg10[%get3A_1939] {strides = array<i32>} : memref<28800xi32, #tpu.memory_space<vmem>>, vector<16xi32>,
        %get3A_1941 = vector.shape_cast %get3A_1940 : vector<16xi32> to vector<16xi32>
        %add3A_1942 = arith.addi %mul3A_1936, %get3A_1941 : vector<16xi32>
        %add3A_1943 = arith.constant 6400 : i32
        %add3A_1944 = arith.addi %add3A_1943, %add3A_1928 : i32
        %get3A_1945 = arith.index_cast %add3A_1944 : i32 to index
        %get3A_1946 = tpu.vector_load %arg10[%get3A_1945] {strides = array<i32>} : memref<28800xi32, #tpu.memory_space<vmem>>, vector<16xi32>,
        %get3A_1947 = vector.shape_cast %get3A_1946 : vector<16xi32> to vector<16xi32>
        %mul3A_1948 = arith.constant 120 : i32
        %mul3A_1949 = vector.broadcast %mul3A_1948 : i32 to vector<16xi32>
        %mul3A_1950 = arith.muli %get3A_1947, %mul3A_1949 : vector<16xi32>
        %add3A_1951 = arith.constant 9600 : i32
        %add3A_1952 = arith.addi %add3A_1951, %add3A_1928 : i32
        %get3A_1953 = arith.index_cast %add3A_1952 : i32 to index
        %get3A_1954 = tpu.vector_load %arg10[%get3A_1953] {strides = array<i32>} : memref<28800xi32, #tpu.memory_space<vmem>>, vector<16xi32>,
        %get3A_1955 = vector.shape_cast %get3A_1954 : vector<16xi32> to vector<16xi32>
        %mul3A_1956 = arith.constant 10 : i32
        %mul3A_1957 = vector.broadcast %mul3A_1956 : i32 to vector<16xi32>
        %mul3A_1958 = arith.muli %get3A_1955, %mul3A_1957 : vector<16xi32>
        %add3A_1959 = arith.addi %mul3A_1950, %mul3A_1958 : vector<16xi32>
        %add3A_1960 = arith.constant 12800 : i32
        %add3A_1961 = arith.addi %add3A_1960, %add3A_1928 : i32
        %get3A_1962 = arith.index_cast %add3A_1961 : i32 to index
        %get3A_1963 = tpu.vector_load %arg10[%get3A_1962] {strides = array<i32>} : memref<28800xi32, #tpu.memory_space<vmem>>, vector<16xi32>,
        %get3A_1964 = vector.shape_cast %get3A_1963 : vector<16xi32> to vector<16xi32>
        %add3A_1965 = arith.addi %add3A_1959, %get3A_1964 : vector<16xi32>
        %add3A_1966 = arith.constant 16000 : i32
        %add3A_1967 = arith.addi %add3A_1966, %add3A_1928 : i32
        %get3A_1968 = arith.index_cast %add3A_1967 : i32 to index
        %get3A_1969 = tpu.vector_load %arg10[%get3A_1968] {strides = array<i32>} : memref<28800xi32, #tpu.memory_space<vmem>>, vector<16xi32>,
        %get3A_1970 = vector.shape_cast %get3A_1969 : vector<16xi32> to vector<16xi32>
        %mul3A_1971 = arith.constant 24 : i32
        %mul3A_1972 = vector.broadcast %mul3A_1971 : i32 to vector<16xi32>
        %mul3A_1973 = arith.muli %get3A_1970, %mul3A_1972 : vector<16xi32>
        %add3A_1974 = arith.constant 19200 : i32
        %add3A_1975 = arith.addi %add3A_1974, %add3A_1928 : i32
        %get3A_1976 = arith.index_cast %add3A_1975 : i32 to index
        %get3A_1977 = tpu.vector_load %arg10[%get3A_1976] {strides = array<i32>} : memref<28800xi32, #tpu.memory_space<vmem>>, vector<16xi32>,
        %get3A_1978 = vector.shape_cast %get3A_1977 : vector<16xi32> to vector<16xi32>
        %mul3A_1979 = arith.constant 4 : i32
        %mul3A_1980 = vector.broadcast %mul3A_1979 : i32 to vector<16xi32>
        %mul3A_1981 = arith.muli %get3A_1978, %mul3A_1980 : vector<16xi32>
        %add3A_1982 = arith.addi %mul3A_1973, %mul3A_1981 : vector<16xi32>
        %add3A_1983 = arith.constant 22400 : i32
        %add3A_1984 = arith.addi %add3A_1983, %add3A_1928 : i32
        %get3A_1985 = arith.index_cast %add3A_1984 : i32 to index
        %get3A_1986 = tpu.vector_load %arg10[%get3A_1985] {strides = array<i32>} : memref<28800xi32, #tpu.memory_space<vmem>>, vector<16xi32>,
        %get3A_1987 = vector.shape_cast %get3A_1986 : vector<16xi32> to vector<16xi32>
        %mul3A_1988 = arith.constant 2 : i32
        %mul3A_1989 = vector.broadcast %mul3A_1988 : i32 to vector<16xi32>
        %mul3A_1990 = arith.muli %get3A_1987, %mul3A_1989 : vector<16xi32>
        %add3A_1991 = arith.addi %add3A_1982, %mul3A_1990 : vector<16xi32>
        %add3A_1992 = arith.constant 25600 : i32
        %add3A_1993 = arith.addi %add3A_1992, %add3A_1928 : i32
        %get3A_1994 = arith.index_cast %add3A_1993 : i32 to index
        %get3A_1995 = tpu.vector_load %arg10[%get3A_1994] {strides = array<i32>} : memref<28800xi32, #tpu.memory_space<vmem>>, vector<16xi32>,
        %get3A_1996 = vector.shape_cast %get3A_1995 : vector<16xi32> to vector<16xi32>
        %add3A_1997 = arith.addi %add3A_1991, %get3A_1996 : vector<16xi32>
        %add3A_1998 = arith.constant 0 : i32
        %add3A_1999 = arith.addi %add3A_1998, %add3A_1928 : i32
        %swap3A_2000 = arith.index_cast %add3A_1999 : i32 to index
        %swap3A_2001 = tpu.vector_load %arg11[%swap3A_2000] {strides = array<i32>} : memref<9600xi32, #tpu.memory_space<vmem>>, vector<16xi32>,
        %swap3A_2002 = vector.shape_cast %swap3A_2001 : vector<16xi32> to vector<16xi32>
        %swap3A_2003 = vector.shape_cast %add3A_1942 : vector<16xi32> to vector<16xi32>
        tpu.vector_store %arg11[%swap3A_2000], %swap3A_2003 {strides = array<i32>} : memref<9600xi32, #tpu.memory_space<vmem>>, vector<16xi32>,
        %add3A_2004 = arith.constant 3200 : i32
        %add3A_2005 = arith.addi %add3A_2004, %add3A_1928 : i32
        %swap3A_2006 = arith.index_cast %add3A_2005 : i32 to index
        %swap3A_2007 = tpu.vector_load %arg11[%swap3A_2006] {strides = array<i32>} : memref<9600xi32, #tpu.memory_space<vmem>>, vector<16xi32>,
        %swap3A_2008 = vector.shape_cast %swap3A_2007 : vector<16xi32> to vector<16xi32>
        %swap3A_2009 = vector.shape_cast %add3A_1965 : vector<16xi32> to vector<16xi32>
        tpu.vector_store %arg11[%swap3A_2006], %swap3A_2009 {strides = array<i32>} : memref<9600xi32, #tpu.memory_space<vmem>>, vector<16xi32>,
        %add3A_2010 = arith.constant 6400 : i32
        %add3A_2011 = arith.addi %add3A_2010, %add3A_1928 : i32
        %swap3A_2012 = arith.index_cast %add3A_2011 : i32 to index
        %swap3A_2013 = tpu.vector_load %arg11[%swap3A_2012] {strides = array<i32>} : memref<9600xi32, #tpu.memory_space<vmem>>, vector<16xi32>,
        %swap3A_2014 = vector.shape_cast %swap3A_2013 : vector<16xi32> to vector<16xi32>
        %swap3A_2015 = vector.shape_cast %add3A_1997 : vector<16xi32> to vector<16xi32>
        tpu.vector_store %arg11[%swap3A_2012], %swap3A_2015 {strides = array<i32>} : memref<9600xi32, #tpu.memory_space<vmem>>, vector<16xi32>,
        %mul3A_2016 = arith.constant 128 : i32
        %mul3A_2017 = arith.muli %add3A_1378, %mul3A_2016 : i32
        %add3A_2018 = arith.constant 112 : i32
        %add3A_2019 = arith.addi %mul3A_2017, %add3A_2018 : i32
        %add3A_2020 = arith.constant 0 : i32
        %add3A_2021 = arith.addi %add3A_2020, %add3A_2019 : i32
        %get3A_2022 = arith.index_cast %add3A_2021 : i32 to index
        %get3A_2023 = tpu.vector_load %arg10[%get3A_2022] {strides = array<i32>} : memref<28800xi32, #tpu.memory_space<vmem>>, vector<16xi32>,
        %get3A_2024 = vector.shape_cast %get3A_2023 : vector<16xi32> to vector<16xi32>
        %mul3A_2025 = arith.constant 5 : i32
        %mul3A_2026 = vector.broadcast %mul3A_2025 : i32 to vector<16xi32>
        %mul3A_2027 = arith.muli %get3A_2024, %mul3A_2026 : vector<16xi32>
        %add3A_2028 = arith.constant 3200 : i32
        %add3A_2029 = arith.addi %add3A_2028, %add3A_2019 : i32
        %get3A_2030 = arith.index_cast %add3A_2029 : i32 to index
        %get3A_2031 = tpu.vector_load %arg10[%get3A_2030] {strides = array<i32>} : memref<28800xi32, #tpu.memory_space<vmem>>, vector<16xi32>,
        %get3A_2032 = vector.shape_cast %get3A_2031 : vector<16xi32> to vector<16xi32>
        %add3A_2033 = arith.addi %mul3A_2027, %get3A_2032 : vector<16xi32>
        %add3A_2034 = arith.constant 6400 : i32
        %add3A_2035 = arith.addi %add3A_2034, %add3A_2019 : i32
        %get3A_2036 = arith.index_cast %add3A_2035 : i32 to index
        %get3A_2037 = tpu.vector_load %arg10[%get3A_2036] {strides = array<i32>} : memref<28800xi32, #tpu.memory_space<vmem>>, vector<16xi32>,
        %get3A_2038 = vector.shape_cast %get3A_2037 : vector<16xi32> to vector<16xi32>
        %mul3A_2039 = arith.constant 120 : i32
        %mul3A_2040 = vector.broadcast %mul3A_2039 : i32 to vector<16xi32>
        %mul3A_2041 = arith.muli %get3A_2038, %mul3A_2040 : vector<16xi32>
        %add3A_2042 = arith.constant 9600 : i32
        %add3A_2043 = arith.addi %add3A_2042, %add3A_2019 : i32
        %get3A_2044 = arith.index_cast %add3A_2043 : i32 to index
        %get3A_2045 = tpu.vector_load %arg10[%get3A_2044] {strides = array<i32>} : memref<28800xi32, #tpu.memory_space<vmem>>, vector<16xi32>,
        %get3A_2046 = vector.shape_cast %get3A_2045 : vector<16xi32> to vector<16xi32>
        %mul3A_2047 = arith.constant 10 : i32
        %mul3A_2048 = vector.broadcast %mul3A_2047 : i32 to vector<16xi32>
        %mul3A_2049 = arith.muli %get3A_2046, %mul3A_2048 : vector<16xi32>
        %add3A_2050 = arith.addi %mul3A_2041, %mul3A_2049 : vector<16xi32>
        %add3A_2051 = arith.constant 12800 : i32
        %add3A_2052 = arith.addi %add3A_2051, %add3A_2019 : i32
        %get3A_2053 = arith.index_cast %add3A_2052 : i32 to index
        %get3A_2054 = tpu.vector_load %arg10[%get3A_2053] {strides = array<i32>} : memref<28800xi32, #tpu.memory_space<vmem>>, vector<16xi32>,
        %get3A_2055 = vector.shape_cast %get3A_2054 : vector<16xi32> to vector<16xi32>
        %add3A_2056 = arith.addi %add3A_2050, %get3A_2055 : vector<16xi32>
        %add3A_2057 = arith.constant 16000 : i32
        %add3A_2058 = arith.addi %add3A_2057, %add3A_2019 : i32
        %get3A_2059 = arith.index_cast %add3A_2058 : i32 to index
        %get3A_2060 = tpu.vector_load %arg10[%get3A_2059] {strides = array<i32>} : memref<28800xi32, #tpu.memory_space<vmem>>, vector<16xi32>,
        %get3A_2061 = vector.shape_cast %get3A_2060 : vector<16xi32> to vector<16xi32>
        %mul3A_2062 = arith.constant 24 : i32
        %mul3A_2063 = vector.broadcast %mul3A_2062 : i32 to vector<16xi32>
        %mul3A_2064 = arith.muli %get3A_2061, %mul3A_2063 : vector<16xi32>
        %add3A_2065 = arith.constant 19200 : i32
        %add3A_2066 = arith.addi %add3A_2065, %add3A_2019 : i32
        %get3A_2067 = arith.index_cast %add3A_2066 : i32 to index
        %get3A_2068 = tpu.vector_load %arg10[%get3A_2067] {strides = array<i32>} : memref<28800xi32, #tpu.memory_space<vmem>>, vector<16xi32>,
        %get3A_2069 = vector.shape_cast %get3A_2068 : vector<16xi32> to vector<16xi32>
        %mul3A_2070 = arith.constant 4 : i32
        %mul3A_2071 = vector.broadcast %mul3A_2070 : i32 to vector<16xi32>
        %mul3A_2072 = arith.muli %get3A_2069, %mul3A_2071 : vector<16xi32>
        %add3A_2073 = arith.addi %mul3A_2064, %mul3A_2072 : vector<16xi32>
        %add3A_2074 = arith.constant 22400 : i32
        %add3A_2075 = arith.addi %add3A_2074, %add3A_2019 : i32
        %get3A_2076 = arith.index_cast %add3A_2075 : i32 to index
        %get3A_2077 = tpu.vector_load %arg10[%get3A_2076] {strides = array<i32>} : memref<28800xi32, #tpu.memory_space<vmem>>, vector<16xi32>,
        %get3A_2078 = vector.shape_cast %get3A_2077 : vector<16xi32> to vector<16xi32>
        %mul3A_2079 = arith.constant 2 : i32
        %mul3A_2080 = vector.broadcast %mul3A_2079 : i32 to vector<16xi32>
        %mul3A_2081 = arith.muli %get3A_2078, %mul3A_2080 : vector<16xi32>
        %add3A_2082 = arith.addi %add3A_2073, %mul3A_2081 : vector<16xi32>
        %add3A_2083 = arith.constant 25600 : i32
        %add3A_2084 = arith.addi %add3A_2083, %add3A_2019 : i32
        %get3A_2085 = arith.index_cast %add3A_2084 : i32 to index
        %get3A_2086 = tpu.vector_load %arg10[%get3A_2085] {strides = array<i32>} : memref<28800xi32, #tpu.memory_space<vmem>>, vector<16xi32>,
        %get3A_2087 = vector.shape_cast %get3A_2086 : vector<16xi32> to vector<16xi32>
        %add3A_2088 = arith.addi %add3A_2082, %get3A_2087 : vector<16xi32>
        %add3A_2089 = arith.constant 0 : i32
        %add3A_2090 = arith.addi %add3A_2089, %add3A_2019 : i32
        %swap3A_2091 = arith.index_cast %add3A_2090 : i32 to index
        %swap3A_2092 = tpu.vector_load %arg11[%swap3A_2091] {strides = array<i32>} : memref<9600xi32, #tpu.memory_space<vmem>>, vector<16xi32>,
        %swap3A_2093 = vector.shape_cast %swap3A_2092 : vector<16xi32> to vector<16xi32>
        %swap3A_2094 = vector.shape_cast %add3A_2033 : vector<16xi32> to vector<16xi32>
        tpu.vector_store %arg11[%swap3A_2091], %swap3A_2094 {strides = array<i32>} : memref<9600xi32, #tpu.memory_space<vmem>>, vector<16xi32>,
        %add3A_2095 = arith.constant 3200 : i32
        %add3A_2096 = arith.addi %add3A_2095, %add3A_2019 : i32
        %swap3A_2097 = arith.index_cast %add3A_2096 : i32 to index
        %swap3A_2098 = tpu.vector_load %arg11[%swap3A_2097] {strides = array<i32>} : memref<9600xi32, #tpu.memory_space<vmem>>, vector<16xi32>,
        %swap3A_2099 = vector.shape_cast %swap3A_2098 : vector<16xi32> to vector<16xi32>
        %swap3A_2100 = vector.shape_cast %add3A_2056 : vector<16xi32> to vector<16xi32>
        tpu.vector_store %arg11[%swap3A_2097], %swap3A_2100 {strides = array<i32>} : memref<9600xi32, #tpu.memory_space<vmem>>, vector<16xi32>,
        %add3A_2101 = arith.constant 6400 : i32
        %add3A_2102 = arith.addi %add3A_2101, %add3A_2019 : i32
        %swap3A_2103 = arith.index_cast %add3A_2102 : i32 to index
        %swap3A_2104 = tpu.vector_load %arg11[%swap3A_2103] {strides = array<i32>} : memref<9600xi32, #tpu.memory_space<vmem>>, vector<16xi32>,
        %swap3A_2105 = vector.shape_cast %swap3A_2104 : vector<16xi32> to vector<16xi32>
        %swap3A_2106 = vector.shape_cast %add3A_2088 : vector<16xi32> to vector<16xi32>
        tpu.vector_store %arg11[%swap3A_2103], %swap3A_2106 {strides = array<i32>} : memref<9600xi32, #tpu.memory_space<vmem>>, vector<16xi32>,
      } else {
      }
      %dma_wait3A_1320 = arith.constant 0 : i32
      %dma_wait3A_1321 = arith.constant 0 : i32
      %dma_wait3A_1322 = tpu.memref_slice %arg12[%rem3A_1298, %dma_wait3A_1320, %dma_wait3A_1321] : memref<4x128x128xf32, #tpu.memory_space<vmem>> -> memref<1x128x128xf32, #tpu.memory_space<vmem>>
      %dma_wait3A_1323 = tpu.memref_squeeze %dma_wait3A_1322 : memref<1x128x128xf32, #tpu.memory_space<vmem>> -> memref<128x128xf32, #tpu.memory_space<vmem>>
      %dma_wait3A_1324 = arith.constant 0 : i32
      %dma_wait3A_1325 = arith.constant 0 : i32
      %dma_wait3A_1326 = tpu.memref_slice %arg7[%dma_wait3A_1324, %dma_wait3A_1325] : memref<640x128xf32, #tpu.memory_space<vmem_shared>> -> memref<128x128xf32, #tpu.memory_space<vmem_shared>>
      %dma_wait3A_1327 = arith.constant 0 : i32
      %dma_wait3A_1328 = arith.constant 0 : i32
      %dma_wait3A_1329 = tpu.memref_slice %arg12[%rem3A_1298, %dma_wait3A_1327, %dma_wait3A_1328] : memref<4x128x128xf32, #tpu.memory_space<vmem>> -> memref<1x128x128xf32, #tpu.memory_space<vmem>>
      %dma_wait3A_1330 = tpu.memref_squeeze %dma_wait3A_1329 : memref<1x128x128xf32, #tpu.memory_space<vmem>> -> memref<128x128xf32, #tpu.memory_space<vmem>>
      %dma_wait3A_1331 = arith.constant 0 : i32
      %dma_wait3A_1332 = arith.constant 0 : i32
      %dma_wait3A_1333 = tpu.memref_slice %arg7[%dma_wait3A_1331, %dma_wait3A_1332] : memref<640x128xf32, #tpu.memory_space<vmem_shared>> -> memref<128x128xf32, #tpu.memory_space<vmem_shared>>
      tpu.wait_dma2 semaphore(%arg15 : memref<!tpu.dma_semaphore, #tpu.memory_space<semaphore_mem>>) src(%dma_wait3A_1333 : memref<128x128xf32, #tpu.memory_space<vmem_shared>>) dst(%dma_wait3A_1330 : memref<128x128xf32, #tpu.memory_space<vmem>>)
      %dma_wait3A_1334 = arith.constant 0 : i32
      %dma_wait3A_1335 = arith.constant 0 : i32
      %dma_wait3A_1336 = tpu.memref_slice %arg12[%rem3A_1298, %dma_wait3A_1334, %dma_wait3A_1335] : memref<4x128x128xf32, #tpu.memory_space<vmem>> -> memref<1x128x128xf32, #tpu.memory_space<vmem>>
      %dma_wait3A_1337 = tpu.memref_squeeze %dma_wait3A_1336 : memref<1x128x128xf32, #tpu.memory_space<vmem>> -> memref<128x128xf32, #tpu.memory_space<vmem>>
      %dma_wait3A_1338 = arith.constant 0 : i32
      %dma_wait3A_1339 = arith.constant 0 : i32
      %dma_wait3A_1340 = tpu.memref_slice %arg8[%dma_wait3A_1338, %dma_wait3A_1339] : memref<1440x128xf32, #tpu.memory_space<vmem_shared>> -> memref<128x128xf32, #tpu.memory_space<vmem_shared>>
      %dma_wait3A_1341 = arith.constant 0 : i32
      %dma_wait3A_1342 = arith.constant 0 : i32
      %dma_wait3A_1343 = tpu.memref_slice %arg12[%rem3A_1298, %dma_wait3A_1341, %dma_wait3A_1342] : memref<4x128x128xf32, #tpu.memory_space<vmem>> -> memref<1x128x128xf32, #tpu.memory_space<vmem>>
      %dma_wait3A_1344 = tpu.memref_squeeze %dma_wait3A_1343 : memref<1x128x128xf32, #tpu.memory_space<vmem>> -> memref<128x128xf32, #tpu.memory_space<vmem>>
      %dma_wait3A_1345 = arith.constant 0 : i32
      %dma_wait3A_1346 = arith.constant 0 : i32
      %dma_wait3A_1347 = tpu.memref_slice %arg8[%dma_wait3A_1345, %dma_wait3A_1346] : memref<1440x128xf32, #tpu.memory_space<vmem_shared>> -> memref<128x128xf32, #tpu.memory_space<vmem_shared>>
      tpu.wait_dma2 semaphore(%arg15 : memref<!tpu.dma_semaphore, #tpu.memory_space<semaphore_mem>>) src(%dma_wait3A_1347 : memref<128x128xf32, #tpu.memory_space<vmem_shared>>) dst(%dma_wait3A_1344 : memref<128x128xf32, #tpu.memory_space<vmem>>)
      %dma_wait3A_1348 = arith.constant 0 : i32
      %dma_wait3A_1349 = arith.constant 0 : i32
      %dma_wait3A_1350 = tpu.memref_slice %arg12[%rem3A_1298, %dma_wait3A_1348, %dma_wait3A_1349] : memref<4x128x128xf32, #tpu.memory_space<vmem>> -> memref<1x128x128xf32, #tpu.memory_space<vmem>>
      %dma_wait3A_1351 = tpu.memref_squeeze %dma_wait3A_1350 : memref<1x128x128xf32, #tpu.memory_space<vmem>> -> memref<128x128xf32, #tpu.memory_space<vmem>>
      %dma_wait3A_1352 = arith.constant 0 : i32
      %dma_wait3A_1353 = arith.constant 0 : i32
      %dma_wait3A_1354 = tpu.memref_slice %arg9[%dma_wait3A_1352, %dma_wait3A_1353] : memref<144x128xf32, #tpu.memory_space<vmem_shared>> -> memref<128x128xf32, #tpu.memory_space<vmem_shared>>
      %dma_wait3A_1355 = arith.constant 0 : i32
      %dma_wait3A_1356 = arith.constant 0 : i32
      %dma_wait3A_1357 = tpu.memref_slice %arg12[%rem3A_1298, %dma_wait3A_1355, %dma_wait3A_1356] : memref<4x128x128xf32, #tpu.memory_space<vmem>> -> memref<1x128x128xf32, #tpu.memory_space<vmem>>
      %dma_wait3A_1358 = tpu.memref_squeeze %dma_wait3A_1357 : memref<1x128x128xf32, #tpu.memory_space<vmem>> -> memref<128x128xf32, #tpu.memory_space<vmem>>
      %dma_wait3A_1359 = arith.constant 0 : i32
      %dma_wait3A_1360 = arith.constant 0 : i32
      %dma_wait3A_1361 = tpu.memref_slice %arg9[%dma_wait3A_1359, %dma_wait3A_1360] : memref<144x128xf32, #tpu.memory_space<vmem_shared>> -> memref<128x128xf32, #tpu.memory_space<vmem_shared>>
      tpu.wait_dma2 semaphore(%arg15 : memref<!tpu.dma_semaphore, #tpu.memory_space<semaphore_mem>>) src(%dma_wait3A_1361 : memref<128x128xf32, #tpu.memory_space<vmem_shared>>) dst(%dma_wait3A_1358 : memref<128x128xf32, #tpu.memory_space<vmem>>)
      %dma_start3A_1362 = arith.constant 0 : i32
      %dma_start3A_1363 = arith.constant 0 : i32
      %dma_start3A_1364 = tpu.memref_slice %arg12[%rem3A_1298, %dma_start3A_1362, %dma_start3A_1363] : memref<4x128x128xf32, #tpu.memory_space<vmem>> -> memref<1x128x128xf32, #tpu.memory_space<vmem>>
      %dma_start3A_1365 = tpu.memref_squeeze %dma_start3A_1364 : memref<1x128x128xf32, #tpu.memory_space<vmem>> -> memref<128x128xf32, #tpu.memory_space<vmem>>
      %dma_start3A_1366 = arith.constant 0 : i32
      %dma_start3A_1367 = tpu.memref_slice %arg6[%add3A_1305, %dma_start3A_1366] : memref<100000x128xf32, #tpu.memory_space<hbm>> -> memref<128x128xf32, #tpu.memory_space<hbm>>
      %dma_start3A_1368 = tpu.memref_slice %arg16[%rem3A_1298] : memref<4x!tpu.dma_semaphore, #tpu.memory_space<semaphore_mem>> -> memref<1x!tpu.dma_semaphore, #tpu.memory_space<semaphore_mem>>
      %dma_start3A_1369 = tpu.memref_squeeze %dma_start3A_1368 : memref<1x!tpu.dma_semaphore, #tpu.memory_space<semaphore_mem>> -> memref<!tpu.dma_semaphore, #tpu.memory_space<semaphore_mem>>
      %dma_start3A_1370 = arith.constant 0 : i32
      %dma_start3A_1371 = tpu.memref_slice %arg6[%add3A_1305, %dma_start3A_1370] : memref<100000x128xf32, #tpu.memory_space<hbm>> -> memref<128x128xf32, #tpu.memory_space<hbm>>
      %dma_start3A_1372 = arith.constant 0 : i32
      %dma_start3A_1373 = arith.constant 0 : i32
      %dma_start3A_1374 = tpu.memref_slice %arg12[%rem3A_1298, %dma_start3A_1372, %dma_start3A_1373] : memref<4x128x128xf32, #tpu.memory_space<vmem>> -> memref<1x128x128xf32, #tpu.memory_space<vmem>>
      %dma_start3A_1375 = tpu.memref_squeeze %dma_start3A_1374 : memref<1x128x128xf32, #tpu.memory_space<vmem>> -> memref<128x128xf32, #tpu.memory_space<vmem>>
      tpu.enqueue_dma source(%dma_start3A_1375 : memref<128x128xf32, #tpu.memory_space<vmem>>) target(%dma_start3A_1371 : memref<128x128xf32, #tpu.memory_space<hbm>>) target_semaphore(%dma_start3A_1369 : memref<!tpu.dma_semaphore, #tpu.memory_space<semaphore_mem>>)
      %scan3A_1376 = arith.constant 0 : i32
      scf.yield %scan3A_1376 : i32
    }
    %scan3A_1223 = arith.constant 25 : i32
    %dma_wait3A_1224 = arith.constant 0 : i32
    %dma_wait3A_1225 = arith.constant 0 : i32
    %dma_wait3A_1226 = arith.constant 0 : i32
    %dma_wait3A_1227 = arith.constant 0 : i32
    %dma_wait3A_1228 = tpu.memref_slice %arg12[%dma_wait3A_1224, %dma_wait3A_1226, %dma_wait3A_1227] : memref<4x128x128xf32, #tpu.memory_space<vmem>> -> memref<1x128x128xf32, #tpu.memory_space<vmem>>
    %dma_wait3A_1229 = tpu.memref_squeeze %dma_wait3A_1228 : memref<1x128x128xf32, #tpu.memory_space<vmem>> -> memref<128x128xf32, #tpu.memory_space<vmem>>
    %dma_wait3A_1230 = arith.constant 0 : i32
    %dma_wait3A_1231 = arith.constant 0 : i32
    %dma_wait3A_1232 = tpu.memref_slice %arg6[%dma_wait3A_1230, %dma_wait3A_1231] : memref<100000x128xf32, #tpu.memory_space<hbm>> -> memref<128x128xf32, #tpu.memory_space<hbm>>
    %dma_wait3A_1233 = tpu.memref_slice %arg16[%dma_wait3A_1225] : memref<4x!tpu.dma_semaphore, #tpu.memory_space<semaphore_mem>> -> memref<1x!tpu.dma_semaphore, #tpu.memory_space<semaphore_mem>>
    %dma_wait3A_1234 = tpu.memref_squeeze %dma_wait3A_1233 : memref<1x!tpu.dma_semaphore, #tpu.memory_space<semaphore_mem>> -> memref<!tpu.dma_semaphore, #tpu.memory_space<semaphore_mem>>
    %dma_wait3A_1235 = arith.constant 0 : i32
    %dma_wait3A_1236 = arith.constant 0 : i32
    %dma_wait3A_1237 = tpu.memref_slice %arg6[%dma_wait3A_1235, %dma_wait3A_1236] : memref<100000x128xf32, #tpu.memory_space<hbm>> -> memref<128x128xf32, #tpu.memory_space<hbm>>
    %dma_wait3A_1238 = arith.constant 0 : i32
    %dma_wait3A_1239 = arith.constant 0 : i32
    %dma_wait3A_1240 = tpu.memref_slice %arg12[%dma_wait3A_1224, %dma_wait3A_1238, %dma_wait3A_1239] : memref<4x128x128xf32, #tpu.memory_space<vmem>> -> memref<1x128x128xf32, #tpu.memory_space<vmem>>
    %dma_wait3A_1241 = tpu.memref_squeeze %dma_wait3A_1240 : memref<1x128x128xf32, #tpu.memory_space<vmem>> -> memref<128x128xf32, #tpu.memory_space<vmem>>
    tpu.wait_dma2 semaphore(%dma_wait3A_1234 : memref<!tpu.dma_semaphore, #tpu.memory_space<semaphore_mem>>) src(%dma_wait3A_1241 : memref<128x128xf32, #tpu.memory_space<vmem>>) dst(%dma_wait3A_1237 : memref<128x128xf32, #tpu.memory_space<hbm>>)
    %dma_wait3A_1242 = arith.constant 1 : i32
    %dma_wait3A_1243 = arith.constant 1 : i32
    %dma_wait3A_1244 = arith.constant 0 : i32
    %dma_wait3A_1245 = arith.constant 0 : i32
    %dma_wait3A_1246 = tpu.memref_slice %arg12[%dma_wait3A_1242, %dma_wait3A_1244, %dma_wait3A_1245] : memref<4x128x128xf32, #tpu.memory_space<vmem>> -> memref<1x128x128xf32, #tpu.memory_space<vmem>>
    %dma_wait3A_1247 = tpu.memref_squeeze %dma_wait3A_1246 : memref<1x128x128xf32, #tpu.memory_space<vmem>> -> memref<128x128xf32, #tpu.memory_space<vmem>>
    %dma_wait3A_1248 = arith.constant 0 : i32
    %dma_wait3A_1249 = arith.constant 0 : i32
    %dma_wait3A_1250 = tpu.memref_slice %arg6[%dma_wait3A_1248, %dma_wait3A_1249] : memref<100000x128xf32, #tpu.memory_space<hbm>> -> memref<128x128xf32, #tpu.memory_space<hbm>>
    %dma_wait3A_1251 = tpu.memref_slice %arg16[%dma_wait3A_1243] : memref<4x!tpu.dma_semaphore, #tpu.memory_space<semaphore_mem>> -> memref<1x!tpu.dma_semaphore, #tpu.memory_space<semaphore_mem>>
    %dma_wait3A_1252 = tpu.memref_squeeze %dma_wait3A_1251 : memref<1x!tpu.dma_semaphore, #tpu.memory_space<semaphore_mem>> -> memref<!tpu.dma_semaphore, #tpu.memory_space<semaphore_mem>>
    %dma_wait3A_1253 = arith.constant 0 : i32
    %dma_wait3A_1254 = arith.constant 0 : i32
    %dma_wait3A_1255 = tpu.memref_slice %arg6[%dma_wait3A_1253, %dma_wait3A_1254] : memref<100000x128xf32, #tpu.memory_space<hbm>> -> memref<128x128xf32, #tpu.memory_space<hbm>>
    %dma_wait3A_1256 = arith.constant 0 : i32
    %dma_wait3A_1257 = arith.constant 0 : i32
    %dma_wait3A_1258 = tpu.memref_slice %arg12[%dma_wait3A_1242, %dma_wait3A_1256, %dma_wait3A_1257] : memref<4x128x128xf32, #tpu.memory_space<vmem>> -> memref<1x128x128xf32, #tpu.memory_space<vmem>>
    %dma_wait3A_1259 = tpu.memref_squeeze %dma_wait3A_1258 : memref<1x128x128xf32, #tpu.memory_space<vmem>> -> memref<128x128xf32, #tpu.memory_space<vmem>>
    tpu.wait_dma2 semaphore(%dma_wait3A_1252 : memref<!tpu.dma_semaphore, #tpu.memory_space<semaphore_mem>>) src(%dma_wait3A_1259 : memref<128x128xf32, #tpu.memory_space<vmem>>) dst(%dma_wait3A_1255 : memref<128x128xf32, #tpu.memory_space<hbm>>)
    %dma_wait3A_1260 = arith.constant 2 : i32
    %dma_wait3A_1261 = arith.constant 2 : i32
    %dma_wait3A_1262 = arith.constant 0 : i32
    %dma_wait3A_1263 = arith.constant 0 : i32
    %dma_wait3A_1264 = tpu.memref_slice %arg12[%dma_wait3A_1260, %dma_wait3A_1262, %dma_wait3A_1263] : memref<4x128x128xf32, #tpu.memory_space<vmem>> -> memref<1x128x128xf32, #tpu.memory_space<vmem>>
    %dma_wait3A_1265 = tpu.memref_squeeze %dma_wait3A_1264 : memref<1x128x128xf32, #tpu.memory_space<vmem>> -> memref<128x128xf32, #tpu.memory_space<vmem>>
    %dma_wait3A_1266 = arith.constant 0 : i32
    %dma_wait3A_1267 = arith.constant 0 : i32
    %dma_wait3A_1268 = tpu.memref_slice %arg6[%dma_wait3A_1266, %dma_wait3A_1267] : memref<100000x128xf32, #tpu.memory_space<hbm>> -> memref<128x128xf32, #tpu.memory_space<hbm>>
    %dma_wait3A_1269 = tpu.memref_slice %arg16[%dma_wait3A_1261] : memref<4x!tpu.dma_semaphore, #tpu.memory_space<semaphore_mem>> -> memref<1x!tpu.dma_semaphore, #tpu.memory_space<semaphore_mem>>
    %dma_wait3A_1270 = tpu.memref_squeeze %dma_wait3A_1269 : memref<1x!tpu.dma_semaphore, #tpu.memory_space<semaphore_mem>> -> memref<!tpu.dma_semaphore, #tpu.memory_space<semaphore_mem>>
    %dma_wait3A_1271 = arith.constant 0 : i32
    %dma_wait3A_1272 = arith.constant 0 : i32
    %dma_wait3A_1273 = tpu.memref_slice %arg6[%dma_wait3A_1271, %dma_wait3A_1272] : memref<100000x128xf32, #tpu.memory_space<hbm>> -> memref<128x128xf32, #tpu.memory_space<hbm>>
    %dma_wait3A_1274 = arith.constant 0 : i32
    %dma_wait3A_1275 = arith.constant 0 : i32
    %dma_wait3A_1276 = tpu.memref_slice %arg12[%dma_wait3A_1260, %dma_wait3A_1274, %dma_wait3A_1275] : memref<4x128x128xf32, #tpu.memory_space<vmem>> -> memref<1x128x128xf32, #tpu.memory_space<vmem>>
    %dma_wait3A_1277 = tpu.memref_squeeze %dma_wait3A_1276 : memref<1x128x128xf32, #tpu.memory_space<vmem>> -> memref<128x128xf32, #tpu.memory_space<vmem>>
    tpu.wait_dma2 semaphore(%dma_wait3A_1270 : memref<!tpu.dma_semaphore, #tpu.memory_space<semaphore_mem>>) src(%dma_wait3A_1277 : memref<128x128xf32, #tpu.memory_space<vmem>>) dst(%dma_wait3A_1273 : memref<128x128xf32, #tpu.memory_space<hbm>>)
    %dma_wait3A_1278 = arith.constant 3 : i32
    %dma_wait3A_1279 = arith.constant 3 : i32
    %dma_wait3A_1280 = arith.constant 0 : i32
    %dma_wait3A_1281 = arith.constant 0 : i32
    %dma_wait3A_1282 = tpu.memref_slice %arg12[%dma_wait3A_1278, %dma_wait3A_1280, %dma_wait3A_1281] : memref<4x128x128xf32, #tpu.memory_space<vmem>> -> memref<1x128x128xf32, #tpu.memory_space<vmem>>
    %dma_wait3A_1283 = tpu.memref_squeeze %dma_wait3A_1282 : memref<1x128x128xf32, #tpu.memory_space<vmem>> -> memref<128x128xf32, #tpu.memory_space<vmem>>
    %dma_wait3A_1284 = arith.constant 0 : i32
    %dma_wait3A_1285 = arith.constant 0 : i32
    %dma_wait3A_1286 = tpu.memref_slice %arg6[%dma_wait3A_1284, %dma_wait3A_1285] : memref<100000x128xf32, #tpu.memory_space<hbm>> -> memref<128x128xf32, #tpu.memory_space<hbm>>
    %dma_wait3A_1287 = tpu.memref_slice %arg16[%dma_wait3A_1279] : memref<4x!tpu.dma_semaphore, #tpu.memory_space<semaphore_mem>> -> memref<1x!tpu.dma_semaphore, #tpu.memory_space<semaphore_mem>>
    %dma_wait3A_1288 = tpu.memref_squeeze %dma_wait3A_1287 : memref<1x!tpu.dma_semaphore, #tpu.memory_space<semaphore_mem>> -> memref<!tpu.dma_semaphore, #tpu.memory_space<semaphore_mem>>
    %dma_wait3A_1289 = arith.constant 0 : i32
    %dma_wait3A_1290 = arith.constant 0 : i32
    %dma_wait3A_1291 = tpu.memref_slice %arg6[%dma_wait3A_1289, %dma_wait3A_1290] : memref<100000x128xf32, #tpu.memory_space<hbm>> -> memref<128x128xf32, #tpu.memory_space<hbm>>
    %dma_wait3A_1292 = arith.constant 0 : i32
    %dma_wait3A_1293 = arith.constant 0 : i32
    %dma_wait3A_1294 = tpu.memref_slice %arg12[%dma_wait3A_1278, %dma_wait3A_1292, %dma_wait3A_1293] : memref<4x128x128xf32, #tpu.memory_space<vmem>> -> memref<1x128x128xf32, #tpu.memory_space<vmem>>
    %dma_wait3A_1295 = tpu.memref_squeeze %dma_wait3A_1294 : memref<1x128x128xf32, #tpu.memory_space<vmem>> -> memref<128x128xf32, #tpu.memory_space<vmem>>
    tpu.wait_dma2 semaphore(%dma_wait3A_1288 : memref<!tpu.dma_semaphore, #tpu.memory_space<semaphore_mem>>) src(%dma_wait3A_1295 : memref<128x128xf32, #tpu.memory_space<vmem>>) dst(%dma_wait3A_1291 : memref<128x128xf32, #tpu.memory_space<hbm>>)
    return
  }
}

</mosaic_0001>

<sc_bundles>
// kernel: kernel.3.cloned.1.call-start
scs
__scs_entry_jumppad:
0x0: {  	(pc) =	sbr.rel $0x88, $3  }
0x1: {  	(tag) =	ssettag $0x0;
	lr =	simm.s32 $0x1  }
0x2: {  	[smem:$0x3F97] =	sst lr;
	_ =	strace $0xD0000000  }
0x3: {  	_ = 	snop  }
0x4: {  	_ = 	snop  }
0x5: {  	_ = 	snop  }
0x6: {  	_ = 	snop  }
0x7: {  	_ = 	snop  }
__scs_overlays_trampoline_lowered:
0x8: {  	[smem:$0x3FA6] =	sst s0  }
0x9: {  	[smem:$0x3FA7] =	sst s1  }
0xa: {  	[smem:$0x3FA8] =	sst s2  }
0xb: {  	[smem:$0x3FA9] =	sst s3  }
0xc: {  	[smem:$0x3FAA] =	sst s4  }
0xd: {  	[smem:$0x3FAB] =	sst s5  }
0xe: {  	[smem:$0x3FAC] =	sst s6  }
0xf: {  	[smem:$0x3FAD] =	sst s7  }
0x10: {  	[smem:$0x3FAE] =	sst s8  }
0x11: {  	[smem:$0x3FAF] =	sst s9;
	s0 =	simm.s32 @!p0 $0x0  }
0x12: {  	s1 =	sld [smem:$0x3F95];
	s0 =	simm.s32 @p0 $0x1  }
0x13: {  	[smem:$0x3FB0] =	sst s0;
	s0 =	simm.s32 @!p1 $0x0  }
0x14: {  	s2 =	sld [smem:$0x3F94];
	s0 =	simm.s32 @p1 $0x1  }
0x15: {  	[smem:$0x3FB1] =	sst s0;
	s0 =	simm.s32 @!p2 $0x0  }
0x16: {  	s3 =	sld [smem:$0x3FDB];
	s0 =	simm.s32 @p2 $0x1  }
0x17: {  	s4 =	simm.s32 $0x1BF5;
	[smem:$0x3FB3] =	sst s0  }
0x18: {  	s0 =	sld [smem:$0x3F96];
	_ =	swait.ge [sflag:s4], $0x0  }
0x19: {  	s7 =	sld [smem:$0x3F97]  }
0x1a: {  	s8 =	sadd.s32 $0xFFFFE003, lr  }
0x1b: {  	s9 =	sadd.s32 $0xFFFFFEF7, lr;
	s5 =	simm.s32 $0xFFFFFFFF;
	p2 =	slt.u32 s8, $0xFFFFF086  }
0x1c: {  	p1 =	slt.u32 s9, $0xF7A;
	s5 =	simm.s32 @!p2 $0x0  }
0x1d: {  	s5 =	simm.s32 @p1 $0x1;
	p0 =	seq.s32 s7, s2  }
0x1e: {  	s7 =	smul.u32 @!p0 $0xF7A, s2;
	p2 =	seq.s32 @!p0 s5, $0x0  }
0x1f: {  	s9 =	smul.u32 $0xF7A, s1;
	s8 =	simm.s32 @!p0 $0x1BF5;
	p2 =	por !p2, p0  }
0x20: {  	[sflag:s8] =	ssyncset.s32 @!p0 $0xFFFFF086;
	s6 =	sadd.s32 @!p0 s3, s7;
	s7 =	simm.s32 @!p0 $0x108  }
0x21: {  	s3 =	sadd.s32 s3, s9;
	s6 =	sadd.s32 @!p0 $0x88, s6;
	s7 =	simm.s32 @p2 $0x1082  }
0x22: {  	[simem:s7], [sflag:s8] =	dma.local @!p0 [hbm:s6], $0xF7A  }
0x23: {  	s9 =	sor.u32 $0xD0000000, s2;
	s6 =	simm.s32 $0x108;
	_ =	swait.ge @!p0 [sflag:s8], $0x0  }
0x24: {  	s3 =	sadd.s32 $0x88, s3;
	s6 =	simm.s32 @!p1 $0x1082;
	[sflag:s4] =	ssyncset.s32 $0xFFFFF086  }
0x25: {  	[simem:s6], [sflag:s4] =	dma.local [hbm:s3], $0xF7A  }
0x26: {  	[smem:$0x3F97] =	sst s1;
	(tag) =	ssettag s2;
	_ =	strace s9  }
0x27: {  	s1 =	sld [smem:$0x3FA7]  }
0x28: {  	s2 =	sld [smem:$0x3FA8]  }
0x29: {  	s4 =	sld [smem:$0x3FAA]  }
0x2a: {  	p0 =	seq.s32 s5, $0x0;
	s5 =	sld [smem:$0x3FAB]  }
0x2b: {  	s6 =	sld [smem:$0x3FAC]  }
0x2c: {  	s7 =	sld [smem:$0x3FAD]  }
0x2d: {  	s3 =	simm.s32 $0x108;
	s8 =	sld [smem:$0x3FAE]  }
0x2e: {  	s3 =	simm.s32 @!p0 $0x1082;
	s9 =	sld [smem:$0x3FAF]  }
0x2f: {  	lr =	sadd.s32 s0, s3;
	s0 =	sld [smem:$0x3FA6]  }
0x30: {  	s3 =	sld [smem:$0x3FA9]  }
0x31: {  	[smem:$0x3FB2] =	sst s10  }
0x32: {  	s10 =	sld [smem:$0x3FB0];
	_ =	sdelay $0x3  }
0x33: {  	p0 =	seq.s32 s10, $0x1;
	s10 =	sld [smem:$0x3FB2];
	_ =	sdelay $0x3  }
0x34: {  	[smem:$0x3FB2] =	sst s10  }
0x35: {  	s10 =	sld [smem:$0x3FB1];
	_ =	sdelay $0x3  }
0x36: {  	p1 =	seq.s32 s10, $0x1;
	s10 =	sld [smem:$0x3FB2];
	_ =	sdelay $0x3  }
0x37: {  	[smem:$0x3FB2] =	sst s10  }
0x38: {  	s10 =	sld [smem:$0x3FB3]  }
0x39: {  	_ = 	snop;
	(pc) =	sbr.ind lr, $3  }
0x3a: {  	_ = 	snop  }
0x3b: {  	_ = 	snop  }
0x3c: {  	p2 =	seq.s32 s10, $0x1;
	s10 =	sld [smem:$0x3FB2]  }
0x3d: {  	_ =	shalt  }
0x3e: {  	_ =	shalt  }
0x3f: {  	_ =	shalt  }
0x40: {  	_ =	shalt  }
0x41: {  	_ =	shalt  }
0x42: {  	_ =	shalt  }
0x43: {  	_ =	shalt  }
0x44: {  	_ =	shalt  }
0x45: {  	_ =	shalt  }
0x46: {  	_ =	shalt  }
0x47: {  	_ =	shalt  }
0x48: {  	_ =	shalt  }
0x49: {  	_ =	shalt  }
0x4a: {  	_ =	shalt  }
0x4b: {  	_ =	shalt  }
0x4c: {  	_ =	shalt  }
0x4d: {  	_ =	shalt  }
0x4e: {  	_ =	shalt  }
0x4f: {  	_ =	shalt  }
0x50: {  	_ =	shalt  }
0x51: {  	_ =	shalt  }
0x52: {  	_ =	shalt  }
0x53: {  	_ =	shalt  }
0x54: {  	_ =	shalt  }
0x55: {  	_ =	shalt  }
0x56: {  	_ =	shalt  }
0x57: {  	_ =	shalt  }
0x58: {  	_ =	shalt  }
0x59: {  	_ =	shalt  }
0x5a: {  	_ =	shalt  }
0x5b: {  	_ =	shalt  }
0x5c: {  	_ =	shalt  }
0x5d: {  	_ =	shalt  }
0x5e: {  	_ =	shalt  }
0x5f: {  	_ =	shalt  }
0x60: {  	_ =	shalt  }
0x61: {  	_ =	shalt  }
0x62: {  	_ =	shalt  }
0x63: {  	_ =	shalt  }
0x64: {  	_ =	shalt  }
0x65: {  	_ =	shalt  }
0x66: {  	_ =	shalt  }
0x67: {  	_ =	shalt  }
0x68: {  	_ =	shalt  }
0x69: {  	_ =	shalt  }
0x6a: {  	_ =	shalt  }
0x6b: {  	_ =	shalt  }
0x6c: {  	_ =	shalt  }
0x6d: {  	_ =	shalt  }
0x6e: {  	_ =	shalt  }
0x6f: {  	_ =	shalt  }
0x70: {  	_ =	shalt  }
0x71: {  	_ =	shalt  }
0x72: {  	_ =	shalt  }
0x73: {  	_ =	shalt  }
0x74: {  	_ =	shalt  }
0x75: {  	_ =	shalt  }
0x76: {  	_ =	shalt  }
0x77: {  	_ =	shalt  }
0x78: {  	_ =	shalt  }
0x79: {  	_ =	shalt  }
0x7a: {  	_ =	shalt  }
0x7b: {  	_ =	shalt  }
0x7c: {  	_ =	shalt  }
0x7d: {  	_ =	shalt  }
0x7e: {  	_ =	shalt  }
0x7f: {  	_ =	shalt  }
0x80: {  	_ =	shalt  }
0x81: {  	_ =	shalt  }
0x82: {  	_ =	shalt  }
0x83: {  	_ =	shalt  }
0x84: {  	_ =	shalt  }
0x85: {  	_ =	shalt  }
0x86: {  	_ =	shalt  }
0x87: {  	_ =	shalt  }
.Lfunc_end0:
.L_simem_size_0:
called_computation_lowered:
.L_overlay_start_0:
0x88: {  	s2 =	sld [smem:$0x3FD9]  }
0x89: {  	s3 =	sld [smem:$0x3FFE];
	_ =	sdelay $0x1  }
0x8a: {  	s1 =	srdreg.scid  }
0x8b: {  	s0 =	sand.u32 $0x1, s1  }
0x8c: {  	s17 =	sshll.u32 s0, $0xA;
	s2 =	sadd.s32 s3, s2  }
0x8d: {  	s2 =	sadd.s32 s2, s17  }
0x8e: {  	[smem:$0x3FBE] =	sst s2  }
0x8f: {  	_ = 	snop  }
0x90: {  	s2 =	sld [smem:$0x3FD0];
	(tm) =	ssettm $0x1  }
0x91: {  	s18 =	sld [smem:$0x3FFB];
	_ =	sdelay $0x3  }
0x92: {  	_ =	strace s18  }
0x93: {  	s3 =	sld [smem:$0x3FFC];
	_ =	sdelay $0x3  }
0x94: {  	_ =	strace s3  }
0x95: {  	s3 =	sld [smem:$0x3FFD];
	_ =	sdelay $0x3  }
0x96: {  	_ =	strace s3  }
0x97: {  	_ =	strace $0x8FFFFFFF  }
0x98: {  	s19 =	sld [smem:$0x3FDB];
	_ =	sdelay $0x1  }
0x99: {  	s4 =	simm.s32 $_scs_section_size  }
0x9a: {  	s5 =	simm.s32 $_size__tile_overlayer_lowered;
	s6 =	simm.s32 $_tile_overlayer_lowered  }
0x9b: {  	s22 =	simm.s32 $0x1BFF;
	s21 =	sshll.u32 s6, $0x1;
	s3 =	sadd.s32 s4, s19  }
0x9c: {  	s7 =	simm.s32 $0x0;
	s20 =	sshll.u32 s5, $0x1;
	s5 =	sadd.s32 s21, s3  }
0x9d: {  	[timem:s7], [sflag:s22] =	dma.local [hbm:s5], s20  }
0x9e: {  	_ =	swait.ge [sflag:s22], s20  }
0x9f: {  	s4 =	ssub.s32 $0x0, s20;
	[sflag:s22] =	ssyncset.done $0x0  }
0xa0: {  	[sflag:s22] =	ssyncadd.s32 s4;
	_ =	sdelay $0x1  }
0xa1: {  	s23 =	simm.s32 $0x1B8B  }
0xa2: {  	_ =	swait.ge [sflag:s23], $0x1  }
0xa3: {  	[sflag:s23] =	ssyncset.done $0x0  }
0xa4: {  	s25 =	simm.s32 $0x1B8E;
	s24 =	sld [smem:$0x3FFE];
	[sflag:s23] =	ssyncadd.s32 $0xFFFFFFFF  }
0xa5: {  	s26 =	simm.s32 $execute0_lowered;
	[smem:$0x3FD2] =	sst s25  }
0xa6: {  	s5 =	sshll.u32 s26, $0x1;
	_ =	strace $0x80000046;
	[dreg:$0x1] =	wrdreg $0xFFFFFFFF  }
0xa7: {  	s28 =	simm.s32 $_size_execute0_lowered;
	s3 =	sadd.s32 s3, s5;
	[dreg:$0x0] =	wrdreg $0x0  }
0xa8: {  	s5 =	sshll.u32 s28, $0x1;
	[dreg:$0x2] =	wrdreg s3  }
0xa9: {  	[dreg:$0x3] =	wrdreg s5  }
0xaa: {  	[dreg:$0x4] =	wrdreg $0xC0  }
0xab: {  	_ =	task [dreg:s7], $0x5FFFF  }
0xac: {  	[dreg:$0x1] =	wrdreg $0xFFFFFFFF  }
0xad: {  	[dreg:$0x0] =	wrdreg $0x60  }
0xae: {  	[dreg:$0x2] =	wrdreg s24  }
0xaf: {  	[dreg:$0x3] =	wrdreg s2  }
0xb0: {  	[dreg:$0x4] =	wrdreg $0x0  }
0xb1: {  	[dreg:$0x5] =	wrdreg $0x14000  }
0xb2: {  	[dreg:$0x6] =	wrdreg $0x41000  }
0xb3: {  	[dreg:$0x7] =	wrdreg $0x9  }
0xb4: {  	_ =	task.clear_ibuf [dreg:s7], $0x8FFFF;
	_ =	strace $0x90000046  }
0xb5: {  	s29 =	simm.s32 $0x9;
	_ =	strace $0x80000048  }
0xb6: {  	_ =	swait.ge [sflag:s29], $0x1  }
0xb7: {  	[sflag:s29] =	ssyncadd.s32 $0xFFFFFFFF  }
0xb8: {  	_ =	strace $0x90000048  }
0xb9: {  	_ =	sfence  }
0xba: {  	s30 =	sld [smem:$0x0];
	_ =	sdelay $0x2  }
0xbb: {  	s31 =	sshll.u32 s1, $0xD;
	s1 =	sshrl.u32 s1, $0x2  }
0xbc: {  	s3 =	sand.u32 $0x4000, s31;
	s1 =	sadd.s32 s1, s30  }
0xbd: {  	s0 =	sor.u32 s3, s0;
	s1 =	sshll.u32 s1, $0x11  }
0xbe: {  	s0 =	sor.u32 s1, s0  }
0xbf: {  	s0 =	sadd.s32 $0x8F2B, s0  }
0xc0: {  	[sflag:s0] =	ssyncadd.remote.s32 $0x1  }
0xc1: {  	_ =	sfence.sel $0xFFFF  }
0xc2: {  	[dreg:$0x0] =	wrdreg $0xFFFFFFFF;
	(pc) =	sbr.abs _section_cstart, $3  }
0xc3: {  	[dreg:$0x1] =	wrdreg $0xFFFFFFFF  }
0xc4: {  	_ =	task.clear_ibuf [dreg:s7], $0x2FFFF;
	_ =	strace $0x9FFFFFFF  }
0xc5: {  	(tm) =	ssettm $0x7FFFFFFF  }
tec
execute0_lowered:
.L_overlay_start_1:
0x0: {  	(tag) =	ssettag $0x1  }
0x1: {  	s2 =	rddreg [dreg:$0x0]  }
0x2: {  	s6 =	rddreg [dreg:$0x1];
	s3 =	srdreg.scid  }
0x3: {  	s0 =	stileid.u32;
	s1 =	rddreg [dreg:$0x2];
	s29 =	simm.s32 $0xDB80  }
0x4: {  	s28 =	simm.s32 $0x5;
	s30 =	simm.s32 $0x6;
	s31 =	simm.s32 $0x7  }
0x5: {  	s7 =	sand.u32 $0x1, s3;
	s4 =	sshll.u32 s0, $0x1;
	s9 =	smul.u32 $0x500, s0  }
0x6: {  	s3 =	rddreg [dreg:$0x3];
	s10 =	smul.u32 $0x600, s0;
	s13 =	sadd.s32 $0x22400, s2  }
0x7: {  	s24 =	smul.u32 $0x1900, s0;
	p2 =	sgt.u32 s0, $0x7;
	s5 =	sor.u32 s7, s4  }
0x8: {  	s4 =	rddreg [dreg:$0x4];
	s11 =	ssub.s32 $0x2, s7;
	s7 =	smul.u32 $0xC80, s7  }
0x9: {  	p4 =	seq.s32 @p2 s0, $0xF;
	s8 =	smul.u32 $0xC80, s5;
	s5 =	simm.s32 $0x0  }
0xa: {  	s9 =	sadd.s32 s9, s2;
	s10 =	sadd.s32 s10, s2;
	s12 =	sshrl.u32 s11, $0x1  }
0xb: {  	p1 =	por p4, !p2;
	p0 =	por !p4, !p2;
	s8 =	smin.u32 s8, $0x17A20  }
0xc: {  	[smem:$0x7FF] =	sst s5;
	s11 =	ssub.s32 s11, s12;
	s8 =	sshrl.u32 s8, $0x3  }
0xd: {  	s7 =	sadd.s32 s7, s24;
	p5 =	sne.s32 @!p1 s0, $0x8;
	s8 =	sadd.s32 s8, s2  }
0xe: {  	_ =	strace $0x80000047;
	[dreg:$0x6] =	wrdreg s13;
	s16 =	sadd.s32 $0x6C00, s8  }
0xf: {  	s7 =	smin.u32 s7, $0x17A20;
	s17 =	sadd.s32 $0x9CD4, s8;
	[dreg:$0x7] =	wrdreg s16  }
0x10: {  	p3 =	por @p2 p5, p4;
	s18 =	sadd.s32 $0xCDA8, s8;
	[dreg:$0x8] =	wrdreg s17  }
0x11: {  	p4 =	por @p2 !p5, p4;
	s19 =	sadd.s32 $0xFE7C, s8;
	[dreg:$0x9] =	wrdreg s18  }
0x12: {  	s7 =	sshll.u32 s7, $0x4;
	s20 =	sadd.s32 $0x12F50, s8;
	[dreg:$0xa] =	wrdreg s19  }
0x13: {  	s21 =	sadd.s32 $0x16024, s8;
	s22 =	sadd.s32 $0x190F8, s8;
	[dreg:$0xb] =	wrdreg s20  }
0x14: {  	s23 =	sadd.s32 $0x1C1CC, s8;
	s15 =	sadd.s32 $0x1F2A0, s8;
	[dreg:$0xc] =	wrdreg s21  }
0x15: {  	s8 =	sadd.s32 s7, s6;
	s17 =	smul.u32 $0xA000, s0;
	[dreg:$0xd] =	wrdreg s22  }
0x16: {  	s6 =	simm.s32 @!p1 $0x0;
	[dreg:$0xe] =	wrdreg s23;
	s18 =	smul.u32 $0xC000, s0  }
0x17: {  	s21 =	sadd.s32 $0x2000, s4;
	s16 =	sadd.s32 $0x22800, s2;
	s19 =	sadd.s32 $0x1200, s10  }
0x18: {  	s20 =	smax.u32 s11, $0x1;
	s6 =	simm.s32 @p1 $0x1;
	p1 =	por p3, !p2  }
0x19: {  	s23 =	simm.s32 $0x2;
	[smem:$0x7F9] =	sst s6;
	s6 =	simm.s32 @!p0 $0x0  }
0x1a: {  	s22 =	simm.s32 $0x4;
	s24 =	sshrl.u32 @!p0 s21, $0x3;
	s6 =	simm.s32 @p0 $0x1  }
0x1b: {  	s25 =	sshrl.u32 s17, $0x2;
	[smem:$0x7FA] =	sst s6;
	s6 =	simm.s32 @!p1 $0x0  }
0x1c: {  	s17 =	sadd.s32 $0x22E00, s9;
	s6 =	simm.s32 @p1 $0x1;
	p1 =	por !p4, !p2  }
.Ltmp0:
0x1d: {  	[smem:$0x7FB] =	sst s6;
	s6 =	simm.s32 @!p1 $0x0;
	(pc) =	sbr.rel .LBB2_1-.Ltmp0, $4  }
0x1e: {  	s26 =	sshrl.u32 s18, $0x2;
	s2 =	sadd.s32 s25, s1;
	s6 =	simm.s32 @p1 $0x1  }
0x1f: {  	s18 =	sadd.s32 s26, s3;
	[smem:$0x7FC] =	sst s6;
	s6 =	simm.s32 @!p2 $0x0  }
0x20: {  	s26 =	simm.s32 $0x80;
	s25 =	sshrl.u32 @!p2 s2, $0x3;
	s6 =	simm.s32 @p2 $0x1  }
0x21: {  	s2 =	simm.s32 $0x3;
	[smem:$0x7FD] =	sst s6;
	s6 =	simm.s32 $0x0  }
.LBB2_5:
0x22: {  	_ =	swait.ge [sflag:s22], $0x4000  }
0x23: {  	[sflag:s22] =	ssyncset.done $0x0  }
0x24: {  	[sflag:s22] =	ssyncadd.s32 $0xFFFFC000  }
0x25: {  	_ =	swait.ge [sflag:s28], $0x4000  }
0x26: {  	[sflag:s28] =	ssyncset.done $0x0  }
0x27: {  	s6 =	sadd.s32 $0x1, s6;
	[sflag:s28] =	ssyncadd.s32 $0xFFFFC000  }
0x28: {  	p3 =	sne.s32 s6, s20;
	_ =	swait.ge [sflag:s30], $0x4000  }
.Ltmp1:
0x29: {  	[sflag:s30] =	ssyncset.done $0x0;
	(pc) =	sbr.rel @!p3 .LBB2_6-.Ltmp1, $4  }
0x2a: {  	[sflag:s30] =	ssyncadd.s32 $0xFFFFC000  }
0x2b: {  	_ =	swait.ge [sflag:s31], $0x4000  }
0x2c: {  	[sflag:s31] =	ssyncset.done $0x0  }
0x2d: {  	[sflag:s31] =	ssyncadd.s32 $0xFFFFC000  }
.LBB2_1:
0x2e: {  	s7 =	rddreg [dreg:$0x7];
	s9 =	simm.s32 $0x4580  }
0x2f: {  	[tilespmem:s9], [sflag:$0x2] =	stream.linear.gather [hbm4b:s7+s5], $0xC80, $0x38;
	[tilespmem:$0x1DB80] =	vst v63  }
0x30: {  	s14 =	rddreg [dreg:$0x8];
	s21 =	simm.s32 $0x5200  }
0x31: {  	[tilespmem:s21], [sflag:$0x2] =	stream.linear.gather [hbm4b:s14+s5], $0xC80, $0x38;
	[tilespmem:$0x1DB80] =	vst v63  }
0x32: {  	s10 =	rddreg [dreg:$0x9];
	s11 =	simm.s32 $0x5E80  }
0x33: {  	[tilespmem:s11], [sflag:$0x2] =	stream.linear.gather [hbm4b:s10+s5], $0xC80, $0x38;
	[tilespmem:$0x1DB80] =	vst v63  }
0x34: {  	s12 =	rddreg [dreg:$0xa];
	s13 =	simm.s32 $0x6B00  }
0x35: {  	[tilespmem:s13], [sflag:$0x2] =	stream.linear.gather [hbm4b:s12+s5], $0xC80, $0x38;
	[tilespmem:$0x1DB80] =	vst v63  }
0x36: {  	s14 =	rddreg [dreg:$0xb];
	s21 =	simm.s32 $0x7780  }
0x37: {  	[tilespmem:s21], [sflag:$0x2] =	stream.linear.gather [hbm4b:s14+s5], $0xC80, $0x38;
	[tilespmem:$0x1DB80] =	vst v63  }
0x38: {  	s10 =	rddreg [dreg:$0xc];
	s11 =	simm.s32 $0x8400  }
0x39: {  	[tilespmem:s11], [sflag:$0x2] =	stream.linear.gather [hbm4b:s10+s5], $0xC80, $0x38;
	[tilespmem:$0x1DB80] =	vst v63  }
0x3a: {  	s11 =	sld [smem:$0x7FA]  }
0x3b: {  	s12 =	rddreg [dreg:$0xd];
	s13 =	simm.s32 $0x9080  }
0x3c: {  	[tilespmem:s13], [sflag:$0x2] =	stream.linear.gather [hbm4b:s12+s5], $0xC80, $0x38;
	[tilespmem:$0x1DB80] =	vst v63  }
0x3d: {  	s14 =	rddreg [dreg:$0xe];
	s21 =	simm.s32 $0x9D00;
	p3 =	seq.s32 s11, $0x1  }
0x3e: {  	[tilespmem:s21], [sflag:$0x2] =	stream.linear.gather [hbm4b:s14+s5], $0xC80, $0x38;
	[tilespmem:$0x1DB80] =	vst v63  }
0x3f: {  	s10 =	simm.s32 $0xA980;
	s7 =	simm.s32 @!p3 $0x1FC1  }
0x40: {  	[tilespmem:s10], [sflag:$0x2] =	stream.linear.gather [hbm4b:s15+s5], $0xC80, $0x38;
	[tilespmem:$0x1DB80] =	vst v63  }
0x41: {  	[spmem:s24], [sflag:s7] =	dma.local @!p3 [hbm:s16], $0x500  }
0x42: {  	s7 =	sld [smem:$0x7F9];
	_ =	sdelay $0x2  }
0x43: {  	p6 =	seq.s32 s7, $0x1  }
0x44: {  	s7 =	sshll.u32 @!p6 s0, $0x6  }
0x45: {  	s9 =	sshrl.u32 @!p6 s18, $0x3;
	s7 =	sor.u32 @!p6 $0x1C01, s7  }
0x46: {  	[spmem:s9], [sflag:s7] =	dma.local @!p6 [hbm:s19], $0x600  }
0x47: {  	s7 =	sld [smem:$0x7FB];
	_ =	sdelay $0x2  }
0x48: {  	p1 =	seq.s32 s7, $0x1  }
0x49: {  	s10 =	rddreg [dreg:$0x6];
	s7 =	sshrl.u32 @!p1 s4, $0x3;
	s9 =	simm.s32 @!p1 $0x1E01  }
0x4a: {  	[spmem:s7], [sflag:s9] =	dma.local @!p1 [hbm:s10], $0x400  }
0x4b: {  	s7 =	sld [smem:$0x7FD];
	_ =	sdelay $0x2  }
0x4c: {  	p0 =	seq.s32 s7, $0x1  }
0x4d: {  	s7 =	sshll.u32 @!p0 s0, $0x6  }
0x4e: {  	s9 =	sshrl.u32 @!p0 s18, $0x3;
	s7 =	sor.u32 @!p0 $0x1C01, s7  }
0x4f: {  	[spmem:s25], [sflag:s7] =	dma.local @!p0 [hbm:s17], $0x500  }
0x50: {  	[spmem:s9], [sflag:s7] =	dma.local @!p0 [hbm:s19], $0x600  }
0x51: {  	_ =	swait.ge [sflag:s23], $0xC80  }
0x52: {  	[sflag:s23] =	ssyncset.done $0x0  }
0x53: {  	[sflag:s23] =	ssyncadd.s32 $0xFFFFF380  }
0x54: {  	_ =	swait.ge [sflag:s23], $0xC80  }
0x55: {  	[sflag:s23] =	ssyncset.done $0x0  }
0x56: {  	[sflag:s23] =	ssyncadd.s32 $0xFFFFF380  }
0x57: {  	_ =	swait.ge [sflag:s23], $0xC80  }
0x58: {  	[sflag:s23] =	ssyncset.done $0x0  }
0x59: {  	[sflag:s23] =	ssyncadd.s32 $0xFFFFF380  }
0x5a: {  	_ =	swait.ge [sflag:s23], $0xC80  }
0x5b: {  	[sflag:s23] =	ssyncset.done $0x0  }
0x5c: {  	[sflag:s23] =	ssyncadd.s32 $0xFFFFF380  }
0x5d: {  	_ =	swait.ge [sflag:s23], $0xC80  }
0x5e: {  	[sflag:s23] =	ssyncset.done $0x0  }
0x5f: {  	[sflag:s23] =	ssyncadd.s32 $0xFFFFF380  }
0x60: {  	_ =	swait.ge [sflag:s23], $0xC80  }
0x61: {  	[sflag:s23] =	ssyncset.done $0x0  }
0x62: {  	[sflag:s23] =	ssyncadd.s32 $0xFFFFF380  }
0x63: {  	_ =	swait.ge [sflag:s23], $0xC80  }
0x64: {  	[sflag:s23] =	ssyncset.done $0x0  }
0x65: {  	[sflag:s23] =	ssyncadd.s32 $0xFFFFF380  }
0x66: {  	_ =	swait.ge [sflag:s23], $0xC80  }
0x67: {  	[sflag:s23] =	ssyncset.done $0x0  }
0x68: {  	[sflag:s23] =	ssyncadd.s32 $0xFFFFF380  }
0x69: {  	_ =	swait.ge [sflag:s23], $0xC80  }
0x6a: {  	s12 =	sld [smem:$0x7FC]  }
0x6b: {  	p5 =	por @!p6 $0x0, $0x0  }
0x6c: {  	p6 =	por @!p6 $0x0, $0x0;
	p4 =	por @!p1 $0x0, $0x0;
	p1 =	por @!p1 $0x1, $0x1  }
0x6d: {  	s7 =	simm.s32 @!p0 $0x1;
	[sflag:s23] =	ssyncset.done $0x0;
	p2 =	seq.s32 s12, $0x1  }
0x6e: {  	[sflag:s23] =	ssyncadd.s32 $0xFFFFF380;
	p5 =	por @!p2 p4, p4;
	p4 =	por @!p3 $0x1, $0x1  }
0x6f: {  	_ =	swait.ge @!p0 [sflag:s7], $0x500;
	p5 =	por @!p3 p4, p4;
	p4 =	por @!p0 $0x0, $0x0  }
0x70: {  	[sflag:s7] =	ssyncset.done @!p0 $0x0;
	p6 =	por @!p2 p1, p1;
	p5 =	por @!p0 p4, p4  }
0x71: {  	p1 =	por @!p3 $0x0, $0x0;
	[sflag:s7] =	ssyncadd.s32 @!p0 $0xFFFFFB00;
	s7 =	simm.s32 @!p5 $0x1  }
0x72: {  	p6 =	por @!p3 p1, p1;
	_ =	swait.ge @!p5 [sflag:s7], $0x600  }
0x73: {  	p6 =	por @!p0 p4, p4;
	[sflag:s7] =	ssyncset.done @!p5 $0x0  }
0x74: {  	[sflag:s7] =	ssyncadd.s32 @!p5 $0xFFFFFA00;
	s7 =	simm.s32 @p6 $0x1  }
0x75: {  	_ =	swait.ge @p6 [sflag:s7], $0x400  }
0x76: {  	[sflag:s7] =	ssyncset.done @p6 $0x0  }
0x77: {  	[sflag:s7] =	ssyncadd.s32 @p6 $0xFFFFFC00;
	s7 =	simm.s32 @p5 $0x1  }
0x78: {  	_ =	swait.ge @p5 [sflag:s7], $0x500  }
0x79: {  	[sflag:s7] =	ssyncset.done @p5 $0x0  }
0x7a: {  	[sflag:s7] =	ssyncadd.s32 @p5 $0xFFFFFB00  }
0x7b: {  	v2 =	vld [tilespmem:$0x4580]  }
0x7c: {  	v4 =	vld [tilespmem:$0x5200]  }
0x7d: {  	v10 =	vld [tilespmem:$0x5E80]  }
0x7e: {  	v11 =	vld [tilespmem:$0x6B00]  }
0x7f: {  	v13 =	vld [tilespmem:$0x7780]  }
0x80: {  	v15 =	vld [tilespmem:$0x8400]  }
0x81: {  	v16 =	vld [tilespmem:$0x9080]  }
0x82: {  	v17 =	vld [tilespmem:$0x9D00]  }
0x83: {  	v20 =	vld [tilespmem:$0xA980]  }
0x84: {  	v26 =	vld [tilespmem:$0x4590]  }
0x85: {  	v0 =	vld [tilespmem:$0x77E0]  }
0x86: {  	v27 =	vld [tilespmem:$0x5210]  }
0x87: {  	v29 =	vld [tilespmem:$0x5E90]  }
0x88: {  	v33 =	vld [tilespmem:$0x6B10]  }
0x89: {  	v36 =	vld [tilespmem:$0x7790]  }
0x8a: {  	[tilespmem:$0x1FEA0] =	vst v0;
	v0 =	vld [tilespmem:$0x90F0]  }
0x8b: {  	v38 =	vld [tilespmem:$0x8410]  }
0x8c: {  	v41 =	vld [tilespmem:$0x9090]  }
0x8d: {  	v42 =	vld [tilespmem:$0x9D10]  }
0x8e: {  	v43 =	vld [tilespmem:$0xA990]  }
0x8f: {  	[tilespmem:$0x1FF00] =	vst v0;
	v0 =	vld [tilespmem:$0x9D70]  }
0x90: {  	v46 =	vld [tilespmem:$0x45A0]  }
0x91: {  	v51 =	vld [tilespmem:$0x5220]  }
0x92: {  	v52 =	vld [tilespmem:$0x5EA0]  }
0x93: {  	v53 =	vld [tilespmem:$0x6B20]  }
0x94: {  	[tilespmem:$0x1FF10] =	vst v0;
	v0 =	vld [tilespmem:$0xA9F0]  }
0x95: {  	v54 =	vld [tilespmem:$0x77A0]  }
0x96: {  	v55 =	vld [tilespmem:$0x8420]  }
0x97: {  	v56 =	vld [tilespmem:$0x90A0]  }
0x98: {  	v57 =	vld [tilespmem:$0x9D20]  }
0x99: {  	[tilespmem:$0x1FF70] =	vst v0;
	v0 =	vld [tilespmem:$0x4600]  }
0x9a: {  	v58 =	vld [tilespmem:$0xA9A0]  }
0x9b: {  	v59 =	vld [tilespmem:$0x45B0]  }
0x9c: {  	v60 =	vld [tilespmem:$0x5230]  }
0x9d: {  	v61 =	vld [tilespmem:$0x5EB0]  }
0x9e: {  	[tilespmem:$0x1FF30] =	vst v0;
	v0 =	vld [tilespmem:$0x5280]  }
0x9f: {  	v62 =	vld [tilespmem:$0x6B30]  }
0xa0: {  	v63 =	vld [tilespmem:$0x77B0]  }
0xa1: {  	v3 =	vld [tilespmem:$0x8430]  }
0xa2: {  	v5 =	vld [tilespmem:$0x90B0]  }
0xa3: {  	[tilespmem:$0x1FF80] =	vst v0;
	v0 =	vld [tilespmem:$0x5F00]  }
0xa4: {  	v6 =	vld [tilespmem:$0x9D30]  }
0xa5: {  	v21 =	vld [tilespmem:$0xA9B0]  }
0xa6: {  	v8 =	vld [tilespmem:$0x45C0]  }
0xa7: {  	v18 =	vld [tilespmem:$0x5240]  }
0xa8: {  	[tilespmem:$0x1FF40] =	vst v0;
	v0 =	vld [tilespmem:$0x6B80]  }
0xa9: {  	v9 =	vld [tilespmem:$0x5EC0]  }
0xaa: {  	v12 =	vld [tilespmem:$0x6B40]  }
0xab: {  	v28 =	vld [tilespmem:$0x77C0]  }
0xac: {  	v7 =	vld [tilespmem:$0x8440]  }
0xad: {  	[tilespmem:$0x1FF50] =	vst v0;
	v0 =	vld [tilespmem:$0x7800]  }
0xae: {  	v14 =	vld [tilespmem:$0x90C0]  }
0xaf: {  	v19 =	vld [tilespmem:$0x9D40]  }
0xb0: {  	v34 =	vld [tilespmem:$0xA9C0]  }
0xb1: {  	v22 =	vld [tilespmem:$0x45D0]  }
0xb2: {  	[tilespmem:$0x1FFB0] =	vst v0;
	v0 =	vld [tilespmem:$0x8480]  }
0xb3: {  	v35 =	vld [tilespmem:$0xA9E0]  }
0xb4: {  	v31 =	vld [tilespmem:$0x5250]  }
0xb5: {  	v25 =	vld [tilespmem:$0x5ED0]  }
0xb6: {  	v24 =	vld [tilespmem:$0x6B50]  }
0xb7: {  	[tilespmem:$0x1FF60] =	vst v0;
	v0 =	vld [tilespmem:$0x9100]  }
0xb8: {  	[tilespmem:$0x1FEE0] =	vst v35;
	v35 =	vld [tilespmem:$0x45F0]  }
0xb9: {  	v45 =	vld [tilespmem:$0x77D0]  }
0xba: {  	v23 =	vld [tilespmem:$0x8450]  }
0xbb: {  	v30 =	vld [tilespmem:$0x90D0]  }
0xbc: {  	[tilespmem:$0x1FF90] =	vst v0;
	v0 =	vld [tilespmem:$0x9D80]  }
0xbd: {  	[tilespmem:$0x1FEB0] =	vst v35;
	v35 =	vld [tilespmem:$0x5270]  }
0xbe: {  	v32 =	vld [tilespmem:$0x9D50]  }
0xbf: {  	v37 =	vld [tilespmem:$0xA9D0]  }
0xc0: {  	v49 =	vld [tilespmem:$0x45E0]  }
0xc1: {  	[tilespmem:$0x1FFA0] =	vst v0;
	v0 =	vld [tilespmem:$0xAA00]  }
0xc2: {  	[tilespmem:$0x1FEF0] =	vst v35;
	v35 =	vld [tilespmem:$0x5EF0]  }
0xc3: {  	v39 =	vld [tilespmem:$0x5260]  }
0xc4: {  	v47 =	vld [tilespmem:$0x5EE0]  }
0xc5: {  	v48 =	vld [tilespmem:$0x6B60]  }
0xc6: {  	[tilespmem:$0x1FFD0] =	vst v0;
	v0 =	vld [tilespmem:$0x4610]  }
0xc7: {  	[tilespmem:$0x1FEC0] =	vst v35;
	v35 =	vld [tilespmem:$0x6B70]  }
0xc8: {  	v50 =	vld [tilespmem:$0x8460]  }
0xc9: {  	v44 =	vld [tilespmem:$0x90E0]  }
0xca: {  	v40 =	vld [tilespmem:$0x9D60]  }
0xcb: {  	[tilespmem:$0x1FFC0] =	vst v0;
	v0 =	vld [tilespmem:$0x5290]  }
0xcc: {  	v1 =	vmul.u32 $0x78, v10;
	v11 =	vmul.u32 $0xA, v11;
	[tilespmem:$0x1FED0] =	vst v35;
	v35 =	vld [tilespmem:$0x77F0]  }
0xcd: {  	v10 =	vld [tilespmem:$0x6B90];
	v8 =	vmul.u32 $0x5, v8  }
0xce: {  	v1 =	vadd.s32 v1, v11;
	v11 =	vshll.u32 v17, $0x1;
	v17 =	vld [tilespmem:$0x8490]  }
0xcf: {  	v8 =	vadd.s32 v18, v8;
	v18 =	vld [tilespmem:$0x9DB0]  }
0xd0: {  	v1 =	vadd.s32 v13, v1;
	v13 =	vld [tilespmem:$0x9D90];
	[tilespmem:$0x1FFE0] =	vst v0;
	v0 =	vmul.u32 $0x5, v2  }
0xd1: {  	v15 =	vmul.u32 $0x18, v15;
	[tilespmem:$0x1FF20] =	vst v35;
	v35 =	vld [tilespmem:$0x8470]  }
0xd2: {  	v2 =	vld [tilespmem:$0x5F10];
	v0 =	vadd.s32 v4, v0;
	v4 =	vshll.u32 v16, $0x2  }
0xd3: {  	v16 =	vld [tilespmem:$0x7810];
	v4 =	vadd.s32 v15, v4  }
0xd4: {  	v38 =	vmul.u32 $0x18, v38;
	v15 =	vld [tilespmem:$0x9110];
	v4 =	vadd.s32 v11, v4  }
0xd5: {  	v11 =	vmul.u32 $0x5, v26;
	v26 =	vmul.u32 $0xA, v33;
	v33 =	vadd.s32 v20, v4;
	v4 =	vld [tilespmem:$0xAA10]  }
0xd6: {  	v41 =	vshll.u32 v41, $0x2;
	v20 =	vld [tilespmem:$0x4620]  }
0xd7: {  	v10 =	vmul.u32 $0xA, v10;
	v27 =	vadd.s32 v27, v11;
	v11 =	vadd.s32 v38, v41;
	v41 =	vld [tilespmem:$0x84A0];
	[tilespmem:$0xCF00] =	vst v33  }
0xd8: {  	v2 =	vmul.u32 $0x78, v2;
	v33 =	vmul.u32 $0x78, v47;
	v47 =	vshll.u32 v44, $0x2;
	v44 =	vld [tilespmem:$0x1FF50];
	[tilespmem:$0x1FFF0] =	vst v16  }
0xd9: {  	v42 =	vshll.u32 v42, $0x1;
	v16 =	vmul.u32 $0x78, v29;
	[tilespmem:$0xB610] =	vst v27;
	v27 =	vld [tilespmem:$0x4640]  }
0xda: {  	v61 =	vmul.u32 $0x78, v61;
	v29 =	vmul.u32 $0x5, v46;
	v2 =	vadd.s32 v2, v10;
	v10 =	vld [tilespmem:$0xAA50]  }
0xdb: {  	v62 =	vmul.u32 $0xA, v62;
	v16 =	vadd.s32 v16, v26;
	v26 =	vadd.s32 v42, v11;
	v11 =	vld [tilespmem:$0x52A0]  }
0xdc: {  	v9 =	vmul.u32 $0x78, v9;
	v46 =	vmul.u32 $0x18, v55;
	v55 =	vadd.s32 v51, v29;
	v29 =	vld [tilespmem:$0x6BA0]  }
0xdd: {  	v12 =	vmul.u32 $0xA, v12;
	v38 =	vmul.u32 $0xA, v53;
	v42 =	vshll.u32 v56, $0x2;
	v51 =	vld [tilespmem:$0x7820]  }
0xde: {  	v16 =	vadd.s32 v36, v16;
	v36 =	vmul.u32 $0x78, v52;
	v52 =	vld [tilespmem:$0x5F20];
	v53 =	vadd.s32 v43, v26  }
0xdf: {  	v26 =	vadd.s32 v46, v42;
	v46 =	vmul.u32 $0x5, v59;
	v59 =	vadd.s32 v9, v12;
	v12 =	vld [tilespmem:$0x6BB0]  }
0xe0: {  	v42 =	vadd.s32 v61, v62;
	v62 =	vmul.u32 $0x5, v22;
	v22 =	vld [tilespmem:$0x9130]  }
0xe1: {  	v43 =	vshll.u32 v57, $0x1;
	[tilespmem:$0xB620] =	vst v55;
	v55 =	vld [tilespmem:$0x1FED0]  }
0xe2: {  	v26 =	vadd.s32 v43, v26;
	v43 =	vld [tilespmem:$0x7830]  }
0xe3: {  	[tilespmem:$0xCF10] =	vst v53;
	v53 =	vld [tilespmem:$0x1FEB0]  }
0xe4: {  	[tilespmem:$0xB600] =	vst v0;
	v0 =	vadd.s32 v28, v59;
	v59 =	vld [tilespmem:$0x1FF00]  }
0xe5: {  	v36 =	vadd.s32 v36, v38;
	v38 =	vld [tilespmem:$0x9120]  }
0xe6: {  	v56 =	vadd.s32 v58, v26;
	v26 =	vld [tilespmem:$0xAA20]  }
0xe7: {  	v3 =	vmul.u32 $0x18, v3;
	v58 =	vadd.s32 v63, v42;
	v42 =	vld [tilespmem:$0x4630]  }
0xe8: {  	v5 =	vshll.u32 v5, $0x2;
	v57 =	vadd.s32 v60, v46;
	v60 =	vshll.u32 v19, $0x1;
	v19 =	vld [tilespmem:$0x84B0]  }
0xe9: {  	v3 =	vadd.s32 v3, v5;
	v46 =	vshll.u32 v6, $0x1;
	v54 =	vadd.s32 v54, v36;
	v36 =	vld [tilespmem:$0x9DA0]  }
0xea: {  	v5 =	vadd.s32 v46, v3;
	v3 =	vld [tilespmem:$0x52B0]  }
0xeb: {  	v46 =	vld [tilespmem:$0x5F30]  }
0xec: {  	v7 =	vmul.u32 $0x18, v7;
	[tilespmem:$0xB630] =	vst v57;
	v57 =	vld [tilespmem:$0x1FEE0]  }
0xed: {  	v14 =	vshll.u32 v14, $0x2;
	[tilespmem:$0xC2B0] =	vst v58;
	v58 =	vld [tilespmem:$0x1FEF0]  }
0xee: {  	v7 =	vadd.s32 v7, v14;
	v63 =	vmul.u32 $0x78, v25;
	[tilespmem:$0xCF20] =	vst v56;
	v56 =	vmul.u32 $0x18, v35;
	v35 =	vld [tilespmem:$0x84C0]  }
0xef: {  	v25 =	vmul.u32 $0x18, v23;
	v61 =	vadd.s32 v60, v7;
	v7 =	vadd.s32 v31, v62;
	v62 =	vld [tilespmem:$0x1FF20]  }
0xf0: {  	v31 =	vshll.u32 v32, $0x1;
	v32 =	vmul.u32 $0x5, v49;
	v49 =	vshll.u32 v40, $0x1;
	v40 =	vld [tilespmem:$0x1FF40]  }
0xf1: {  	v28 =	vshll.u32 v30, $0x2;
	v5 =	vadd.s32 v21, v5;
	v21 =	vld [tilespmem:$0xAA30]  }
0xf2: {  	v30 =	vadd.s32 v25, v28;
	v28 =	vld [tilespmem:$0x5F40]  }
0xf3: {  	v24 =	vmul.u32 $0xA, v24;
	[tilespmem:$0xC2A0] =	vst v54;
	v54 =	vld [tilespmem:$0x1FEC0]  }
0xf4: {  	[tilespmem:$0xC280] =	vst v1;
	v1 =	vadd.s32 v34, v61;
	v61 =	vld [tilespmem:$0x1FF10]  }
0xf5: {  	v9 =	vadd.s32 v63, v24;
	v14 =	vadd.s32 v31, v30;
	v30 =	vld [tilespmem:$0x52C0]  }
0xf6: {  	v9 =	vadd.s32 v45, v9;
	v45 =	vmul.u32 $0x18, v50;
	v50 =	vld [tilespmem:$0x1FEA0]  }
0xf7: {  	v31 =	vld [tilespmem:$0x6BC0]  }
0xf8: {  	[tilespmem:$0xC290] =	vst v16;
	v34 =	vmul.u32 $0xA, v48;
	v16 =	vadd.s32 v39, v32;
	v39 =	vld [tilespmem:$0x1FF30]  }
0xf9: {  	v32 =	vmul.u32 $0xA, v55;
	v55 =	vmul.u32 $0x18, v17;
	v17 =	vld [tilespmem:$0x6BD0]  }
0xfa: {  	v23 =	vadd.s32 v33, v34;
	v34 =	vld [tilespmem:$0x7840]  }
0xfb: {  	v25 =	vmul.u32 $0x5, v53;
	v53 =	vld [tilespmem:$0x1FFB0]  }
0xfc: {  	v48 =	vadd.s32 v45, v47;
	v45 =	vld [tilespmem:$0x1FF60]  }
0xfd: {  	v14 =	vadd.s32 v37, v14;
	v47 =	vld [tilespmem:$0x1FF70]  }
0xfe: {  	[tilespmem:$0xCF50] =	vst v14;
	v14 =	vld [tilespmem:$0x5F50]  }
0xff: {  	v24 =	vadd.s32 v49, v48;
	v48 =	vld [tilespmem:$0x1FF80]  }
0x100: {  	v49 =	vld [tilespmem:$0x1FF90]  }
0x101: {  	[tilespmem:$0xCF40] =	vst v1;
	v1 =	vmul.u32 $0x78, v40;
	v40 =	vld [tilespmem:$0x4650]  }
0x102: {  	v6 =	vmul.u32 $0x78, v54;
	v54 =	vld [tilespmem:$0x1FFC0]  }
0x103: {  	v15 =	vshll.u32 v15, $0x2;
	[tilespmem:$0xCF30] =	vst v5;
	v5 =	vadd.s32 v57, v24;
	v57 =	vld [tilespmem:$0x1FFE0]  }
0x104: {  	v24 =	vadd.s32 v58, v25;
	v25 =	vshll.u32 v59, $0x2;
	v59 =	vshll.u32 v13, $0x1;
	v13 =	vld [tilespmem:$0x84D0]  }
0x105: {  	[tilespmem:$0xB640] =	vst v8;
	v12 =	vmul.u32 $0xA, v12;
	v33 =	vmul.u32 $0xA, v44;
	v58 =	vadd.s32 v55, v15;
	v15 =	vld [tilespmem:$0x9150]  }
0x106: {  	[tilespmem:$0xC2C0] =	vst v0;
	v38 =	vshll.u32 v38, $0x2;
	v46 =	vmul.u32 $0x78, v46;
	v55 =	vld [tilespmem:$0x84E0];
	v23 =	vadd.s32 v50, v23  }
0x107: {  	[tilespmem:$0xB650] =	vst v7;
	v60 =	vadd.s32 v56, v25;
	v25 =	vshll.u32 v61, $0x1;
	v8 =	vmul.u32 $0x5, v39;
	v39 =	vld [tilespmem:$0xAA40]  }
0x108: {  	v1 =	vadd.s32 v1, v33;
	v50 =	vld [tilespmem:$0x1FFA0];
	[tilespmem:$0xCF60] =	vst v5;
	v5 =	vadd.s32 v59, v58;
	v61 =	vmul.u32 $0x5, v20  }
0x109: {  	[tilespmem:$0xC2D0] =	vst v9;
	v33 =	vld [tilespmem:$0x52D0];
	v58 =	vmul.u32 $0x18, v35;
	v6 =	vadd.s32 v6, v32;
	v63 =	vadd.s32 v25, v60  }
0x10a: {  	[tilespmem:$0xB660] =	vst v16;
	v56 =	vld [tilespmem:$0x1FFD0];
	v1 =	vadd.s32 v53, v1;
	v4 =	vadd.s32 v4, v5;
	v0 =	vadd.s32 v62, v6  }
0x10b: {  	[tilespmem:$0xB670] =	vst v24;
	v24 =	vld [tilespmem:$0x9DD0];
	v37 =	vmul.u32 $0x18, v45;
	v6 =	vadd.s32 v47, v63;
	v62 =	vmul.u32 $0x78, v52  }
0x10c: {  	v59 =	vld [tilespmem:$0x9160];
	[tilespmem:$0xC2E0] =	vst v23;
	v63 =	vmul.u32 $0xA, v29;
	v29 =	vmul.u32 $0x18, v41;
	v41 =	vshll.u32 v36, $0x1  }
0x10d: {  	v32 =	vld [tilespmem:$0x9140];
	[tilespmem:$0xC300] =	vst v1;
	v45 =	vmul.u32 $0x5, v42;
	v47 =	vmul.u32 $0x18, v19;
	v52 =	vshll.u32 v18, $0x1  }
0x10e: {  	v25 =	vld [tilespmem:$0x9DC0];
	[tilespmem:$0xCF90] =	vst v4;
	v7 =	vadd.s32 v48, v8;
	v8 =	vshll.u32 v49, $0x2;
	v49 =	vshll.u32 v22, $0x2  }
0x10f: {  	v60 =	vld [tilespmem:$0x1FFF0];
	[tilespmem:$0xC2F0] =	vst v0;
	v8 =	vadd.s32 v37, v8;
	v37 =	vadd.s32 v11, v61;
	v0 =	vadd.s32 v62, v63  }
0x110: {  	v23 =	vld [tilespmem:$0x7850];
	[tilespmem:$0xCF70] =	vst v6;
	v6 =	vadd.s32 v29, v38;
	v3 =	vadd.s32 v3, v45;
	v13 =	vmul.u32 $0x18, v13  }
0x111: {  	v42 =	vld [tilespmem:$0x6BF0];
	[tilespmem:$0xB680] =	vst v7;
	v38 =	vshll.u32 v15, $0x2;
	v9 =	vshll.u32 v50, $0x1;
	v0 =	vadd.s32 v51, v0  }
0x112: {  	v48 =	vld [tilespmem:$0x5F60];
	v44 =	vadd.s32 v41, v6;
	v51 =	vadd.s32 v46, v12;
	v6 =	vadd.s32 v47, v49;
	[tilespmem:$0xB6A0] =	vst v37  }
0x113: {  	v11 =	vld [tilespmem:$0x4660];
	[tilespmem:$0xB6B0] =	vst v3;
	v41 =	vshll.u32 v24, $0x1;
	v8 =	vadd.s32 v9, v8;
	v9 =	vmul.u32 $0x5, v54  }
0x114: {  	v7 =	vld [tilespmem:$0x52E0];
	v2 =	vadd.s32 v60, v2;
	v1 =	vadd.s32 v26, v44;
	v53 =	vadd.s32 v52, v6;
	[tilespmem:$0xC320] =	vst v0  }
0x115: {  	v63 =	vld [tilespmem:$0x9DE0];
	v54 =	vmul.u32 $0x5, v27;
	v62 =	vshll.u32 v32, $0x2;
	v27 =	vshll.u32 v25, $0x1;
	[tilespmem:$0xC310] =	vst v2  }
0x116: {  	v50 =	vld [tilespmem:$0x6BE0];
	v32 =	vmul.u32 $0x78, v14;
	v8 =	vadd.s32 v56, v8;
	v2 =	vadd.s32 v43, v51;
	[tilespmem:$0xCFA0] =	vst v1  }
0x117: {  	v12 =	vld [tilespmem:$0x7860];
	v56 =	vmul.u32 $0x78, v28;
	v60 =	vadd.s32 v21, v53;
	v26 =	vadd.s32 v58, v62;
	[tilespmem:$0xCF80] =	vst v8  }
0x118: {  	v46 =	vld [tilespmem:$0x84F0];
	v58 =	vmul.u32 $0xA, v42;
	v9 =	vadd.s32 v57, v9;
	v57 =	vmul.u32 $0xA, v31;
	[tilespmem:$0xC330] =	vst v2  }
0x119: {  	v28 =	vld [tilespmem:$0xAA60];
	v61 =	vadd.s32 v30, v54;
	v29 =	vadd.s32 v27, v26;
	v30 =	vmul.u32 $0x5, v40;
	[tilespmem:$0xCFB0] =	vst v60  }
0x11a: {  	v51 =	vld [tilespmem:$0x9DF0];
	v40 =	vadd.s32 v13, v38;
	v47 =	vmul.u32 $0x78, v48;
	v8 =	vmul.u32 $0x18, v55;
	[tilespmem:$0xB690] =	vst v9  }
0x11b: {  	v31 =	vld [tilespmem:$0x4670];
	v36 =	vadd.s32 v39, v29;
	[tilespmem:$0xB6C0] =	vst v61;
	v45 =	vmul.u32 $0x5, v11;
	v53 =	vshll.u32 v63, $0x1  }
0x11c: {  	v39 =	vld [tilespmem:$0x5F70];
	v22 =	vadd.s32 v56, v57;
	v37 =	vadd.s32 v33, v30;
	[tilespmem:$0xCFC0] =	vst v36;
	v9 =	vmul.u32 $0xA, v50  }
0x11d: {  	v48 =	vld [tilespmem:$0x9170];
	v50 =	vshll.u32 v59, $0x2;
	v1 =	vadd.s32 v34, v22;
	v34 =	vmul.u32 $0xA, v17;
	[tilespmem:$0xB6D0] =	vst v37  }
0x11e: {  	v35 =	vld [tilespmem:$0x52F0];
	v49 =	vadd.s32 v7, v45;
	v52 =	vadd.s32 v8, v50;
	[tilespmem:$0xC340] =	vst v1;
	v0 =	vadd.s32 v47, v9  }
0x11f: {  	v54 =	vld [tilespmem:$0x7870];
	v44 =	vadd.s32 v41, v40;
	v1 =	vadd.s32 v53, v52;
	[tilespmem:$0xB6E0] =	vst v49;
	v0 =	vadd.s32 v12, v0  }
0x120: {  	v56 =	vld [tilespmem:$0xAA70];
	v5 =	vmul.u32 $0x18, v46;
	v2 =	vadd.s32 v32, v34;
	v1 =	vadd.s32 v28, v1;
	[tilespmem:$0xC360] =	vst v0  }
0x121: {  	v55 =	vmul.u32 $0x5, v31;
	v43 =	vadd.s32 v23, v2;
	v57 =	vmul.u32 $0x78, v39;
	[tilespmem:$0xCFE0] =	vst v1  }
0x122: {  	v62 =	vshll.u32 v51, $0x1;
	v60 =	vshll.u32 v48, $0x2;
	v2 =	vadd.s32 v10, v44;
	[tilespmem:$0xC350] =	vst v43  }
0x123: {  	[tilespmem:$0xCFD0] =	vst v2;
	v59 =	vadd.s32 v35, v55;
	v2 =	vadd.s32 v5, v60;
	v61 =	vadd.s32 v57, v58  }
0x124: {  	v2 =	vadd.s32 v62, v2;
	[tilespmem:$0xB6F0] =	vst v59;
	v1 =	vadd.s32 v54, v61  }
0x125: {  	v63 =	vadd.s32 v56, v2;
	[tilespmem:$0xC370] =	vst v1  }
0x126: {  	[tilespmem:$0xCFF0] =	vst v63  }
0x127: {  	s13 =	simm.s32 $0xB600;
	[bflag:$0x0] =	sbarrier.arrive $0xFFFF  }
0x128: {  	[tilespmem:s29], [sflag:$0x3] =	stream.indirect.gather [spmem:s1], $0x80, s13, s26, $0xb8;
	[tilespmem:$0x1DB80] =	vst v63  }
.Ltmp2:
0x129: {  	s14 =	simm.s32 $0xC280;
	(pc) =	sbr.rel .LBB2_2-.Ltmp2, $4  }
0x12a: {  	[tilespmem:s29], [sflag:$0x3] =	stream.indirect.gather.add.f32 [spmem:s3], $0x80, s14, s26, $0xb8;
	[tilespmem:$0x1DB80] =	vst v63  }
0x12b: {  	s21 =	simm.s32 $0xCF00  }
0x12c: {  	[tilespmem:s29], [sflag:$0x3] =	stream.indirect.gather.add.f32 [spmem:s4], $0x80, s21, s26, $0xb8;
	[tilespmem:$0x1DB80] =	vst v63  }
0x12d: {  	s9 =	simm.s32 $0x0;
	s7 =	simm.s32 $0x1;
	s21 =	smov.u32 s8  }
.LBB2_4:
0x12e: {  	_ =	swait.ge [sflag:s2], $0x4000  }
0x12f: {  	[sflag:s2] =	ssyncset.done $0x0  }
0x130: {  	[sflag:s2] =	ssyncadd.s32 $0xFFFFC000  }
0x131: {  	_ =	swait.ge [sflag:s2], $0x4000  }
0x132: {  	s9 =	sadd.s32 $0x200, s9;
	[sflag:s2] =	ssyncset.done $0x0  }
0x133: {  	p3 =	sne.s32 s9, $0x3200;
	[sflag:s2] =	ssyncadd.s32 $0xFFFFC000  }
.Ltmp3:
0x134: {  	s10 =	sand.u32 $0x3, s10;
	_ =	swait.ge [sflag:s2], $0x4000;
	(pc) =	sbr.rel @!p3 .LBB2_5-.Ltmp3, $4  }
0x135: {  	s11 =	sshll.u32 s10, $0xE;
	[sflag:s2] =	ssyncset.done $0x0  }
0x136: {  	s10 =	sor.u32 $0x4, s10;
	s11 =	sadd.s32 $0xDB80, s11;
	[sflag:s2] =	ssyncadd.s32 $0xFFFFC000  }
0x137: {  	[hbm4b:s21+s5] =	stream.linear.scatter [tilespmem:s11], [sflag:s10], $0x4000, $0x38;
	[tilespmem:$0x1DB80] =	vst v63  }
0x138: {  	s7 =	sadd.s32 $0x1, s7;
	s21 =	sadd.s32 $0x800, s21  }
.LBB2_2:
0x139: {  	s10 =	sadd.s32 $0xFFFFFFFF, s7;
	p5 =	seq.s32 s9, $0x3000  }
0x13a: {  	p3 =	slt.u32 @!p5 s10, $0x3  }
0x13b: {  	s11 =	sand.u32 $0x3, s7;
	p3 =	por p3, p5  }
0x13c: {  	s12 =	sor.u32 @!p3 $0x4, s11  }
0x13d: {  	_ =	swait.ge @!p3 [sflag:s12], $0x4000  }
0x13e: {  	s14 =	simm.s32 @!p5 $0x80;
	s11 =	sshll.u32 @!p5 s11, $0xE;
	[sflag:s12] =	ssyncset.done @!p3 $0x0  }
0x13f: {  	[sflag:s12] =	ssyncadd.s32 @!p3 $0xFFFFC000;
	s12 =	sshra.s32 @!p5 s9, $0x2;
	p3 =	sgt.u32 @!p5 s10, $0x16  }
0x140: {  	s11 =	sadd.s32 @!p5 $0xDB80, s11;
	s13 =	sadd.s32 @!p5 $0xB680, s12;
	p3 =	por p5, p3  }
0x141: {  	[tilespmem:s11], [sflag:$0x3] =	stream.indirect.gather @!p5 [spmem:s1], $0x80, s13, s14, $0xb8;
	[tilespmem:$0x1DB80] =	vst v63  }
.Ltmp4:
0x142: {  	_ = 	snop;
	(pc) =	sbr.rel @p3 .LBB2_4-.Ltmp4, $4  }
0x143: {  	s13 =	sadd.s32 @!p5 $0xC300, s12  }
0x144: {  	[tilespmem:s11], [sflag:$0x3] =	stream.indirect.gather.add.f32 @!p5 [spmem:s3], $0x80, s13, s14, $0xb8;
	[tilespmem:$0x1DB80] =	vst v63  }
0x145: {  	s12 =	sadd.s32 @!p5 $0xCF80, s12  }
0x146: {  	[tilespmem:s11], [sflag:$0x3] =	stream.indirect.gather.add.f32 @!p5 [spmem:s4], $0x80, s12, s14, $0xb8;
	[tilespmem:$0x1DB80] =	vst v63  }
0x147: {  	s11 =	sshra.s32 s9, $0x2  }
0x148: {  	v0 =	vld [tilespmem:s11+$0x4680]  }
0x149: {  	v1 =	vld [tilespmem:s11+$0x5300]  }
0x14a: {  	v2 =	vld [tilespmem:s11+$0x5F80]  }
0x14b: {  	v3 =	vld [tilespmem:s11+$0x6C00]  }
0x14c: {  	v4 =	vld [tilespmem:s11+$0x7880]  }
0x14d: {  	v5 =	vld [tilespmem:s11+$0x8500]  }
0x14e: {  	v6 =	vld [tilespmem:s11+$0x9180]  }
0x14f: {  	v7 =	vld [tilespmem:s11+$0x9E00]  }
0x150: {  	v8 =	vld [tilespmem:s11+$0xAA80]  }
0x151: {  	v9 =	vld [tilespmem:s11+$0x4690]  }
0x152: {  	v10 =	vld [tilespmem:s11+$0x5310]  }
0x153: {  	v11 =	vld [tilespmem:s11+$0x5F90]  }
0x154: {  	v12 =	vld [tilespmem:s11+$0x6C10]  }
0x155: {  	v13 =	vld [tilespmem:s11+$0x7890]  }
0x156: {  	v14 =	vld [tilespmem:s11+$0x8510]  }
0x157: {  	v15 =	vld [tilespmem:s11+$0x9190]  }
0x158: {  	v16 =	vld [tilespmem:s11+$0x9E10]  }
0x159: {  	v17 =	vld [tilespmem:s11+$0xAA90]  }
0x15a: {  	v18 =	vld [tilespmem:s11+$0x46A0]  }
0x15b: {  	v19 =	vld [tilespmem:s11+$0x5320]  }
0x15c: {  	v20 =	vld [tilespmem:s11+$0x5FA0]  }
0x15d: {  	v21 =	vld [tilespmem:s11+$0x6C20]  }
0x15e: {  	v22 =	vld [tilespmem:s11+$0x78A0]  }
0x15f: {  	v23 =	vld [tilespmem:s11+$0x8520]  }
0x160: {  	v24 =	vld [tilespmem:s11+$0x91A0]  }
0x161: {  	v25 =	vld [tilespmem:s11+$0x9E20]  }
0x162: {  	v26 =	vld [tilespmem:s11+$0xAAA0]  }
0x163: {  	v27 =	vld [tilespmem:s11+$0x46B0]  }
0x164: {  	v28 =	vld [tilespmem:s11+$0x5330]  }
0x165: {  	v29 =	vld [tilespmem:s11+$0x5FB0]  }
0x166: {  	v30 =	vld [tilespmem:s11+$0x6C30]  }
0x167: {  	v31 =	vld [tilespmem:s11+$0x78B0]  }
0x168: {  	v32 =	vld [tilespmem:s11+$0x8530]  }
0x169: {  	v33 =	vld [tilespmem:s11+$0x91B0]  }
0x16a: {  	v34 =	vld [tilespmem:s11+$0x9E30]  }
0x16b: {  	v35 =	vld [tilespmem:s11+$0xAAB0]  }
0x16c: {  	v36 =	vld [tilespmem:s11+$0x46C0]  }
0x16d: {  	v37 =	vld [tilespmem:s11+$0x5340]  }
0x16e: {  	v38 =	vld [tilespmem:s11+$0x5FC0]  }
0x16f: {  	v39 =	vld [tilespmem:s11+$0x6C40]  }
0x170: {  	v40 =	vld [tilespmem:s11+$0x78C0]  }
0x171: {  	v41 =	vld [tilespmem:s11+$0x8540]  }
0x172: {  	v42 =	vld [tilespmem:s11+$0x91C0]  }
0x173: {  	v43 =	vld [tilespmem:s11+$0x9E40]  }
0x174: {  	v44 =	vld [tilespmem:s11+$0xAAC0];
	v0 =	vmul.u32 $0x5, v0;
	v2 =	vmul.u32 $0x78, v2;
	v3 =	vmul.u32 $0xA, v3  }
0x175: {  	v48 =	vld [tilespmem:s11+$0x5FE0];
	v5 =	vmul.u32 $0x18, v5;
	v51 =	vshll.u32 v6, $0x2;
	v52 =	vshll.u32 v7, $0x1  }
0x176: {  	v6 =	vld [tilespmem:s11+$0x46D0];
	v53 =	vmul.u32 $0x5, v9;
	v54 =	vmul.u32 $0x78, v11;
	v55 =	vmul.u32 $0xA, v12  }
0x177: {  	v56 =	vmul.u32 $0x18, v14;
	v12 =	vld [tilespmem:s11+$0x6C50];
	v57 =	vshll.u32 v15, $0x2;
	v58 =	vshll.u32 v16, $0x1  }
0x178: {  	v11 =	vld [tilespmem:s11+$0x8550];
	v59 =	vmul.u32 $0x5, v18;
	v60 =	vmul.u32 $0x78, v20;
	v61 =	vmul.u32 $0xA, v21  }
0x179: {  	v62 =	vmul.u32 $0x18, v23;
	v18 =	vld [tilespmem:s11+$0x9E50];
	v63 =	vshll.u32 v24, $0x2;
	v24 =	vshll.u32 v25, $0x1  }
0x17a: {  	v16 =	vld [tilespmem:s11+$0x46E0];
	v27 =	vmul.u32 $0x5, v27;
	v45 =	vmul.u32 $0x78, v29;
	v46 =	vmul.u32 $0xA, v30  }
0x17b: {  	v15 =	vld [tilespmem:s11+$0x5360];
	v47 =	vmul.u32 $0x18, v32;
	v50 =	vshll.u32 v33, $0x2;
	v0 =	vadd.s32 v1, v0  }
0x17c: {  	v30 =	vld [tilespmem:s11+$0x46F0];
	v2 =	vadd.s32 v2, v3;
	v1 =	vadd.s32 v5, v51;
	v3 =	vadd.s32 v10, v53  }
0x17d: {  	v5 =	vld [tilespmem:s11+$0x5350];
	v7 =	vadd.s32 v54, v55;
	v9 =	vadd.s32 v19, v59;
	v21 =	vadd.s32 v60, v61  }
0x17e: {  	v10 =	vld [tilespmem:s11+$0x78D0];
	v23 =	vadd.s32 v62, v63;
	v49 =	vadd.s32 v28, v27;
	v53 =	vshll.u32 v34, $0x1;
	[tilespmem:s11+$0xB700] =	vst v0  }
0x17f: {  	v19 =	vld [tilespmem:s11+$0xAAD0];
	v54 =	vmul.u32 $0x5, v36;
	v62 =	vshll.u32 v42, $0x2;
	v27 =	vshll.u32 v43, $0x1;
	[tilespmem:s11+$0xB710] =	vst v3  }
0x180: {  	v51 =	vld [tilespmem:s11+$0x6C60];
	v2 =	vadd.s32 v4, v2;
	v1 =	vadd.s32 v52, v1;
	v7 =	vadd.s32 v13, v7;
	[tilespmem:s11+$0xB720] =	vst v9  }
0x181: {  	v55 =	vld [tilespmem:s11+$0x8560];
	v0 =	vadd.s32 v22, v21;
	v25 =	vadd.s32 v24, v23;
	v52 =	vadd.s32 v47, v50;
	[tilespmem:s11+$0xB730] =	vst v49  }
0x182: {  	v59 =	vld [tilespmem:s11+$0x91E0];
	v1 =	vadd.s32 v8, v1;
	v8 =	vadd.s32 v56, v57;
	[tilespmem:s11+$0xC380] =	vst v2;
	v2 =	vadd.s32 v26, v25  }
0x183: {  	v63 =	vld [tilespmem:s11+$0x9E60];
	[tilespmem:s11+$0xC390] =	vst v7;
	v7 =	vadd.s32 v53, v52;
	v56 =	vmul.u32 $0x78, v38;
	v57 =	vmul.u32 $0xA, v39  }
0x184: {  	v28 =	vld [tilespmem:s11+$0xAAE0];
	v61 =	vadd.s32 v37, v54;
	v8 =	vadd.s32 v58, v8;
	[tilespmem:s11+$0xD000] =	vst v1;
	v1 =	vadd.s32 v45, v46  }
0x185: {  	v34 =	vld [tilespmem:s11+$0x5370];
	[tilespmem:s11+$0xC3A0] =	vst v0;
	v58 =	vmul.u32 $0x18, v41;
	v60 =	vadd.s32 v35, v7;
	v6 =	vmul.u32 $0x5, v6  }
0x186: {  	v4 =	vld [tilespmem:s11+$0x5FD0];
	[tilespmem:s11+$0xD020] =	vst v2;
	v32 =	vmul.u32 $0xA, v12;
	v33 =	vmul.u32 $0x18, v11;
	v43 =	vmul.u32 $0x5, v16  }
0x187: {  	v13 =	vld [tilespmem:s11+$0x91D0];
	[tilespmem:s11+$0xB740] =	vst v61;
	v45 =	vmul.u32 $0x78, v48;
	v8 =	vadd.s32 v17, v8;
	v26 =	vadd.s32 v56, v57  }
0x188: {  	v38 =	vld [tilespmem:s11+$0x5FF0];
	v1 =	vadd.s32 v31, v1;
	[tilespmem:s11+$0xD010] =	vst v8;
	v8 =	vadd.s32 v58, v62;
	v2 =	vadd.s32 v40, v26  }
0x189: {  	v41 =	vld [tilespmem:s11+$0x6C70];
	[tilespmem:s11+$0xD030] =	vst v60;
	v36 =	vadd.s32 v5, v6;
	v40 =	vshll.u32 v18, $0x1;
	v46 =	vmul.u32 $0xA, v51  }
0x18a: {  	v48 =	vld [tilespmem:s11+$0x91F0];
	[tilespmem:s11+$0xC3B0] =	vst v1;
	v47 =	vmul.u32 $0x18, v55;
	v49 =	vadd.s32 v15, v43;
	v29 =	vadd.s32 v27, v8  }
0x18b: {  	v50 =	vshll.u32 v59, $0x2;
	v53 =	vshll.u32 v63, $0x1;
	[tilespmem:s11+$0xC3C0] =	vst v2;
	v35 =	vadd.s32 v44, v29;
	v44 =	vld [tilespmem:s11+$0x8570]  }
0x18c: {  	v17 =	vld [tilespmem:s11+$0x78E0];
	v55 =	vmul.u32 $0x5, v30;
	v31 =	vmul.u32 $0x78, v4;
	v37 =	vshll.u32 v13, $0x2;
	[tilespmem:s11+$0xB750] =	vst v36  }
0x18d: {  	v51 =	vld [tilespmem:s11+$0x9E70];
	[tilespmem:s11+$0xB760] =	vst v49;
	v39 =	vadd.s32 v33, v37;
	v0 =	vadd.s32 v45, v46;
	v52 =	vadd.s32 v47, v50  }
0x18e: {  	v54 =	vld [tilespmem:s11+$0x78F0];
	v57 =	vmul.u32 $0x78, v38;
	v59 =	vadd.s32 v34, v55;
	v1 =	vadd.s32 v31, v32;
	[tilespmem:s11+$0xD040] =	vst v35  }
0x18f: {  	v56 =	vld [tilespmem:s11+$0xAAF0];
	v42 =	vadd.s32 v40, v39;
	v58 =	vmul.u32 $0xA, v41;
	[tilespmem:s11+$0xB770] =	vst v59;
	v1 =	vadd.s32 v10, v1  }
0x190: {  	v60 =	vshll.u32 v48, $0x2;
	v2 =	vadd.s32 v19, v42;
	[tilespmem:s11+$0xC3D0] =	vst v1;
	v5 =	vmul.u32 $0x18, v44  }
.Ltmp5:
0x191: {  	v0 =	vadd.s32 v17, v0;
	[tilespmem:s11+$0xD050] =	vst v2;
	v1 =	vadd.s32 v53, v52;
	v61 =	vadd.s32 v57, v58;
	(pc) =	sbr.rel .LBB2_4-.Ltmp5, $4  }
0x192: {  	[tilespmem:s11+$0xC3E0] =	vst v0;
	v62 =	vshll.u32 v51, $0x1;
	v1 =	vadd.s32 v28, v1;
	v2 =	vadd.s32 v5, v60  }
0x193: {  	[tilespmem:s11+$0xD060] =	vst v1;
	v1 =	vadd.s32 v54, v61;
	v2 =	vadd.s32 v62, v2  }
0x194: {  	[tilespmem:s11+$0xC3F0] =	vst v1;
	v63 =	vadd.s32 v56, v2  }
0x195: {  	[tilespmem:s11+$0xD070] =	vst v63  }
.LBB2_6:
0x196: {  	_ =	sfence.sel $0x180000  }
0x197: {  	[bflag:$0x0] =	sbarrier.arrive $0xFFFF  }
0x198: {  	_ =	strace $0x90000047  }
0x199: {  	[bflag:$0x2] =	sbarrier.arrive $0xFFFF  }
0x19a: {  	p0 =	sne.s32 s0, $0x0;
	s0 =	rddreg [dreg:$0x5]  }
0x19b: {  	s0 =	sadd.s32 @!p0 $0x100000, s0  }
0x19c: {  	[sflag:s0] =	ssyncadd.tile.s32 @!p0 $0x1;
	_ =	shalt  }
.Lfunc_end2:
_tile_overlayer_lowered:
.L_overlay_start_2:
0x19d: {  	(tag) =	ssettag $0x2  }
0x19e: {  	s0 =	rddreg [dreg:$0x0];
	s2 =	stileid.u32  }
0x19f: {  	s1 =	rddreg [dreg:$0x1];
	p0 =	sne.s32 s2, $0x0  }
0x1a0: {  	s3 =	rddreg [dreg:$0x2];
	[bflag:$0x3] =	sbarrier.arrive $0xFFFF;
	s2 =	simm.s32 @!p0 $0x1C08  }
0x1a1: {  	[timem:s3], [sflag:s2] =	dma.local @!p0 [hbm:s0], s1  }
0x1a2: {  	s0 =	simm.s32 @!p0 $0x8  }
0x1a3: {  	_ =	swait.ge @!p0 [sflag:s0], s1  }
0x1a4: {  	s1 =	ssub.s32 @!p0 $0x0, s1;
	[sflag:s0] =	ssyncset.done @!p0 $0x0  }
0x1a5: {  	[sflag:s0] =	ssyncadd.s32 @!p0 s1  }
0x1a6: {  	[bflag:$0x3] =	sbarrier.arrive $0xFFFF  }
0x1a7: {  	_ =	shalt  }

</sc_bundles>
